<compile_context>
chip_gen: v7x
topology: tpu7x:2x2x1
jax: 0.10.2.dev20260603
libtpu: 0.0.44.dev20260713+nightly
codegen_flags: <defaults>
</compile_context>

<pallas_src>
import functools

import jax
import jax.numpy as jnp
from jax import lax
from jax.experimental import pallas as pl
from jax.experimental.pallas import tpu as pltpu
from jax.experimental.pallas import tpu_sc as plsc

GRID_N = 256
NPTS = 8192 * 128
NW = 32
PER_W = NPTS // NW
BC = 1024
NB = PER_W // BC
ROW = 128
NR = BC // ROW
L = 16
TABLE_W = 9 * 65536
ZERO_W = 8 * 65536
MAGIC = 12582912.0


def _pack_body(c_ref, out_ref):
    g = pl.program_id(0)
    x = c_ref[...].astype(jnp.int32)
    b = lax.broadcasted_iota(jnp.int32, (1, 32, 1, 1), 1)
    s = jnp.sum(x << b, axis=1)
    out_ref[...] = jnp.where(g < 8, s, 0)


def _pack(comb4d):
    return pl.pallas_call(
        _pack_body,
        grid=(9,),
        in_specs=[
            pl.BlockSpec((1, 32, GRID_N, GRID_N),
                         lambda g: (jnp.minimum(g, 7), 0, 0, 0)),
        ],
        out_specs=pl.BlockSpec((1, GRID_N, GRID_N), lambda g: (g, 0, 0)),
        out_shape=jax.ShapeDtypeStruct((9, GRID_N, GRID_N), jnp.int32),
    )(comb4d)


def _idx_body(p_ref, x_ref, o_ref):
    x = x_ref[0]
    y = x_ref[1]
    z = x_ref[2]
    fx = (x * p_ref[0] + p_ref[3] + MAGIC) - MAGIC
    fy = (y * p_ref[1] + p_ref[4] + MAGIC) - MAGIC
    fz = (z * p_ref[2] + p_ref[5] + MAGIC) - MAGIC
    ii = fx.astype(jnp.int32)
    jj = fy.astype(jnp.int32)
    kk = fz.astype(jnp.int32)
    oob = (ii | jj | kk) & -256
    w0 = ((ii & 224) << 11) | ((jj & 255) << 8) | (kk & 255)
    w = jnp.where(oob == 0, w0, (w0 & 65535) | ZERO_W)
    o_ref[...] = w | ((ii & 31) << 20)


def _idx(xflat3, params):
    return pl.pallas_call(
        _idx_body,
        grid=(8,),
        in_specs=[
            pl.BlockSpec(memory_space=pltpu.SMEM),
            pl.BlockSpec((3, 1024, 128), lambda g: (0, g, 0)),
        ],
        out_specs=pl.BlockSpec((1024, 128), lambda g: (g, 0)),
        out_shape=jax.ShapeDtypeStruct((8192, 128), jnp.int32),
    )(params, xflat3)


def _sc_body(idx_hbm, table_hbm, out_hbm, vv, wv, av, gv, ov, tsh,
             insem, gsem):
    sid = lax.axis_index("s")
    wid = sid * 2 + lax.axis_index("c")
    base_pt = wid * PER_W

    TW = TABLE_W // 16
    pltpu.sync_copy(table_hbm.at[pl.ds(sid * TW, TW)],
                    tsh.at[pl.ds(sid * TW, TW)])
    plsc.subcore_barrier()

    pltpu.async_copy(idx_hbm.at[pl.ds(base_pt, BC)], vv, insem)

    def block_body(t, carry):
        pt0 = base_pt + t * BC
        pltpu.make_async_copy(idx_hbm.at[pl.ds(0, BC)], vv, insem).wait()

        for r in range(NR):
            for gg in range(ROW // L):
                off = r * ROW + gg * L
                v = vv[pl.ds(off, L)]
                wv[pl.ds(off, L)] = v & 1048575
                av[pl.ds(off, L)] = lax.shift_right_logical(v, 20)
            pltpu.async_copy(tsh.at[wv.at[pl.ds(r * ROW, ROW)]],
                             gv.at[pl.ds(r * ROW, ROW)], gsem)

        ptn = base_pt + lax.rem(t + 1, NB) * BC
        pltpu.async_copy(idx_hbm.at[pl.ds(ptn, BC)], vv, insem)

        pltpu.make_async_copy(table_hbm.at[pl.ds(0, BC)], gv, gsem).wait()

        for g in range(BC // L):
            w = gv[pl.ds(g * L, L)]
            a = av[pl.ds(g * L, L)]
            ov[pl.ds(g * L, L)] = lax.shift_right_logical(w, a) & 1

        pltpu.sync_copy(ov, out_hbm.at[pl.ds(pt0, BC)])
        return carry

    lax.fori_loop(0, NB, block_body, 0)
    pltpu.make_async_copy(idx_hbm.at[pl.ds(0, BC)], vv, insem).wait()


@functools.partial(
    pl.kernel,
    out_type=jax.ShapeDtypeStruct((NPTS,), jnp.int32),
    mesh=plsc.VectorSubcoreMesh(core_axis_name="c", subcore_axis_name="s"),
    compiler_params=pltpu.CompilerParams(needs_layout_passes=False),
    scratch_types=[
        pltpu.VMEM((BC,), jnp.int32),
        pltpu.VMEM((BC,), jnp.int32),
        pltpu.VMEM((BC,), jnp.int32),
        pltpu.VMEM((BC,), jnp.int32),
        pltpu.VMEM((BC,), jnp.int32),
        pltpu.VMEM_SHARED((TABLE_W,), jnp.int32),
        pltpu.SemaphoreType.DMA,
        pltpu.SemaphoreType.DMA,
    ],
)
def _lookup(idx_hbm, table_hbm, out_hbm, *scratch):
    _sc_body(idx_hbm, table_hbm, out_hbm, *scratch)


def kernel(xyz, mask, bound_mask, xyz2ijk_scale, xyz2ijk_shift):
    shape = xyz.shape[:-1]
    comb_u8 = jnp.logical_and(mask, bound_mask).astype(jnp.uint8)
    packed = _pack(comb_u8.reshape(8, 32, GRID_N, GRID_N)).reshape(-1)
    xflat3 = jnp.transpose(xyz, (2, 0, 1))
    params = jnp.concatenate([
        xyz2ijk_scale.astype(jnp.float32),
        xyz2ijk_shift.astype(jnp.float32),
    ])
    idx = _idx(xflat3, params).reshape(-1)
    flat = _lookup(idx, packed)
    return flat.astype(jnp.bool_).reshape(shape)

# --- scband reference (transcript-rebuilt; emitter-appended) ---
"""Pipeline reference for scband-mask-grid-33938831573253 (READ-ONLY COPY).

The authoritative reference and input builder live on the scoring server;
editing this copy changes nothing except your own understanding.
"""

import jax, jax.numpy as jnp
import numpy as np

GRID = (256, 256, 256)
XYZ_MIN = np.array([-1.0, -1.0, -1.0], dtype=np.float32)
XYZ_MAX = np.array([1.0, 1.0, 1.0], dtype=np.float32)
BOUND_RADIUS = 1.0


def setup_inputs(seed: int = 0):
    key = jax.random.key(seed)
    k1, k2 = jax.random.split(key)
    # query points, slightly beyond the bbox so bounds-check path is exercised
    xyz = jax.random.uniform(k1, (8192, 128, 3), dtype=jnp.float32, minval=-1.1, maxval=1.1)
    # learned/precomputed occupancy mask (bool voxel grid)
    mask = jax.random.bernoulli(k2, 0.5, GRID)
    # bound_mask computed at __init__ from bound_radius
    gx = jnp.linspace(XYZ_MIN[0], XYZ_MAX[0], GRID[0])
    gy = jnp.linspace(XYZ_MIN[1], XYZ_MAX[1], GRID[1])
    gz = jnp.linspace(XYZ_MIN[2], XYZ_MAX[2], GRID[2])
    grid_xyz = jnp.stack(jnp.meshgrid(gx, gy, gz, indexing='ij'), axis=-1)
    bbox_scale = 1.0 + 1.0 / jnp.array(GRID, dtype=jnp.float32)
    d = jnp.sum((grid_xyz * bbox_scale) ** 2, axis=-1)
    bound_mask = d <= BOUND_RADIUS
    xyz_len = jnp.asarray(XYZ_MAX - XYZ_MIN)
    xyz2ijk_scale = (jnp.array(GRID, dtype=jnp.float32) - 1.0) / xyz_len
    xyz2ijk_shift = -jnp.asarray(XYZ_MIN) * xyz2ijk_scale
    return {
        'xyz': xyz,
        'mask': mask,
        'bound_mask': bound_mask,
        'xyz2ijk_scale': xyz2ijk_scale,
        'xyz2ijk_shift': xyz2ijk_shift,
    }


def reference(xyz, mask, bound_mask, xyz2ijk_scale, xyz2ijk_shift):
    # Faithful translation of render_utils_cuda.maskcache_lookup:
    # nearest-voxel lookup with out-of-bounds -> False
    shape = xyz.shape[:-1]
    pts = xyz.reshape(-1, 3)
    ijk = jnp.round(pts * xyz2ijk_scale + xyz2ijk_shift).astype(jnp.int32)
    dims = jnp.array(mask.shape, dtype=jnp.int32)
    in_bounds = jnp.all((ijk >= 0) & (ijk < dims), axis=-1)
    ijk_c = jnp.clip(ijk, 0, dims - 1)
    combined = mask & bound_mask
    vals = combined[ijk_c[:, 0], ijk_c[:, 1], ijk_c[:, 2]]
    out = vals & in_bounds
    return out.reshape(shape)

if __name__ == "__main__":
    import jax
    _d = setup_inputs()
    print(jax.jit(kernel)(*tuple(_d.values())))

</pallas_src>

<mosaic_0001>
#map = affine_map<(d0, d1) -> (0)>
module attributes {stable_mosaic.version = 14 : i64} {
  func.func @_lookup(%arg0: i32, %arg1: i32, %arg2: memref<1048576xi32, #tpu.memory_space<hbm>>, %arg3: memref<589824xi32, #tpu.memory_space<hbm>>, %arg4: memref<1048576xi32, #tpu.memory_space<hbm>>, %arg5: memref<1024xi32, #tpu.memory_space<vmem>>, %arg6: memref<1024xi32, #tpu.memory_space<vmem>>, %arg7: memref<1024xi32, #tpu.memory_space<vmem>>, %arg8: memref<1024xi32, #tpu.memory_space<vmem>>, %arg9: memref<1024xi32, #tpu.memory_space<vmem>>, %arg10: memref<589824xi32, #tpu.memory_space<vmem_shared>>, %arg11: memref<!tpu.dma_semaphore, #tpu.memory_space<semaphore_mem>>, %arg12: memref<!tpu.dma_semaphore, #tpu.memory_space<semaphore_mem>>) attributes {dimension_semantics = [#tpu.dimension_semantics<core_parallel>, #tpu.dimension_semantics<subcore_parallel>], iteration_bounds = array<i64: 2, 16>, scalar_prefetch = 0 : i64, scratch_operands = 8 : i64, tpu.core_type = #tpu.core_type<sc_vector_subcore>, window_params = [{transform_indices = #map}, {transform_indices = #map}, {transform_indices = #map}]} {
    %mul3A = arith.constant 2 : i32
    %mul3A_0 = arith.muli %arg1, %mul3A : i32
    %add3A = arith.addi %mul3A_0, %arg0 : i32
    %mul3A_1 = arith.constant 32768 : i32
    %mul3A_2 = arith.muli %add3A, %mul3A_1 : i32
    %mul3A_3 = arith.constant 36864 : i32
    %mul3A_4 = arith.muli %arg1, %mul3A_3 : i32
    %mul3A_5 = arith.constant 36864 : i32
    %mul3A_6 = arith.muli %arg1, %mul3A_5 : i32
    "tpu.region"() ({
      %run_scoped3A = tpu.sem_alloc : memref<!tpu.dma_semaphore, #tpu.memory_space<semaphore_mem>>
      %dma_start3A_16 = tpu.memref_slice %arg10[%mul3A_6] : memref<589824xi32, #tpu.memory_space<vmem_shared>> -> memref<36864xi32, #tpu.memory_space<vmem_shared>>
      %dma_start3A_17 = tpu.memref_slice %arg3[%mul3A_4] : memref<589824xi32, #tpu.memory_space<hbm>> -> memref<36864xi32, #tpu.memory_space<hbm>>
      tpu.enqueue_dma source(%dma_start3A_17 : memref<36864xi32, #tpu.memory_space<hbm>>) target(%dma_start3A_16 : memref<36864xi32, #tpu.memory_space<vmem_shared>>) target_semaphore(%run_scoped3A : memref<!tpu.dma_semaphore, #tpu.memory_space<semaphore_mem>>)
      %dma_wait3A_18 = tpu.memref_slice %arg10[%mul3A_6] : memref<589824xi32, #tpu.memory_space<vmem_shared>> -> memref<36864xi32, #tpu.memory_space<vmem_shared>>
      %dma_wait3A_19 = tpu.memref_slice %arg3[%mul3A_4] : memref<589824xi32, #tpu.memory_space<hbm>> -> memref<36864xi32, #tpu.memory_space<hbm>>
      tpu.wait_dma2 semaphore(%run_scoped3A : memref<!tpu.dma_semaphore, #tpu.memory_space<semaphore_mem>>) src(%dma_wait3A_19 : memref<36864xi32, #tpu.memory_space<hbm>>) dst(%dma_wait3A_18 : memref<36864xi32, #tpu.memory_space<vmem_shared>>)
      tpu.yield
    }) : () -> ()
    %barrier3A = arith.constant 0 : index
    tpu.barrier barrier_id(%barrier3A)
    %dma_start3A = tpu.memref_slice %arg2[%mul3A_2] : memref<1048576xi32, #tpu.memory_space<hbm>> -> memref<1024xi32, #tpu.memory_space<hbm>>
    %dma_start3A_7 = tpu.memref_slice %arg2[%mul3A_2] : memref<1048576xi32, #tpu.memory_space<hbm>> -> memref<1024xi32, #tpu.memory_space<hbm>>
    tpu.enqueue_dma source(%dma_start3A_7 : memref<1024xi32, #tpu.memory_space<hbm>>) target(%arg5 : memref<1024xi32, #tpu.memory_space<vmem>>) target_semaphore(%arg11 : memref<!tpu.dma_semaphore, #tpu.memory_space<semaphore_mem>>)
    %scan3A = arith.constant 0 : i32
    %scan3A_8 = arith.constant 0 : i32
    %scan3A_9 = arith.constant 32 : i32
    %scan3A_10 = arith.addi %scan3A_8, %scan3A_9 : i32
    %scan3A_11 = arith.constant 1 : i32
    scf.for %scan3A_16 = %scan3A_8 to %scan3A_10 step %scan3A_11  : i32 {
      %mul3A_17 = arith.constant 1024 : i32
      %mul3A_18 = arith.muli %scan3A_16, %mul3A_17 : i32
      %add3A_19 = arith.addi %mul3A_2, %mul3A_18 : i32
      %dma_wait3A_20 = arith.constant 0 : i32
      %dma_wait3A_21 = tpu.memref_slice %arg2[%dma_wait3A_20] : memref<1048576xi32, #tpu.memory_space<hbm>> -> memref<1024xi32, #tpu.memory_space<hbm>>
      %dma_wait3A_22 = arith.constant 0 : i32
      %dma_wait3A_23 = tpu.memref_slice %arg2[%dma_wait3A_22] : memref<1048576xi32, #tpu.memory_space<hbm>> -> memref<1024xi32, #tpu.memory_space<hbm>>
      tpu.wait_dma2 semaphore(%arg11 : memref<!tpu.dma_semaphore, #tpu.memory_space<semaphore_mem>>) src(%dma_wait3A_23 : memref<1024xi32, #tpu.memory_space<hbm>>) dst(%arg5 : memref<1024xi32, #tpu.memory_space<vmem>>)
      %get3A = arith.constant 0 : index
      %get3A_24 = tpu.vector_load %arg5[%get3A] {strides = array<i32>} : memref<1024xi32, #tpu.memory_space<vmem>>, vector<16xi32>,
      %and3A = arith.constant 1048575 : i32
      %and3A_25 = vector.broadcast %and3A : i32 to vector<16xi32>
      %and3A_26 = arith.andi %get3A_24, %and3A_25 : vector<16xi32>
      %swap3A = arith.constant 0 : index
      %swap3A_27 = tpu.vector_load %arg6[%swap3A] {strides = array<i32>} : memref<1024xi32, #tpu.memory_space<vmem>>, vector<16xi32>,
      tpu.vector_store %arg6[%swap3A], %and3A_26 {strides = array<i32>} : memref<1024xi32, #tpu.memory_space<vmem>>, vector<16xi32>,
      %shift_right_logical3A = arith.constant 20 : i32
      %shift_right_logical3A_28 = vector.broadcast %shift_right_logical3A : i32 to vector<16xi32>
      %shift_right_logical3A_29 = arith.shrui %get3A_24, %shift_right_logical3A_28 : vector<16xi32>
      %swap3A_30 = arith.constant 0 : index
      %swap3A_31 = tpu.vector_load %arg7[%swap3A_30] {strides = array<i32>} : memref<1024xi32, #tpu.memory_space<vmem>>, vector<16xi32>,
      tpu.vector_store %arg7[%swap3A_30], %shift_right_logical3A_29 {strides = array<i32>} : memref<1024xi32, #tpu.memory_space<vmem>>, vector<16xi32>,
      %get3A_32 = arith.constant 16 : index
      %get3A_33 = tpu.vector_load %arg5[%get3A_32] {strides = array<i32>} : memref<1024xi32, #tpu.memory_space<vmem>>, vector<16xi32>,
      %and3A_34 = arith.constant 1048575 : i32
      %and3A_35 = vector.broadcast %and3A_34 : i32 to vector<16xi32>
      %and3A_36 = arith.andi %get3A_33, %and3A_35 : vector<16xi32>
      %swap3A_37 = arith.constant 16 : index
      %swap3A_38 = tpu.vector_load %arg6[%swap3A_37] {strides = array<i32>} : memref<1024xi32, #tpu.memory_space<vmem>>, vector<16xi32>,
      tpu.vector_store %arg6[%swap3A_37], %and3A_36 {strides = array<i32>} : memref<1024xi32, #tpu.memory_space<vmem>>, vector<16xi32>,
      %shift_right_logical3A_39 = arith.constant 20 : i32
      %shift_right_logical3A_40 = vector.broadcast %shift_right_logical3A_39 : i32 to vector<16xi32>
      %shift_right_logical3A_41 = arith.shrui %get3A_33, %shift_right_logical3A_40 : vector<16xi32>
      %swap3A_42 = arith.constant 16 : index
      %swap3A_43 = tpu.vector_load %arg7[%swap3A_42] {strides = array<i32>} : memref<1024xi32, #tpu.memory_space<vmem>>, vector<16xi32>,
      tpu.vector_store %arg7[%swap3A_42], %shift_right_logical3A_41 {strides = array<i32>} : memref<1024xi32, #tpu.memory_space<vmem>>, vector<16xi32>,
      %get3A_44 = arith.constant 32 : index
      %get3A_45 = tpu.vector_load %arg5[%get3A_44] {strides = array<i32>} : memref<1024xi32, #tpu.memory_space<vmem>>, vector<16xi32>,
      %and3A_46 = arith.constant 1048575 : i32
      %and3A_47 = vector.broadcast %and3A_46 : i32 to vector<16xi32>
      %and3A_48 = arith.andi %get3A_45, %and3A_47 : vector<16xi32>
      %swap3A_49 = arith.constant 32 : index
      %swap3A_50 = tpu.vector_load %arg6[%swap3A_49] {strides = array<i32>} : memref<1024xi32, #tpu.memory_space<vmem>>, vector<16xi32>,
      tpu.vector_store %arg6[%swap3A_49], %and3A_48 {strides = array<i32>} : memref<1024xi32, #tpu.memory_space<vmem>>, vector<16xi32>,
      %shift_right_logical3A_51 = arith.constant 20 : i32
      %shift_right_logical3A_52 = vector.broadcast %shift_right_logical3A_51 : i32 to vector<16xi32>
      %shift_right_logical3A_53 = arith.shrui %get3A_45, %shift_right_logical3A_52 : vector<16xi32>
      %swap3A_54 = arith.constant 32 : index
      %swap3A_55 = tpu.vector_load %arg7[%swap3A_54] {strides = array<i32>} : memref<1024xi32, #tpu.memory_space<vmem>>, vector<16xi32>,
      tpu.vector_store %arg7[%swap3A_54], %shift_right_logical3A_53 {strides = array<i32>} : memref<1024xi32, #tpu.memory_space<vmem>>, vector<16xi32>,
      %get3A_56 = arith.constant 48 : index
      %get3A_57 = tpu.vector_load %arg5[%get3A_56] {strides = array<i32>} : memref<1024xi32, #tpu.memory_space<vmem>>, vector<16xi32>,
      %and3A_58 = arith.constant 1048575 : i32
      %and3A_59 = vector.broadcast %and3A_58 : i32 to vector<16xi32>
      %and3A_60 = arith.andi %get3A_57, %and3A_59 : vector<16xi32>
      %swap3A_61 = arith.constant 48 : index
      %swap3A_62 = tpu.vector_load %arg6[%swap3A_61] {strides = array<i32>} : memref<1024xi32, #tpu.memory_space<vmem>>, vector<16xi32>,
      tpu.vector_store %arg6[%swap3A_61], %and3A_60 {strides = array<i32>} : memref<1024xi32, #tpu.memory_space<vmem>>, vector<16xi32>,
      %shift_right_logical3A_63 = arith.constant 20 : i32
      %shift_right_logical3A_64 = vector.broadcast %shift_right_logical3A_63 : i32 to vector<16xi32>
      %shift_right_logical3A_65 = arith.shrui %get3A_57, %shift_right_logical3A_64 : vector<16xi32>
      %swap3A_66 = arith.constant 48 : index
      %swap3A_67 = tpu.vector_load %arg7[%swap3A_66] {strides = array<i32>} : memref<1024xi32, #tpu.memory_space<vmem>>, vector<16xi32>,
      tpu.vector_store %arg7[%swap3A_66], %shift_right_logical3A_65 {strides = array<i32>} : memref<1024xi32, #tpu.memory_space<vmem>>, vector<16xi32>,
      %get3A_68 = arith.constant 64 : index
      %get3A_69 = tpu.vector_load %arg5[%get3A_68] {strides = array<i32>} : memref<1024xi32, #tpu.memory_space<vmem>>, vector<16xi32>,
      %and3A_70 = arith.constant 1048575 : i32
      %and3A_71 = vector.broadcast %and3A_70 : i32 to vector<16xi32>
      %and3A_72 = arith.andi %get3A_69, %and3A_71 : vector<16xi32>
      %swap3A_73 = arith.constant 64 : index
      %swap3A_74 = tpu.vector_load %arg6[%swap3A_73] {strides = array<i32>} : memref<1024xi32, #tpu.memory_space<vmem>>, vector<16xi32>,
      tpu.vector_store %arg6[%swap3A_73], %and3A_72 {strides = array<i32>} : memref<1024xi32, #tpu.memory_space<vmem>>, vector<16xi32>,
      %shift_right_logical3A_75 = arith.constant 20 : i32
      %shift_right_logical3A_76 = vector.broadcast %shift_right_logical3A_75 : i32 to vector<16xi32>
      %shift_right_logical3A_77 = arith.shrui %get3A_69, %shift_right_logical3A_76 : vector<16xi32>
      %swap3A_78 = arith.constant 64 : index
      %swap3A_79 = tpu.vector_load %arg7[%swap3A_78] {strides = array<i32>} : memref<1024xi32, #tpu.memory_space<vmem>>, vector<16xi32>,
      tpu.vector_store %arg7[%swap3A_78], %shift_right_logical3A_77 {strides = array<i32>} : memref<1024xi32, #tpu.memory_space<vmem>>, vector<16xi32>,
      %get3A_80 = arith.constant 80 : index
      %get3A_81 = tpu.vector_load %arg5[%get3A_80] {strides = array<i32>} : memref<1024xi32, #tpu.memory_space<vmem>>, vector<16xi32>,
      %and3A_82 = arith.constant 1048575 : i32
      %and3A_83 = vector.broadcast %and3A_82 : i32 to vector<16xi32>
      %and3A_84 = arith.andi %get3A_81, %and3A_83 : vector<16xi32>
      %swap3A_85 = arith.constant 80 : index
      %swap3A_86 = tpu.vector_load %arg6[%swap3A_85] {strides = array<i32>} : memref<1024xi32, #tpu.memory_space<vmem>>, vector<16xi32>,
      tpu.vector_store %arg6[%swap3A_85], %and3A_84 {strides = array<i32>} : memref<1024xi32, #tpu.memory_space<vmem>>, vector<16xi32>,
      %shift_right_logical3A_87 = arith.constant 20 : i32
      %shift_right_logical3A_88 = vector.broadcast %shift_right_logical3A_87 : i32 to vector<16xi32>
      %shift_right_logical3A_89 = arith.shrui %get3A_81, %shift_right_logical3A_88 : vector<16xi32>
      %swap3A_90 = arith.constant 80 : index
      %swap3A_91 = tpu.vector_load %arg7[%swap3A_90] {strides = array<i32>} : memref<1024xi32, #tpu.memory_space<vmem>>, vector<16xi32>,
      tpu.vector_store %arg7[%swap3A_90], %shift_right_logical3A_89 {strides = array<i32>} : memref<1024xi32, #tpu.memory_space<vmem>>, vector<16xi32>,
      %get3A_92 = arith.constant 96 : index
      %get3A_93 = tpu.vector_load %arg5[%get3A_92] {strides = array<i32>} : memref<1024xi32, #tpu.memory_space<vmem>>, vector<16xi32>,
      %and3A_94 = arith.constant 1048575 : i32
      %and3A_95 = vector.broadcast %and3A_94 : i32 to vector<16xi32>
      %and3A_96 = arith.andi %get3A_93, %and3A_95 : vector<16xi32>
      %swap3A_97 = arith.constant 96 : index
      %swap3A_98 = tpu.vector_load %arg6[%swap3A_97] {strides = array<i32>} : memref<1024xi32, #tpu.memory_space<vmem>>, vector<16xi32>,
      tpu.vector_store %arg6[%swap3A_97], %and3A_96 {strides = array<i32>} : memref<1024xi32, #tpu.memory_space<vmem>>, vector<16xi32>,
      %shift_right_logical3A_99 = arith.constant 20 : i32
      %shift_right_logical3A_100 = vector.broadcast %shift_right_logical3A_99 : i32 to vector<16xi32>
      %shift_right_logical3A_101 = arith.shrui %get3A_93, %shift_right_logical3A_100 : vector<16xi32>
      %swap3A_102 = arith.constant 96 : index
      %swap3A_103 = tpu.vector_load %arg7[%swap3A_102] {strides = array<i32>} : memref<1024xi32, #tpu.memory_space<vmem>>, vector<16xi32>,
      tpu.vector_store %arg7[%swap3A_102], %shift_right_logical3A_101 {strides = array<i32>} : memref<1024xi32, #tpu.memory_space<vmem>>, vector<16xi32>,
      %get3A_104 = arith.constant 112 : index
      %get3A_105 = tpu.vector_load %arg5[%get3A_104] {strides = array<i32>} : memref<1024xi32, #tpu.memory_space<vmem>>, vector<16xi32>,
      %and3A_106 = arith.constant 1048575 : i32
      %and3A_107 = vector.broadcast %and3A_106 : i32 to vector<16xi32>
      %and3A_108 = arith.andi %get3A_105, %and3A_107 : vector<16xi32>
      %swap3A_109 = arith.constant 112 : index
      %swap3A_110 = tpu.vector_load %arg6[%swap3A_109] {strides = array<i32>} : memref<1024xi32, #tpu.memory_space<vmem>>, vector<16xi32>,
      tpu.vector_store %arg6[%swap3A_109], %and3A_108 {strides = array<i32>} : memref<1024xi32, #tpu.memory_space<vmem>>, vector<16xi32>,
      %shift_right_logical3A_111 = arith.constant 20 : i32
      %shift_right_logical3A_112 = vector.broadcast %shift_right_logical3A_111 : i32 to vector<16xi32>
      %shift_right_logical3A_113 = arith.shrui %get3A_105, %shift_right_logical3A_112 : vector<16xi32>
      %swap3A_114 = arith.constant 112 : index
      %swap3A_115 = tpu.vector_load %arg7[%swap3A_114] {strides = array<i32>} : memref<1024xi32, #tpu.memory_space<vmem>>, vector<16xi32>,
      tpu.vector_store %arg7[%swap3A_114], %shift_right_logical3A_113 {strides = array<i32>} : memref<1024xi32, #tpu.memory_space<vmem>>, vector<16xi32>,
      %dma_start3A_116 = arith.constant 0 : i32
      %dma_start3A_117 = tpu.memref_slice %arg8[%dma_start3A_116] : memref<1024xi32, #tpu.memory_space<vmem>> -> memref<128xi32, #tpu.memory_space<vmem>>
      %dma_start3A_118 = arith.constant 0 : i32
      %dma_start3A_119 = tpu.memref_slice %arg6[%dma_start3A_118] : memref<1024xi32, #tpu.memory_space<vmem>> -> memref<128xi32, #tpu.memory_space<vmem>>
      %dma_start3A_120 = arith.constant 0 : i32
      %dma_start3A_121 = tpu.memref_slice %arg10[%dma_start3A_120] : memref<589824xi32, #tpu.memory_space<vmem_shared>> -> memref<589824xi32, #tpu.memory_space<vmem_shared>>
      tpu.enqueue_indirect_dma source(%dma_start3A_121 : memref<589824xi32, #tpu.memory_space<vmem_shared>>) target(%dma_start3A_117 : memref<128xi32, #tpu.memory_space<vmem>>) offsets(%dma_start3A_119 : memref<128xi32, #tpu.memory_space<vmem>>) semaphore(%arg12 : memref<!tpu.dma_semaphore, #tpu.memory_space<semaphore_mem>>)
      %get3A_122 = arith.constant 128 : index
      %get3A_123 = tpu.vector_load %arg5[%get3A_122] {strides = array<i32>} : memref<1024xi32, #tpu.memory_space<vmem>>, vector<16xi32>,
      %and3A_124 = arith.constant 1048575 : i32
      %and3A_125 = vector.broadcast %and3A_124 : i32 to vector<16xi32>
      %and3A_126 = arith.andi %get3A_123, %and3A_125 : vector<16xi32>
      %swap3A_127 = arith.constant 128 : index
      %swap3A_128 = tpu.vector_load %arg6[%swap3A_127] {strides = array<i32>} : memref<1024xi32, #tpu.memory_space<vmem>>, vector<16xi32>,
      tpu.vector_store %arg6[%swap3A_127], %and3A_126 {strides = array<i32>} : memref<1024xi32, #tpu.memory_space<vmem>>, vector<16xi32>,
      %shift_right_logical3A_129 = arith.constant 20 : i32
      %shift_right_logical3A_130 = vector.broadcast %shift_right_logical3A_129 : i32 to vector<16xi32>
      %shift_right_logical3A_131 = arith.shrui %get3A_123, %shift_right_logical3A_130 : vector<16xi32>
      %swap3A_132 = arith.constant 128 : index
      %swap3A_133 = tpu.vector_load %arg7[%swap3A_132] {strides = array<i32>} : memref<1024xi32, #tpu.memory_space<vmem>>, vector<16xi32>,
      tpu.vector_store %arg7[%swap3A_132], %shift_right_logical3A_131 {strides = array<i32>} : memref<1024xi32, #tpu.memory_space<vmem>>, vector<16xi32>,
      %get3A_134 = arith.constant 144 : index
      %get3A_135 = tpu.vector_load %arg5[%get3A_134] {strides = array<i32>} : memref<1024xi32, #tpu.memory_space<vmem>>, vector<16xi32>,
      %and3A_136 = arith.constant 1048575 : i32
      %and3A_137 = vector.broadcast %and3A_136 : i32 to vector<16xi32>
      %and3A_138 = arith.andi %get3A_135, %and3A_137 : vector<16xi32>
      %swap3A_139 = arith.constant 144 : index
      %swap3A_140 = tpu.vector_load %arg6[%swap3A_139] {strides = array<i32>} : memref<1024xi32, #tpu.memory_space<vmem>>, vector<16xi32>,
      tpu.vector_store %arg6[%swap3A_139], %and3A_138 {strides = array<i32>} : memref<1024xi32, #tpu.memory_space<vmem>>, vector<16xi32>,
      %shift_right_logical3A_141 = arith.constant 20 : i32
      %shift_right_logical3A_142 = vector.broadcast %shift_right_logical3A_141 : i32 to vector<16xi32>
      %shift_right_logical3A_143 = arith.shrui %get3A_135, %shift_right_logical3A_142 : vector<16xi32>
      %swap3A_144 = arith.constant 144 : index
      %swap3A_145 = tpu.vector_load %arg7[%swap3A_144] {strides = array<i32>} : memref<1024xi32, #tpu.memory_space<vmem>>, vector<16xi32>,
      tpu.vector_store %arg7[%swap3A_144], %shift_right_logical3A_143 {strides = array<i32>} : memref<1024xi32, #tpu.memory_space<vmem>>, vector<16xi32>,
      %get3A_146 = arith.constant 160 : index
      %get3A_147 = tpu.vector_load %arg5[%get3A_146] {strides = array<i32>} : memref<1024xi32, #tpu.memory_space<vmem>>, vector<16xi32>,
      %and3A_148 = arith.constant 1048575 : i32
      %and3A_149 = vector.broadcast %and3A_148 : i32 to vector<16xi32>
      %and3A_150 = arith.andi %get3A_147, %and3A_149 : vector<16xi32>
      %swap3A_151 = arith.constant 160 : index
      %swap3A_152 = tpu.vector_load %arg6[%swap3A_151] {strides = array<i32>} : memref<1024xi32, #tpu.memory_space<vmem>>, vector<16xi32>,
      tpu.vector_store %arg6[%swap3A_151], %and3A_150 {strides = array<i32>} : memref<1024xi32, #tpu.memory_space<vmem>>, vector<16xi32>,
      %shift_right_logical3A_153 = arith.constant 20 : i32
      %shift_right_logical3A_154 = vector.broadcast %shift_right_logical3A_153 : i32 to vector<16xi32>
      %shift_right_logical3A_155 = arith.shrui %get3A_147, %shift_right_logical3A_154 : vector<16xi32>
      %swap3A_156 = arith.constant 160 : index
      %swap3A_157 = tpu.vector_load %arg7[%swap3A_156] {strides = array<i32>} : memref<1024xi32, #tpu.memory_space<vmem>>, vector<16xi32>,
      tpu.vector_store %arg7[%swap3A_156], %shift_right_logical3A_155 {strides = array<i32>} : memref<1024xi32, #tpu.memory_space<vmem>>, vector<16xi32>,
      %get3A_158 = arith.constant 176 : index
      %get3A_159 = tpu.vector_load %arg5[%get3A_158] {strides = array<i32>} : memref<1024xi32, #tpu.memory_space<vmem>>, vector<16xi32>,
      %and3A_160 = arith.constant 1048575 : i32
      %and3A_161 = vector.broadcast %and3A_160 : i32 to vector<16xi32>
      %and3A_162 = arith.andi %get3A_159, %and3A_161 : vector<16xi32>
      %swap3A_163 = arith.constant 176 : index
      %swap3A_164 = tpu.vector_load %arg6[%swap3A_163] {strides = array<i32>} : memref<1024xi32, #tpu.memory_space<vmem>>, vector<16xi32>,
      tpu.vector_store %arg6[%swap3A_163], %and3A_162 {strides = array<i32>} : memref<1024xi32, #tpu.memory_space<vmem>>, vector<16xi32>,
      %shift_right_logical3A_165 = arith.constant 20 : i32
      %shift_right_logical3A_166 = vector.broadcast %shift_right_logical3A_165 : i32 to vector<16xi32>
      %shift_right_logical3A_167 = arith.shrui %get3A_159, %shift_right_logical3A_166 : vector<16xi32>
      %swap3A_168 = arith.constant 176 : index
      %swap3A_169 = tpu.vector_load %arg7[%swap3A_168] {strides = array<i32>} : memref<1024xi32, #tpu.memory_space<vmem>>, vector<16xi32>,
      tpu.vector_store %arg7[%swap3A_168], %shift_right_logical3A_167 {strides = array<i32>} : memref<1024xi32, #tpu.memory_space<vmem>>, vector<16xi32>,
      %get3A_170 = arith.constant 192 : index
      %get3A_171 = tpu.vector_load %arg5[%get3A_170] {strides = array<i32>} : memref<1024xi32, #tpu.memory_space<vmem>>, vector<16xi32>,
      %and3A_172 = arith.constant 1048575 : i32
      %and3A_173 = vector.broadcast %and3A_172 : i32 to vector<16xi32>
      %and3A_174 = arith.andi %get3A_171, %and3A_173 : vector<16xi32>
      %swap3A_175 = arith.constant 192 : index
      %swap3A_176 = tpu.vector_load %arg6[%swap3A_175] {strides = array<i32>} : memref<1024xi32, #tpu.memory_space<vmem>>, vector<16xi32>,
      tpu.vector_store %arg6[%swap3A_175], %and3A_174 {strides = array<i32>} : memref<1024xi32, #tpu.memory_space<vmem>>, vector<16xi32>,
      %shift_right_logical3A_177 = arith.constant 20 : i32
      %shift_right_logical3A_178 = vector.broadcast %shift_right_logical3A_177 : i32 to vector<16xi32>
      %shift_right_logical3A_179 = arith.shrui %get3A_171, %shift_right_logical3A_178 : vector<16xi32>
      %swap3A_180 = arith.constant 192 : index
      %swap3A_181 = tpu.vector_load %arg7[%swap3A_180] {strides = array<i32>} : memref<1024xi32, #tpu.memory_space<vmem>>, vector<16xi32>,
      tpu.vector_store %arg7[%swap3A_180], %shift_right_logical3A_179 {strides = array<i32>} : memref<1024xi32, #tpu.memory_space<vmem>>, vector<16xi32>,
      %get3A_182 = arith.constant 208 : index
      %get3A_183 = tpu.vector_load %arg5[%get3A_182] {strides = array<i32>} : memref<1024xi32, #tpu.memory_space<vmem>>, vector<16xi32>,
      %and3A_184 = arith.constant 1048575 : i32
      %and3A_185 = vector.broadcast %and3A_184 : i32 to vector<16xi32>
      %and3A_186 = arith.andi %get3A_183, %and3A_185 : vector<16xi32>
      %swap3A_187 = arith.constant 208 : index
      %swap3A_188 = tpu.vector_load %arg6[%swap3A_187] {strides = array<i32>} : memref<1024xi32, #tpu.memory_space<vmem>>, vector<16xi32>,
      tpu.vector_store %arg6[%swap3A_187], %and3A_186 {strides = array<i32>} : memref<1024xi32, #tpu.memory_space<vmem>>, vector<16xi32>,
      %shift_right_logical3A_189 = arith.constant 20 : i32
      %shift_right_logical3A_190 = vector.broadcast %shift_right_logical3A_189 : i32 to vector<16xi32>
      %shift_right_logical3A_191 = arith.shrui %get3A_183, %shift_right_logical3A_190 : vector<16xi32>
      %swap3A_192 = arith.constant 208 : index
      %swap3A_193 = tpu.vector_load %arg7[%swap3A_192] {strides = array<i32>} : memref<1024xi32, #tpu.memory_space<vmem>>, vector<16xi32>,
      tpu.vector_store %arg7[%swap3A_192], %shift_right_logical3A_191 {strides = array<i32>} : memref<1024xi32, #tpu.memory_space<vmem>>, vector<16xi32>,
      %get3A_194 = arith.constant 224 : index
      %get3A_195 = tpu.vector_load %arg5[%get3A_194] {strides = array<i32>} : memref<1024xi32, #tpu.memory_space<vmem>>, vector<16xi32>,
      %and3A_196 = arith.constant 1048575 : i32
      %and3A_197 = vector.broadcast %and3A_196 : i32 to vector<16xi32>
      %and3A_198 = arith.andi %get3A_195, %and3A_197 : vector<16xi32>
      %swap3A_199 = arith.constant 224 : index
      %swap3A_200 = tpu.vector_load %arg6[%swap3A_199] {strides = array<i32>} : memref<1024xi32, #tpu.memory_space<vmem>>, vector<16xi32>,
      tpu.vector_store %arg6[%swap3A_199], %and3A_198 {strides = array<i32>} : memref<1024xi32, #tpu.memory_space<vmem>>, vector<16xi32>,
      %shift_right_logical3A_201 = arith.constant 20 : i32
      %shift_right_logical3A_202 = vector.broadcast %shift_right_logical3A_201 : i32 to vector<16xi32>
      %shift_right_logical3A_203 = arith.shrui %get3A_195, %shift_right_logical3A_202 : vector<16xi32>
      %swap3A_204 = arith.constant 224 : index
      %swap3A_205 = tpu.vector_load %arg7[%swap3A_204] {strides = array<i32>} : memref<1024xi32, #tpu.memory_space<vmem>>, vector<16xi32>,
      tpu.vector_store %arg7[%swap3A_204], %shift_right_logical3A_203 {strides = array<i32>} : memref<1024xi32, #tpu.memory_space<vmem>>, vector<16xi32>,
      %get3A_206 = arith.constant 240 : index
      %get3A_207 = tpu.vector_load %arg5[%get3A_206] {strides = array<i32>} : memref<1024xi32, #tpu.memory_space<vmem>>, vector<16xi32>,
      %and3A_208 = arith.constant 1048575 : i32
      %and3A_209 = vector.broadcast %and3A_208 : i32 to vector<16xi32>
      %and3A_210 = arith.andi %get3A_207, %and3A_209 : vector<16xi32>
      %swap3A_211 = arith.constant 240 : index
      %swap3A_212 = tpu.vector_load %arg6[%swap3A_211] {strides = array<i32>} : memref<1024xi32, #tpu.memory_space<vmem>>, vector<16xi32>,
      tpu.vector_store %arg6[%swap3A_211], %and3A_210 {strides = array<i32>} : memref<1024xi32, #tpu.memory_space<vmem>>, vector<16xi32>,
      %shift_right_logical3A_213 = arith.constant 20 : i32
      %shift_right_logical3A_214 = vector.broadcast %shift_right_logical3A_213 : i32 to vector<16xi32>
      %shift_right_logical3A_215 = arith.shrui %get3A_207, %shift_right_logical3A_214 : vector<16xi32>
      %swap3A_216 = arith.constant 240 : index
      %swap3A_217 = tpu.vector_load %arg7[%swap3A_216] {strides = array<i32>} : memref<1024xi32, #tpu.memory_space<vmem>>, vector<16xi32>,
      tpu.vector_store %arg7[%swap3A_216], %shift_right_logical3A_215 {strides = array<i32>} : memref<1024xi32, #tpu.memory_space<vmem>>, vector<16xi32>,
      %dma_start3A_218 = arith.constant 128 : i32
      %dma_start3A_219 = tpu.memref_slice %arg8[%dma_start3A_218] : memref<1024xi32, #tpu.memory_space<vmem>> -> memref<128xi32, #tpu.memory_space<vmem>>
      %dma_start3A_220 = arith.constant 128 : i32
      %dma_start3A_221 = tpu.memref_slice %arg6[%dma_start3A_220] : memref<1024xi32, #tpu.memory_space<vmem>> -> memref<128xi32, #tpu.memory_space<vmem>>
      %dma_start3A_222 = arith.constant 0 : i32
      %dma_start3A_223 = tpu.memref_slice %arg10[%dma_start3A_222] : memref<589824xi32, #tpu.memory_space<vmem_shared>> -> memref<589824xi32, #tpu.memory_space<vmem_shared>>
      tpu.enqueue_indirect_dma source(%dma_start3A_223 : memref<589824xi32, #tpu.memory_space<vmem_shared>>) target(%dma_start3A_219 : memref<128xi32, #tpu.memory_space<vmem>>) offsets(%dma_start3A_221 : memref<128xi32, #tpu.memory_space<vmem>>) semaphore(%arg12 : memref<!tpu.dma_semaphore, #tpu.memory_space<semaphore_mem>>)
      %get3A_224 = arith.constant 256 : index
      %get3A_225 = tpu.vector_load %arg5[%get3A_224] {strides = array<i32>} : memref<1024xi32, #tpu.memory_space<vmem>>, vector<16xi32>,
      %and3A_226 = arith.constant 1048575 : i32
      %and3A_227 = vector.broadcast %and3A_226 : i32 to vector<16xi32>
      %and3A_228 = arith.andi %get3A_225, %and3A_227 : vector<16xi32>
      %swap3A_229 = arith.constant 256 : index
      %swap3A_230 = tpu.vector_load %arg6[%swap3A_229] {strides = array<i32>} : memref<1024xi32, #tpu.memory_space<vmem>>, vector<16xi32>,
      tpu.vector_store %arg6[%swap3A_229], %and3A_228 {strides = array<i32>} : memref<1024xi32, #tpu.memory_space<vmem>>, vector<16xi32>,
      %shift_right_logical3A_231 = arith.constant 20 : i32
      %shift_right_logical3A_232 = vector.broadcast %shift_right_logical3A_231 : i32 to vector<16xi32>
      %shift_right_logical3A_233 = arith.shrui %get3A_225, %shift_right_logical3A_232 : vector<16xi32>
      %swap3A_234 = arith.constant 256 : index
      %swap3A_235 = tpu.vector_load %arg7[%swap3A_234] {strides = array<i32>} : memref<1024xi32, #tpu.memory_space<vmem>>, vector<16xi32>,
      tpu.vector_store %arg7[%swap3A_234], %shift_right_logical3A_233 {strides = array<i32>} : memref<1024xi32, #tpu.memory_space<vmem>>, vector<16xi32>,
      %get3A_236 = arith.constant 272 : index
      %get3A_237 = tpu.vector_load %arg5[%get3A_236] {strides = array<i32>} : memref<1024xi32, #tpu.memory_space<vmem>>, vector<16xi32>,
      %and3A_238 = arith.constant 1048575 : i32
      %and3A_239 = vector.broadcast %and3A_238 : i32 to vector<16xi32>
      %and3A_240 = arith.andi %get3A_237, %and3A_239 : vector<16xi32>
      %swap3A_241 = arith.constant 272 : index
      %swap3A_242 = tpu.vector_load %arg6[%swap3A_241] {strides = array<i32>} : memref<1024xi32, #tpu.memory_space<vmem>>, vector<16xi32>,
      tpu.vector_store %arg6[%swap3A_241], %and3A_240 {strides = array<i32>} : memref<1024xi32, #tpu.memory_space<vmem>>, vector<16xi32>,
      %shift_right_logical3A_243 = arith.constant 20 : i32
      %shift_right_logical3A_244 = vector.broadcast %shift_right_logical3A_243 : i32 to vector<16xi32>
      %shift_right_logical3A_245 = arith.shrui %get3A_237, %shift_right_logical3A_244 : vector<16xi32>
      %swap3A_246 = arith.constant 272 : index
      %swap3A_247 = tpu.vector_load %arg7[%swap3A_246] {strides = array<i32>} : memref<1024xi32, #tpu.memory_space<vmem>>, vector<16xi32>,
      tpu.vector_store %arg7[%swap3A_246], %shift_right_logical3A_245 {strides = array<i32>} : memref<1024xi32, #tpu.memory_space<vmem>>, vector<16xi32>,
      %get3A_248 = arith.constant 288 : index
      %get3A_249 = tpu.vector_load %arg5[%get3A_248] {strides = array<i32>} : memref<1024xi32, #tpu.memory_space<vmem>>, vector<16xi32>,
      %and3A_250 = arith.constant 1048575 : i32
      %and3A_251 = vector.broadcast %and3A_250 : i32 to vector<16xi32>
      %and3A_252 = arith.andi %get3A_249, %and3A_251 : vector<16xi32>
      %swap3A_253 = arith.constant 288 : index
      %swap3A_254 = tpu.vector_load %arg6[%swap3A_253] {strides = array<i32>} : memref<1024xi32, #tpu.memory_space<vmem>>, vector<16xi32>,
      tpu.vector_store %arg6[%swap3A_253], %and3A_252 {strides = array<i32>} : memref<1024xi32, #tpu.memory_space<vmem>>, vector<16xi32>,
      %shift_right_logical3A_255 = arith.constant 20 : i32
      %shift_right_logical3A_256 = vector.broadcast %shift_right_logical3A_255 : i32 to vector<16xi32>
      %shift_right_logical3A_257 = arith.shrui %get3A_249, %shift_right_logical3A_256 : vector<16xi32>
      %swap3A_258 = arith.constant 288 : index
      %swap3A_259 = tpu.vector_load %arg7[%swap3A_258] {strides = array<i32>} : memref<1024xi32, #tpu.memory_space<vmem>>, vector<16xi32>,
      tpu.vector_store %arg7[%swap3A_258], %shift_right_logical3A_257 {strides = array<i32>} : memref<1024xi32, #tpu.memory_space<vmem>>, vector<16xi32>,
      %get3A_260 = arith.constant 304 : index
      %get3A_261 = tpu.vector_load %arg5[%get3A_260] {strides = array<i32>} : memref<1024xi32, #tpu.memory_space<vmem>>, vector<16xi32>,
      %and3A_262 = arith.constant 1048575 : i32
      %and3A_263 = vector.broadcast %and3A_262 : i32 to vector<16xi32>
      %and3A_264 = arith.andi %get3A_261, %and3A_263 : vector<16xi32>
      %swap3A_265 = arith.constant 304 : index
      %swap3A_266 = tpu.vector_load %arg6[%swap3A_265] {strides = array<i32>} : memref<1024xi32, #tpu.memory_space<vmem>>, vector<16xi32>,
      tpu.vector_store %arg6[%swap3A_265], %and3A_264 {strides = array<i32>} : memref<1024xi32, #tpu.memory_space<vmem>>, vector<16xi32>,
      %shift_right_logical3A_267 = arith.constant 20 : i32
      %shift_right_logical3A_268 = vector.broadcast %shift_right_logical3A_267 : i32 to vector<16xi32>
      %shift_right_logical3A_269 = arith.shrui %get3A_261, %shift_right_logical3A_268 : vector<16xi32>
      %swap3A_270 = arith.constant 304 : index
      %swap3A_271 = tpu.vector_load %arg7[%swap3A_270] {strides = array<i32>} : memref<1024xi32, #tpu.memory_space<vmem>>, vector<16xi32>,
      tpu.vector_store %arg7[%swap3A_270], %shift_right_logical3A_269 {strides = array<i32>} : memref<1024xi32, #tpu.memory_space<vmem>>, vector<16xi32>,
      %get3A_272 = arith.constant 320 : index
      %get3A_273 = tpu.vector_load %arg5[%get3A_272] {strides = array<i32>} : memref<1024xi32, #tpu.memory_space<vmem>>, vector<16xi32>,
      %and3A_274 = arith.constant 1048575 : i32
      %and3A_275 = vector.broadcast %and3A_274 : i32 to vector<16xi32>
      %and3A_276 = arith.andi %get3A_273, %and3A_275 : vector<16xi32>
      %swap3A_277 = arith.constant 320 : index
      %swap3A_278 = tpu.vector_load %arg6[%swap3A_277] {strides = array<i32>} : memref<1024xi32, #tpu.memory_space<vmem>>, vector<16xi32>,
      tpu.vector_store %arg6[%swap3A_277], %and3A_276 {strides = array<i32>} : memref<1024xi32, #tpu.memory_space<vmem>>, vector<16xi32>,
      %shift_right_logical3A_279 = arith.constant 20 : i32
      %shift_right_logical3A_280 = vector.broadcast %shift_right_logical3A_279 : i32 to vector<16xi32>
      %shift_right_logical3A_281 = arith.shrui %get3A_273, %shift_right_logical3A_280 : vector<16xi32>
      %swap3A_282 = arith.constant 320 : index
      %swap3A_283 = tpu.vector_load %arg7[%swap3A_282] {strides = array<i32>} : memref<1024xi32, #tpu.memory_space<vmem>>, vector<16xi32>,
      tpu.vector_store %arg7[%swap3A_282], %shift_right_logical3A_281 {strides = array<i32>} : memref<1024xi32, #tpu.memory_space<vmem>>, vector<16xi32>,
      %get3A_284 = arith.constant 336 : index
      %get3A_285 = tpu.vector_load %arg5[%get3A_284] {strides = array<i32>} : memref<1024xi32, #tpu.memory_space<vmem>>, vector<16xi32>,
      %and3A_286 = arith.constant 1048575 : i32
      %and3A_287 = vector.broadcast %and3A_286 : i32 to vector<16xi32>
      %and3A_288 = arith.andi %get3A_285, %and3A_287 : vector<16xi32>
      %swap3A_289 = arith.constant 336 : index
      %swap3A_290 = tpu.vector_load %arg6[%swap3A_289] {strides = array<i32>} : memref<1024xi32, #tpu.memory_space<vmem>>, vector<16xi32>,
      tpu.vector_store %arg6[%swap3A_289], %and3A_288 {strides = array<i32>} : memref<1024xi32, #tpu.memory_space<vmem>>, vector<16xi32>,
      %shift_right_logical3A_291 = arith.constant 20 : i32
      %shift_right_logical3A_292 = vector.broadcast %shift_right_logical3A_291 : i32 to vector<16xi32>
      %shift_right_logical3A_293 = arith.shrui %get3A_285, %shift_right_logical3A_292 : vector<16xi32>
      %swap3A_294 = arith.constant 336 : index
      %swap3A_295 = tpu.vector_load %arg7[%swap3A_294] {strides = array<i32>} : memref<1024xi32, #tpu.memory_space<vmem>>, vector<16xi32>,
      tpu.vector_store %arg7[%swap3A_294], %shift_right_logical3A_293 {strides = array<i32>} : memref<1024xi32, #tpu.memory_space<vmem>>, vector<16xi32>,
      %get3A_296 = arith.constant 352 : index
      %get3A_297 = tpu.vector_load %arg5[%get3A_296] {strides = array<i32>} : memref<1024xi32, #tpu.memory_space<vmem>>, vector<16xi32>,
      %and3A_298 = arith.constant 1048575 : i32
      %and3A_299 = vector.broadcast %and3A_298 : i32 to vector<16xi32>
      %and3A_300 = arith.andi %get3A_297, %and3A_299 : vector<16xi32>
      %swap3A_301 = arith.constant 352 : index
      %swap3A_302 = tpu.vector_load %arg6[%swap3A_301] {strides = array<i32>} : memref<1024xi32, #tpu.memory_space<vmem>>, vector<16xi32>,
      tpu.vector_store %arg6[%swap3A_301], %and3A_300 {strides = array<i32>} : memref<1024xi32, #tpu.memory_space<vmem>>, vector<16xi32>,
      %shift_right_logical3A_303 = arith.constant 20 : i32
      %shift_right_logical3A_304 = vector.broadcast %shift_right_logical3A_303 : i32 to vector<16xi32>
      %shift_right_logical3A_305 = arith.shrui %get3A_297, %shift_right_logical3A_304 : vector<16xi32>
      %swap3A_306 = arith.constant 352 : index
      %swap3A_307 = tpu.vector_load %arg7[%swap3A_306] {strides = array<i32>} : memref<1024xi32, #tpu.memory_space<vmem>>, vector<16xi32>,
      tpu.vector_store %arg7[%swap3A_306], %shift_right_logical3A_305 {strides = array<i32>} : memref<1024xi32, #tpu.memory_space<vmem>>, vector<16xi32>,
      %get3A_308 = arith.constant 368 : index
      %get3A_309 = tpu.vector_load %arg5[%get3A_308] {strides = array<i32>} : memref<1024xi32, #tpu.memory_space<vmem>>, vector<16xi32>,
      %and3A_310 = arith.constant 1048575 : i32
      %and3A_311 = vector.broadcast %and3A_310 : i32 to vector<16xi32>
      %and3A_312 = arith.andi %get3A_309, %and3A_311 : vector<16xi32>
      %swap3A_313 = arith.constant 368 : index
      %swap3A_314 = tpu.vector_load %arg6[%swap3A_313] {strides = array<i32>} : memref<1024xi32, #tpu.memory_space<vmem>>, vector<16xi32>,
      tpu.vector_store %arg6[%swap3A_313], %and3A_312 {strides = array<i32>} : memref<1024xi32, #tpu.memory_space<vmem>>, vector<16xi32>,
      %shift_right_logical3A_315 = arith.constant 20 : i32
      %shift_right_logical3A_316 = vector.broadcast %shift_right_logical3A_315 : i32 to vector<16xi32>
      %shift_right_logical3A_317 = arith.shrui %get3A_309, %shift_right_logical3A_316 : vector<16xi32>
      %swap3A_318 = arith.constant 368 : index
      %swap3A_319 = tpu.vector_load %arg7[%swap3A_318] {strides = array<i32>} : memref<1024xi32, #tpu.memory_space<vmem>>, vector<16xi32>,
      tpu.vector_store %arg7[%swap3A_318], %shift_right_logical3A_317 {strides = array<i32>} : memref<1024xi32, #tpu.memory_space<vmem>>, vector<16xi32>,
      %dma_start3A_320 = arith.constant 256 : i32
      %dma_start3A_321 = tpu.memref_slice %arg8[%dma_start3A_320] : memref<1024xi32, #tpu.memory_space<vmem>> -> memref<128xi32, #tpu.memory_space<vmem>>
      %dma_start3A_322 = arith.constant 256 : i32
      %dma_start3A_323 = tpu.memref_slice %arg6[%dma_start3A_322] : memref<1024xi32, #tpu.memory_space<vmem>> -> memref<128xi32, #tpu.memory_space<vmem>>
      %dma_start3A_324 = arith.constant 0 : i32
      %dma_start3A_325 = tpu.memref_slice %arg10[%dma_start3A_324] : memref<589824xi32, #tpu.memory_space<vmem_shared>> -> memref<589824xi32, #tpu.memory_space<vmem_shared>>
      tpu.enqueue_indirect_dma source(%dma_start3A_325 : memref<589824xi32, #tpu.memory_space<vmem_shared>>) target(%dma_start3A_321 : memref<128xi32, #tpu.memory_space<vmem>>) offsets(%dma_start3A_323 : memref<128xi32, #tpu.memory_space<vmem>>) semaphore(%arg12 : memref<!tpu.dma_semaphore, #tpu.memory_space<semaphore_mem>>)
      %get3A_326 = arith.constant 384 : index
      %get3A_327 = tpu.vector_load %arg5[%get3A_326] {strides = array<i32>} : memref<1024xi32, #tpu.memory_space<vmem>>, vector<16xi32>,
      %and3A_328 = arith.constant 1048575 : i32
      %and3A_329 = vector.broadcast %and3A_328 : i32 to vector<16xi32>
      %and3A_330 = arith.andi %get3A_327, %and3A_329 : vector<16xi32>
      %swap3A_331 = arith.constant 384 : index
      %swap3A_332 = tpu.vector_load %arg6[%swap3A_331] {strides = array<i32>} : memref<1024xi32, #tpu.memory_space<vmem>>, vector<16xi32>,
      tpu.vector_store %arg6[%swap3A_331], %and3A_330 {strides = array<i32>} : memref<1024xi32, #tpu.memory_space<vmem>>, vector<16xi32>,
      %shift_right_logical3A_333 = arith.constant 20 : i32
      %shift_right_logical3A_334 = vector.broadcast %shift_right_logical3A_333 : i32 to vector<16xi32>
      %shift_right_logical3A_335 = arith.shrui %get3A_327, %shift_right_logical3A_334 : vector<16xi32>
      %swap3A_336 = arith.constant 384 : index
      %swap3A_337 = tpu.vector_load %arg7[%swap3A_336] {strides = array<i32>} : memref<1024xi32, #tpu.memory_space<vmem>>, vector<16xi32>,
      tpu.vector_store %arg7[%swap3A_336], %shift_right_logical3A_335 {strides = array<i32>} : memref<1024xi32, #tpu.memory_space<vmem>>, vector<16xi32>,
      %get3A_338 = arith.constant 400 : index
      %get3A_339 = tpu.vector_load %arg5[%get3A_338] {strides = array<i32>} : memref<1024xi32, #tpu.memory_space<vmem>>, vector<16xi32>,
      %and3A_340 = arith.constant 1048575 : i32
      %and3A_341 = vector.broadcast %and3A_340 : i32 to vector<16xi32>
      %and3A_342 = arith.andi %get3A_339, %and3A_341 : vector<16xi32>
      %swap3A_343 = arith.constant 400 : index
      %swap3A_344 = tpu.vector_load %arg6[%swap3A_343] {strides = array<i32>} : memref<1024xi32, #tpu.memory_space<vmem>>, vector<16xi32>,
      tpu.vector_store %arg6[%swap3A_343], %and3A_342 {strides = array<i32>} : memref<1024xi32, #tpu.memory_space<vmem>>, vector<16xi32>,
      %shift_right_logical3A_345 = arith.constant 20 : i32
      %shift_right_logical3A_346 = vector.broadcast %shift_right_logical3A_345 : i32 to vector<16xi32>
      %shift_right_logical3A_347 = arith.shrui %get3A_339, %shift_right_logical3A_346 : vector<16xi32>
      %swap3A_348 = arith.constant 400 : index
      %swap3A_349 = tpu.vector_load %arg7[%swap3A_348] {strides = array<i32>} : memref<1024xi32, #tpu.memory_space<vmem>>, vector<16xi32>,
      tpu.vector_store %arg7[%swap3A_348], %shift_right_logical3A_347 {strides = array<i32>} : memref<1024xi32, #tpu.memory_space<vmem>>, vector<16xi32>,
      %get3A_350 = arith.constant 416 : index
      %get3A_351 = tpu.vector_load %arg5[%get3A_350] {strides = array<i32>} : memref<1024xi32, #tpu.memory_space<vmem>>, vector<16xi32>,
      %and3A_352 = arith.constant 1048575 : i32
      %and3A_353 = vector.broadcast %and3A_352 : i32 to vector<16xi32>
      %and3A_354 = arith.andi %get3A_351, %and3A_353 : vector<16xi32>
      %swap3A_355 = arith.constant 416 : index
      %swap3A_356 = tpu.vector_load %arg6[%swap3A_355] {strides = array<i32>} : memref<1024xi32, #tpu.memory_space<vmem>>, vector<16xi32>,
      tpu.vector_store %arg6[%swap3A_355], %and3A_354 {strides = array<i32>} : memref<1024xi32, #tpu.memory_space<vmem>>, vector<16xi32>,
      %shift_right_logical3A_357 = arith.constant 20 : i32
      %shift_right_logical3A_358 = vector.broadcast %shift_right_logical3A_357 : i32 to vector<16xi32>
      %shift_right_logical3A_359 = arith.shrui %get3A_351, %shift_right_logical3A_358 : vector<16xi32>
      %swap3A_360 = arith.constant 416 : index
      %swap3A_361 = tpu.vector_load %arg7[%swap3A_360] {strides = array<i32>} : memref<1024xi32, #tpu.memory_space<vmem>>, vector<16xi32>,
      tpu.vector_store %arg7[%swap3A_360], %shift_right_logical3A_359 {strides = array<i32>} : memref<1024xi32, #tpu.memory_space<vmem>>, vector<16xi32>,
      %get3A_362 = arith.constant 432 : index
      %get3A_363 = tpu.vector_load %arg5[%get3A_362] {strides = array<i32>} : memref<1024xi32, #tpu.memory_space<vmem>>, vector<16xi32>,
      %and3A_364 = arith.constant 1048575 : i32
      %and3A_365 = vector.broadcast %and3A_364 : i32 to vector<16xi32>
      %and3A_366 = arith.andi %get3A_363, %and3A_365 : vector<16xi32>
      %swap3A_367 = arith.constant 432 : index
      %swap3A_368 = tpu.vector_load %arg6[%swap3A_367] {strides = array<i32>} : memref<1024xi32, #tpu.memory_space<vmem>>, vector<16xi32>,
      tpu.vector_store %arg6[%swap3A_367], %and3A_366 {strides = array<i32>} : memref<1024xi32, #tpu.memory_space<vmem>>, vector<16xi32>,
      %shift_right_logical3A_369 = arith.constant 20 : i32
      %shift_right_logical3A_370 = vector.broadcast %shift_right_logical3A_369 : i32 to vector<16xi32>
      %shift_right_logical3A_371 = arith.shrui %get3A_363, %shift_right_logical3A_370 : vector<16xi32>
      %swap3A_372 = arith.constant 432 : index
      %swap3A_373 = tpu.vector_load %arg7[%swap3A_372] {strides = array<i32>} : memref<1024xi32, #tpu.memory_space<vmem>>, vector<16xi32>,
      tpu.vector_store %arg7[%swap3A_372], %shift_right_logical3A_371 {strides = array<i32>} : memref<1024xi32, #tpu.memory_space<vmem>>, vector<16xi32>,
      %get3A_374 = arith.constant 448 : index
      %get3A_375 = tpu.vector_load %arg5[%get3A_374] {strides = array<i32>} : memref<1024xi32, #tpu.memory_space<vmem>>, vector<16xi32>,
      %and3A_376 = arith.constant 1048575 : i32
      %and3A_377 = vector.broadcast %and3A_376 : i32 to vector<16xi32>
      %and3A_378 = arith.andi %get3A_375, %and3A_377 : vector<16xi32>
      %swap3A_379 = arith.constant 448 : index
      %swap3A_380 = tpu.vector_load %arg6[%swap3A_379] {strides = array<i32>} : memref<1024xi32, #tpu.memory_space<vmem>>, vector<16xi32>,
      tpu.vector_store %arg6[%swap3A_379], %and3A_378 {strides = array<i32>} : memref<1024xi32, #tpu.memory_space<vmem>>, vector<16xi32>,
      %shift_right_logical3A_381 = arith.constant 20 : i32
      %shift_right_logical3A_382 = vector.broadcast %shift_right_logical3A_381 : i32 to vector<16xi32>
      %shift_right_logical3A_383 = arith.shrui %get3A_375, %shift_right_logical3A_382 : vector<16xi32>
      %swap3A_384 = arith.constant 448 : index
      %swap3A_385 = tpu.vector_load %arg7[%swap3A_384] {strides = array<i32>} : memref<1024xi32, #tpu.memory_space<vmem>>, vector<16xi32>,
      tpu.vector_store %arg7[%swap3A_384], %shift_right_logical3A_383 {strides = array<i32>} : memref<1024xi32, #tpu.memory_space<vmem>>, vector<16xi32>,
      %get3A_386 = arith.constant 464 : index
      %get3A_387 = tpu.vector_load %arg5[%get3A_386] {strides = array<i32>} : memref<1024xi32, #tpu.memory_space<vmem>>, vector<16xi32>,
      %and3A_388 = arith.constant 1048575 : i32
      %and3A_389 = vector.broadcast %and3A_388 : i32 to vector<16xi32>
      %and3A_390 = arith.andi %get3A_387, %and3A_389 : vector<16xi32>
      %swap3A_391 = arith.constant 464 : index
      %swap3A_392 = tpu.vector_load %arg6[%swap3A_391] {strides = array<i32>} : memref<1024xi32, #tpu.memory_space<vmem>>, vector<16xi32>,
      tpu.vector_store %arg6[%swap3A_391], %and3A_390 {strides = array<i32>} : memref<1024xi32, #tpu.memory_space<vmem>>, vector<16xi32>,
      %shift_right_logical3A_393 = arith.constant 20 : i32
      %shift_right_logical3A_394 = vector.broadcast %shift_right_logical3A_393 : i32 to vector<16xi32>
      %shift_right_logical3A_395 = arith.shrui %get3A_387, %shift_right_logical3A_394 : vector<16xi32>
      %swap3A_396 = arith.constant 464 : index
      %swap3A_397 = tpu.vector_load %arg7[%swap3A_396] {strides = array<i32>} : memref<1024xi32, #tpu.memory_space<vmem>>, vector<16xi32>,
      tpu.vector_store %arg7[%swap3A_396], %shift_right_logical3A_395 {strides = array<i32>} : memref<1024xi32, #tpu.memory_space<vmem>>, vector<16xi32>,
      %get3A_398 = arith.constant 480 : index
      %get3A_399 = tpu.vector_load %arg5[%get3A_398] {strides = array<i32>} : memref<1024xi32, #tpu.memory_space<vmem>>, vector<16xi32>,
      %and3A_400 = arith.constant 1048575 : i32
      %and3A_401 = vector.broadcast %and3A_400 : i32 to vector<16xi32>
      %and3A_402 = arith.andi %get3A_399, %and3A_401 : vector<16xi32>
      %swap3A_403 = arith.constant 480 : index
      %swap3A_404 = tpu.vector_load %arg6[%swap3A_403] {strides = array<i32>} : memref<1024xi32, #tpu.memory_space<vmem>>, vector<16xi32>,
      tpu.vector_store %arg6[%swap3A_403], %and3A_402 {strides = array<i32>} : memref<1024xi32, #tpu.memory_space<vmem>>, vector<16xi32>,
      %shift_right_logical3A_405 = arith.constant 20 : i32
      %shift_right_logical3A_406 = vector.broadcast %shift_right_logical3A_405 : i32 to vector<16xi32>
      %shift_right_logical3A_407 = arith.shrui %get3A_399, %shift_right_logical3A_406 : vector<16xi32>
      %swap3A_408 = arith.constant 480 : index
      %swap3A_409 = tpu.vector_load %arg7[%swap3A_408] {strides = array<i32>} : memref<1024xi32, #tpu.memory_space<vmem>>, vector<16xi32>,
      tpu.vector_store %arg7[%swap3A_408], %shift_right_logical3A_407 {strides = array<i32>} : memref<1024xi32, #tpu.memory_space<vmem>>, vector<16xi32>,
      %get3A_410 = arith.constant 496 : index
      %get3A_411 = tpu.vector_load %arg5[%get3A_410] {strides = array<i32>} : memref<1024xi32, #tpu.memory_space<vmem>>, vector<16xi32>,
      %and3A_412 = arith.constant 1048575 : i32
      %and3A_413 = vector.broadcast %and3A_412 : i32 to vector<16xi32>
      %and3A_414 = arith.andi %get3A_411, %and3A_413 : vector<16xi32>
      %swap3A_415 = arith.constant 496 : index
      %swap3A_416 = tpu.vector_load %arg6[%swap3A_415] {strides = array<i32>} : memref<1024xi32, #tpu.memory_space<vmem>>, vector<16xi32>,
      tpu.vector_store %arg6[%swap3A_415], %and3A_414 {strides = array<i32>} : memref<1024xi32, #tpu.memory_space<vmem>>, vector<16xi32>,
      %shift_right_logical3A_417 = arith.constant 20 : i32
      %shift_right_logical3A_418 = vector.broadcast %shift_right_logical3A_417 : i32 to vector<16xi32>
      %shift_right_logical3A_419 = arith.shrui %get3A_411, %shift_right_logical3A_418 : vector<16xi32>
      %swap3A_420 = arith.constant 496 : index
      %swap3A_421 = tpu.vector_load %arg7[%swap3A_420] {strides = array<i32>} : memref<1024xi32, #tpu.memory_space<vmem>>, vector<16xi32>,
      tpu.vector_store %arg7[%swap3A_420], %shift_right_logical3A_419 {strides = array<i32>} : memref<1024xi32, #tpu.memory_space<vmem>>, vector<16xi32>,
      %dma_start3A_422 = arith.constant 384 : i32
      %dma_start3A_423 = tpu.memref_slice %arg8[%dma_start3A_422] : memref<1024xi32, #tpu.memory_space<vmem>> -> memref<128xi32, #tpu.memory_space<vmem>>
      %dma_start3A_424 = arith.constant 384 : i32
      %dma_start3A_425 = tpu.memref_slice %arg6[%dma_start3A_424] : memref<1024xi32, #tpu.memory_space<vmem>> -> memref<128xi32, #tpu.memory_space<vmem>>
      %dma_start3A_426 = arith.constant 0 : i32
      %dma_start3A_427 = tpu.memref_slice %arg10[%dma_start3A_426] : memref<589824xi32, #tpu.memory_space<vmem_shared>> -> memref<589824xi32, #tpu.memory_space<vmem_shared>>
      tpu.enqueue_indirect_dma source(%dma_start3A_427 : memref<589824xi32, #tpu.memory_space<vmem_shared>>) target(%dma_start3A_423 : memref<128xi32, #tpu.memory_space<vmem>>) offsets(%dma_start3A_425 : memref<128xi32, #tpu.memory_space<vmem>>) semaphore(%arg12 : memref<!tpu.dma_semaphore, #tpu.memory_space<semaphore_mem>>)
      %get3A_428 = arith.constant 512 : index
      %get3A_429 = tpu.vector_load %arg5[%get3A_428] {strides = array<i32>} : memref<1024xi32, #tpu.memory_space<vmem>>, vector<16xi32>,
      %and3A_430 = arith.constant 1048575 : i32
      %and3A_431 = vector.broadcast %and3A_430 : i32 to vector<16xi32>
      %and3A_432 = arith.andi %get3A_429, %and3A_431 : vector<16xi32>
      %swap3A_433 = arith.constant 512 : index
      %swap3A_434 = tpu.vector_load %arg6[%swap3A_433] {strides = array<i32>} : memref<1024xi32, #tpu.memory_space<vmem>>, vector<16xi32>,
      tpu.vector_store %arg6[%swap3A_433], %and3A_432 {strides = array<i32>} : memref<1024xi32, #tpu.memory_space<vmem>>, vector<16xi32>,
      %shift_right_logical3A_435 = arith.constant 20 : i32
      %shift_right_logical3A_436 = vector.broadcast %shift_right_logical3A_435 : i32 to vector<16xi32>
      %shift_right_logical3A_437 = arith.shrui %get3A_429, %shift_right_logical3A_436 : vector<16xi32>
      %swap3A_438 = arith.constant 512 : index
      %swap3A_439 = tpu.vector_load %arg7[%swap3A_438] {strides = array<i32>} : memref<1024xi32, #tpu.memory_space<vmem>>, vector<16xi32>,
      tpu.vector_store %arg7[%swap3A_438], %shift_right_logical3A_437 {strides = array<i32>} : memref<1024xi32, #tpu.memory_space<vmem>>, vector<16xi32>,
      %get3A_440 = arith.constant 528 : index
      %get3A_441 = tpu.vector_load %arg5[%get3A_440] {strides = array<i32>} : memref<1024xi32, #tpu.memory_space<vmem>>, vector<16xi32>,
      %and3A_442 = arith.constant 1048575 : i32
      %and3A_443 = vector.broadcast %and3A_442 : i32 to vector<16xi32>
      %and3A_444 = arith.andi %get3A_441, %and3A_443 : vector<16xi32>
      %swap3A_445 = arith.constant 528 : index
      %swap3A_446 = tpu.vector_load %arg6[%swap3A_445] {strides = array<i32>} : memref<1024xi32, #tpu.memory_space<vmem>>, vector<16xi32>,
      tpu.vector_store %arg6[%swap3A_445], %and3A_444 {strides = array<i32>} : memref<1024xi32, #tpu.memory_space<vmem>>, vector<16xi32>,
      %shift_right_logical3A_447 = arith.constant 20 : i32
      %shift_right_logical3A_448 = vector.broadcast %shift_right_logical3A_447 : i32 to vector<16xi32>
      %shift_right_logical3A_449 = arith.shrui %get3A_441, %shift_right_logical3A_448 : vector<16xi32>
      %swap3A_450 = arith.constant 528 : index
      %swap3A_451 = tpu.vector_load %arg7[%swap3A_450] {strides = array<i32>} : memref<1024xi32, #tpu.memory_space<vmem>>, vector<16xi32>,
      tpu.vector_store %arg7[%swap3A_450], %shift_right_logical3A_449 {strides = array<i32>} : memref<1024xi32, #tpu.memory_space<vmem>>, vector<16xi32>,
      %get3A_452 = arith.constant 544 : index
      %get3A_453 = tpu.vector_load %arg5[%get3A_452] {strides = array<i32>} : memref<1024xi32, #tpu.memory_space<vmem>>, vector<16xi32>,
      %and3A_454 = arith.constant 1048575 : i32
      %and3A_455 = vector.broadcast %and3A_454 : i32 to vector<16xi32>
      %and3A_456 = arith.andi %get3A_453, %and3A_455 : vector<16xi32>
      %swap3A_457 = arith.constant 544 : index
      %swap3A_458 = tpu.vector_load %arg6[%swap3A_457] {strides = array<i32>} : memref<1024xi32, #tpu.memory_space<vmem>>, vector<16xi32>,
      tpu.vector_store %arg6[%swap3A_457], %and3A_456 {strides = array<i32>} : memref<1024xi32, #tpu.memory_space<vmem>>, vector<16xi32>,
      %shift_right_logical3A_459 = arith.constant 20 : i32
      %shift_right_logical3A_460 = vector.broadcast %shift_right_logical3A_459 : i32 to vector<16xi32>
      %shift_right_logical3A_461 = arith.shrui %get3A_453, %shift_right_logical3A_460 : vector<16xi32>
      %swap3A_462 = arith.constant 544 : index
      %swap3A_463 = tpu.vector_load %arg7[%swap3A_462] {strides = array<i32>} : memref<1024xi32, #tpu.memory_space<vmem>>, vector<16xi32>,
      tpu.vector_store %arg7[%swap3A_462], %shift_right_logical3A_461 {strides = array<i32>} : memref<1024xi32, #tpu.memory_space<vmem>>, vector<16xi32>,
      %get3A_464 = arith.constant 560 : index
      %get3A_465 = tpu.vector_load %arg5[%get3A_464] {strides = array<i32>} : memref<1024xi32, #tpu.memory_space<vmem>>, vector<16xi32>,
      %and3A_466 = arith.constant 1048575 : i32
      %and3A_467 = vector.broadcast %and3A_466 : i32 to vector<16xi32>
      %and3A_468 = arith.andi %get3A_465, %and3A_467 : vector<16xi32>
      %swap3A_469 = arith.constant 560 : index
      %swap3A_470 = tpu.vector_load %arg6[%swap3A_469] {strides = array<i32>} : memref<1024xi32, #tpu.memory_space<vmem>>, vector<16xi32>,
      tpu.vector_store %arg6[%swap3A_469], %and3A_468 {strides = array<i32>} : memref<1024xi32, #tpu.memory_space<vmem>>, vector<16xi32>,
      %shift_right_logical3A_471 = arith.constant 20 : i32
      %shift_right_logical3A_472 = vector.broadcast %shift_right_logical3A_471 : i32 to vector<16xi32>
      %shift_right_logical3A_473 = arith.shrui %get3A_465, %shift_right_logical3A_472 : vector<16xi32>
      %swap3A_474 = arith.constant 560 : index
      %swap3A_475 = tpu.vector_load %arg7[%swap3A_474] {strides = array<i32>} : memref<1024xi32, #tpu.memory_space<vmem>>, vector<16xi32>,
      tpu.vector_store %arg7[%swap3A_474], %shift_right_logical3A_473 {strides = array<i32>} : memref<1024xi32, #tpu.memory_space<vmem>>, vector<16xi32>,
      %get3A_476 = arith.constant 576 : index
      %get3A_477 = tpu.vector_load %arg5[%get3A_476] {strides = array<i32>} : memref<1024xi32, #tpu.memory_space<vmem>>, vector<16xi32>,
      %and3A_478 = arith.constant 1048575 : i32
      %and3A_479 = vector.broadcast %and3A_478 : i32 to vector<16xi32>
      %and3A_480 = arith.andi %get3A_477, %and3A_479 : vector<16xi32>
      %swap3A_481 = arith.constant 576 : index
      %swap3A_482 = tpu.vector_load %arg6[%swap3A_481] {strides = array<i32>} : memref<1024xi32, #tpu.memory_space<vmem>>, vector<16xi32>,
      tpu.vector_store %arg6[%swap3A_481], %and3A_480 {strides = array<i32>} : memref<1024xi32, #tpu.memory_space<vmem>>, vector<16xi32>,
      %shift_right_logical3A_483 = arith.constant 20 : i32
      %shift_right_logical3A_484 = vector.broadcast %shift_right_logical3A_483 : i32 to vector<16xi32>
      %shift_right_logical3A_485 = arith.shrui %get3A_477, %shift_right_logical3A_484 : vector<16xi32>
      %swap3A_486 = arith.constant 576 : index
      %swap3A_487 = tpu.vector_load %arg7[%swap3A_486] {strides = array<i32>} : memref<1024xi32, #tpu.memory_space<vmem>>, vector<16xi32>,
      tpu.vector_store %arg7[%swap3A_486], %shift_right_logical3A_485 {strides = array<i32>} : memref<1024xi32, #tpu.memory_space<vmem>>, vector<16xi32>,
      %get3A_488 = arith.constant 592 : index
      %get3A_489 = tpu.vector_load %arg5[%get3A_488] {strides = array<i32>} : memref<1024xi32, #tpu.memory_space<vmem>>, vector<16xi32>,
      %and3A_490 = arith.constant 1048575 : i32
      %and3A_491 = vector.broadcast %and3A_490 : i32 to vector<16xi32>
      %and3A_492 = arith.andi %get3A_489, %and3A_491 : vector<16xi32>
      %swap3A_493 = arith.constant 592 : index
      %swap3A_494 = tpu.vector_load %arg6[%swap3A_493] {strides = array<i32>} : memref<1024xi32, #tpu.memory_space<vmem>>, vector<16xi32>,
      tpu.vector_store %arg6[%swap3A_493], %and3A_492 {strides = array<i32>} : memref<1024xi32, #tpu.memory_space<vmem>>, vector<16xi32>,
      %shift_right_logical3A_495 = arith.constant 20 : i32
      %shift_right_logical3A_496 = vector.broadcast %shift_right_logical3A_495 : i32 to vector<16xi32>
      %shift_right_logical3A_497 = arith.shrui %get3A_489, %shift_right_logical3A_496 : vector<16xi32>
      %swap3A_498 = arith.constant 592 : index
      %swap3A_499 = tpu.vector_load %arg7[%swap3A_498] {strides = array<i32>} : memref<1024xi32, #tpu.memory_space<vmem>>, vector<16xi32>,
      tpu.vector_store %arg7[%swap3A_498], %shift_right_logical3A_497 {strides = array<i32>} : memref<1024xi32, #tpu.memory_space<vmem>>, vector<16xi32>,
      %get3A_500 = arith.constant 608 : index
      %get3A_501 = tpu.vector_load %arg5[%get3A_500] {strides = array<i32>} : memref<1024xi32, #tpu.memory_space<vmem>>, vector<16xi32>,
      %and3A_502 = arith.constant 1048575 : i32
      %and3A_503 = vector.broadcast %and3A_502 : i32 to vector<16xi32>
      %and3A_504 = arith.andi %get3A_501, %and3A_503 : vector<16xi32>
      %swap3A_505 = arith.constant 608 : index
      %swap3A_506 = tpu.vector_load %arg6[%swap3A_505] {strides = array<i32>} : memref<1024xi32, #tpu.memory_space<vmem>>, vector<16xi32>,
      tpu.vector_store %arg6[%swap3A_505], %and3A_504 {strides = array<i32>} : memref<1024xi32, #tpu.memory_space<vmem>>, vector<16xi32>,
      %shift_right_logical3A_507 = arith.constant 20 : i32
      %shift_right_logical3A_508 = vector.broadcast %shift_right_logical3A_507 : i32 to vector<16xi32>
      %shift_right_logical3A_509 = arith.shrui %get3A_501, %shift_right_logical3A_508 : vector<16xi32>
      %swap3A_510 = arith.constant 608 : index
      %swap3A_511 = tpu.vector_load %arg7[%swap3A_510] {strides = array<i32>} : memref<1024xi32, #tpu.memory_space<vmem>>, vector<16xi32>,
      tpu.vector_store %arg7[%swap3A_510], %shift_right_logical3A_509 {strides = array<i32>} : memref<1024xi32, #tpu.memory_space<vmem>>, vector<16xi32>,
      %get3A_512 = arith.constant 624 : index
      %get3A_513 = tpu.vector_load %arg5[%get3A_512] {strides = array<i32>} : memref<1024xi32, #tpu.memory_space<vmem>>, vector<16xi32>,
      %and3A_514 = arith.constant 1048575 : i32
      %and3A_515 = vector.broadcast %and3A_514 : i32 to vector<16xi32>
      %and3A_516 = arith.andi %get3A_513, %and3A_515 : vector<16xi32>
      %swap3A_517 = arith.constant 624 : index
      %swap3A_518 = tpu.vector_load %arg6[%swap3A_517] {strides = array<i32>} : memref<1024xi32, #tpu.memory_space<vmem>>, vector<16xi32>,
      tpu.vector_store %arg6[%swap3A_517], %and3A_516 {strides = array<i32>} : memref<1024xi32, #tpu.memory_space<vmem>>, vector<16xi32>,
      %shift_right_logical3A_519 = arith.constant 20 : i32
      %shift_right_logical3A_520 = vector.broadcast %shift_right_logical3A_519 : i32 to vector<16xi32>
      %shift_right_logical3A_521 = arith.shrui %get3A_513, %shift_right_logical3A_520 : vector<16xi32>
      %swap3A_522 = arith.constant 624 : index
      %swap3A_523 = tpu.vector_load %arg7[%swap3A_522] {strides = array<i32>} : memref<1024xi32, #tpu.memory_space<vmem>>, vector<16xi32>,
      tpu.vector_store %arg7[%swap3A_522], %shift_right_logical3A_521 {strides = array<i32>} : memref<1024xi32, #tpu.memory_space<vmem>>, vector<16xi32>,
      %dma_start3A_524 = arith.constant 512 : i32
      %dma_start3A_525 = tpu.memref_slice %arg8[%dma_start3A_524] : memref<1024xi32, #tpu.memory_space<vmem>> -> memref<128xi32, #tpu.memory_space<vmem>>
      %dma_start3A_526 = arith.constant 512 : i32
      %dma_start3A_527 = tpu.memref_slice %arg6[%dma_start3A_526] : memref<1024xi32, #tpu.memory_space<vmem>> -> memref<128xi32, #tpu.memory_space<vmem>>
      %dma_start3A_528 = arith.constant 0 : i32
      %dma_start3A_529 = tpu.memref_slice %arg10[%dma_start3A_528] : memref<589824xi32, #tpu.memory_space<vmem_shared>> -> memref<589824xi32, #tpu.memory_space<vmem_shared>>
      tpu.enqueue_indirect_dma source(%dma_start3A_529 : memref<589824xi32, #tpu.memory_space<vmem_shared>>) target(%dma_start3A_525 : memref<128xi32, #tpu.memory_space<vmem>>) offsets(%dma_start3A_527 : memref<128xi32, #tpu.memory_space<vmem>>) semaphore(%arg12 : memref<!tpu.dma_semaphore, #tpu.memory_space<semaphore_mem>>)
      %get3A_530 = arith.constant 640 : index
      %get3A_531 = tpu.vector_load %arg5[%get3A_530] {strides = array<i32>} : memref<1024xi32, #tpu.memory_space<vmem>>, vector<16xi32>,
      %and3A_532 = arith.constant 1048575 : i32
      %and3A_533 = vector.broadcast %and3A_532 : i32 to vector<16xi32>
      %and3A_534 = arith.andi %get3A_531, %and3A_533 : vector<16xi32>
      %swap3A_535 = arith.constant 640 : index
      %swap3A_536 = tpu.vector_load %arg6[%swap3A_535] {strides = array<i32>} : memref<1024xi32, #tpu.memory_space<vmem>>, vector<16xi32>,
      tpu.vector_store %arg6[%swap3A_535], %and3A_534 {strides = array<i32>} : memref<1024xi32, #tpu.memory_space<vmem>>, vector<16xi32>,
      %shift_right_logical3A_537 = arith.constant 20 : i32
      %shift_right_logical3A_538 = vector.broadcast %shift_right_logical3A_537 : i32 to vector<16xi32>
      %shift_right_logical3A_539 = arith.shrui %get3A_531, %shift_right_logical3A_538 : vector<16xi32>
      %swap3A_540 = arith.constant 640 : index
      %swap3A_541 = tpu.vector_load %arg7[%swap3A_540] {strides = array<i32>} : memref<1024xi32, #tpu.memory_space<vmem>>, vector<16xi32>,
      tpu.vector_store %arg7[%swap3A_540], %shift_right_logical3A_539 {strides = array<i32>} : memref<1024xi32, #tpu.memory_space<vmem>>, vector<16xi32>,
      %get3A_542 = arith.constant 656 : index
      %get3A_543 = tpu.vector_load %arg5[%get3A_542] {strides = array<i32>} : memref<1024xi32, #tpu.memory_space<vmem>>, vector<16xi32>,
      %and3A_544 = arith.constant 1048575 : i32
      %and3A_545 = vector.broadcast %and3A_544 : i32 to vector<16xi32>
      %and3A_546 = arith.andi %get3A_543, %and3A_545 : vector<16xi32>
      %swap3A_547 = arith.constant 656 : index
      %swap3A_548 = tpu.vector_load %arg6[%swap3A_547] {strides = array<i32>} : memref<1024xi32, #tpu.memory_space<vmem>>, vector<16xi32>,
      tpu.vector_store %arg6[%swap3A_547], %and3A_546 {strides = array<i32>} : memref<1024xi32, #tpu.memory_space<vmem>>, vector<16xi32>,
      %shift_right_logical3A_549 = arith.constant 20 : i32
      %shift_right_logical3A_550 = vector.broadcast %shift_right_logical3A_549 : i32 to vector<16xi32>
      %shift_right_logical3A_551 = arith.shrui %get3A_543, %shift_right_logical3A_550 : vector<16xi32>
      %swap3A_552 = arith.constant 656 : index
      %swap3A_553 = tpu.vector_load %arg7[%swap3A_552] {strides = array<i32>} : memref<1024xi32, #tpu.memory_space<vmem>>, vector<16xi32>,
      tpu.vector_store %arg7[%swap3A_552], %shift_right_logical3A_551 {strides = array<i32>} : memref<1024xi32, #tpu.memory_space<vmem>>, vector<16xi32>,
      %get3A_554 = arith.constant 672 : index
      %get3A_555 = tpu.vector_load %arg5[%get3A_554] {strides = array<i32>} : memref<1024xi32, #tpu.memory_space<vmem>>, vector<16xi32>,
      %and3A_556 = arith.constant 1048575 : i32
      %and3A_557 = vector.broadcast %and3A_556 : i32 to vector<16xi32>
      %and3A_558 = arith.andi %get3A_555, %and3A_557 : vector<16xi32>
      %swap3A_559 = arith.constant 672 : index
      %swap3A_560 = tpu.vector_load %arg6[%swap3A_559] {strides = array<i32>} : memref<1024xi32, #tpu.memory_space<vmem>>, vector<16xi32>,
      tpu.vector_store %arg6[%swap3A_559], %and3A_558 {strides = array<i32>} : memref<1024xi32, #tpu.memory_space<vmem>>, vector<16xi32>,
      %shift_right_logical3A_561 = arith.constant 20 : i32
      %shift_right_logical3A_562 = vector.broadcast %shift_right_logical3A_561 : i32 to vector<16xi32>
      %shift_right_logical3A_563 = arith.shrui %get3A_555, %shift_right_logical3A_562 : vector<16xi32>
      %swap3A_564 = arith.constant 672 : index
      %swap3A_565 = tpu.vector_load %arg7[%swap3A_564] {strides = array<i32>} : memref<1024xi32, #tpu.memory_space<vmem>>, vector<16xi32>,
      tpu.vector_store %arg7[%swap3A_564], %shift_right_logical3A_563 {strides = array<i32>} : memref<1024xi32, #tpu.memory_space<vmem>>, vector<16xi32>,
      %get3A_566 = arith.constant 688 : index
      %get3A_567 = tpu.vector_load %arg5[%get3A_566] {strides = array<i32>} : memref<1024xi32, #tpu.memory_space<vmem>>, vector<16xi32>,
      %and3A_568 = arith.constant 1048575 : i32
      %and3A_569 = vector.broadcast %and3A_568 : i32 to vector<16xi32>
      %and3A_570 = arith.andi %get3A_567, %and3A_569 : vector<16xi32>
      %swap3A_571 = arith.constant 688 : index
      %swap3A_572 = tpu.vector_load %arg6[%swap3A_571] {strides = array<i32>} : memref<1024xi32, #tpu.memory_space<vmem>>, vector<16xi32>,
      tpu.vector_store %arg6[%swap3A_571], %and3A_570 {strides = array<i32>} : memref<1024xi32, #tpu.memory_space<vmem>>, vector<16xi32>,
      %shift_right_logical3A_573 = arith.constant 20 : i32
      %shift_right_logical3A_574 = vector.broadcast %shift_right_logical3A_573 : i32 to vector<16xi32>
      %shift_right_logical3A_575 = arith.shrui %get3A_567, %shift_right_logical3A_574 : vector<16xi32>
      %swap3A_576 = arith.constant 688 : index
      %swap3A_577 = tpu.vector_load %arg7[%swap3A_576] {strides = array<i32>} : memref<1024xi32, #tpu.memory_space<vmem>>, vector<16xi32>,
      tpu.vector_store %arg7[%swap3A_576], %shift_right_logical3A_575 {strides = array<i32>} : memref<1024xi32, #tpu.memory_space<vmem>>, vector<16xi32>,
      %get3A_578 = arith.constant 704 : index
      %get3A_579 = tpu.vector_load %arg5[%get3A_578] {strides = array<i32>} : memref<1024xi32, #tpu.memory_space<vmem>>, vector<16xi32>,
      %and3A_580 = arith.constant 1048575 : i32
      %and3A_581 = vector.broadcast %and3A_580 : i32 to vector<16xi32>
      %and3A_582 = arith.andi %get3A_579, %and3A_581 : vector<16xi32>
      %swap3A_583 = arith.constant 704 : index
      %swap3A_584 = tpu.vector_load %arg6[%swap3A_583] {strides = array<i32>} : memref<1024xi32, #tpu.memory_space<vmem>>, vector<16xi32>,
      tpu.vector_store %arg6[%swap3A_583], %and3A_582 {strides = array<i32>} : memref<1024xi32, #tpu.memory_space<vmem>>, vector<16xi32>,
      %shift_right_logical3A_585 = arith.constant 20 : i32
      %shift_right_logical3A_586 = vector.broadcast %shift_right_logical3A_585 : i32 to vector<16xi32>
      %shift_right_logical3A_587 = arith.shrui %get3A_579, %shift_right_logical3A_586 : vector<16xi32>
      %swap3A_588 = arith.constant 704 : index
      %swap3A_589 = tpu.vector_load %arg7[%swap3A_588] {strides = array<i32>} : memref<1024xi32, #tpu.memory_space<vmem>>, vector<16xi32>,
      tpu.vector_store %arg7[%swap3A_588], %shift_right_logical3A_587 {strides = array<i32>} : memref<1024xi32, #tpu.memory_space<vmem>>, vector<16xi32>,
      %get3A_590 = arith.constant 720 : index
      %get3A_591 = tpu.vector_load %arg5[%get3A_590] {strides = array<i32>} : memref<1024xi32, #tpu.memory_space<vmem>>, vector<16xi32>,
      %and3A_592 = arith.constant 1048575 : i32
      %and3A_593 = vector.broadcast %and3A_592 : i32 to vector<16xi32>
      %and3A_594 = arith.andi %get3A_591, %and3A_593 : vector<16xi32>
      %swap3A_595 = arith.constant 720 : index
      %swap3A_596 = tpu.vector_load %arg6[%swap3A_595] {strides = array<i32>} : memref<1024xi32, #tpu.memory_space<vmem>>, vector<16xi32>,
      tpu.vector_store %arg6[%swap3A_595], %and3A_594 {strides = array<i32>} : memref<1024xi32, #tpu.memory_space<vmem>>, vector<16xi32>,
      %shift_right_logical3A_597 = arith.constant 20 : i32
      %shift_right_logical3A_598 = vector.broadcast %shift_right_logical3A_597 : i32 to vector<16xi32>
      %shift_right_logical3A_599 = arith.shrui %get3A_591, %shift_right_logical3A_598 : vector<16xi32>
      %swap3A_600 = arith.constant 720 : index
      %swap3A_601 = tpu.vector_load %arg7[%swap3A_600] {strides = array<i32>} : memref<1024xi32, #tpu.memory_space<vmem>>, vector<16xi32>,
      tpu.vector_store %arg7[%swap3A_600], %shift_right_logical3A_599 {strides = array<i32>} : memref<1024xi32, #tpu.memory_space<vmem>>, vector<16xi32>,
      %get3A_602 = arith.constant 736 : index
      %get3A_603 = tpu.vector_load %arg5[%get3A_602] {strides = array<i32>} : memref<1024xi32, #tpu.memory_space<vmem>>, vector<16xi32>,
      %and3A_604 = arith.constant 1048575 : i32
      %and3A_605 = vector.broadcast %and3A_604 : i32 to vector<16xi32>
      %and3A_606 = arith.andi %get3A_603, %and3A_605 : vector<16xi32>
      %swap3A_607 = arith.constant 736 : index
      %swap3A_608 = tpu.vector_load %arg6[%swap3A_607] {strides = array<i32>} : memref<1024xi32, #tpu.memory_space<vmem>>, vector<16xi32>,
      tpu.vector_store %arg6[%swap3A_607], %and3A_606 {strides = array<i32>} : memref<1024xi32, #tpu.memory_space<vmem>>, vector<16xi32>,
      %shift_right_logical3A_609 = arith.constant 20 : i32
      %shift_right_logical3A_610 = vector.broadcast %shift_right_logical3A_609 : i32 to vector<16xi32>
      %shift_right_logical3A_611 = arith.shrui %get3A_603, %shift_right_logical3A_610 : vector<16xi32>
      %swap3A_612 = arith.constant 736 : index
      %swap3A_613 = tpu.vector_load %arg7[%swap3A_612] {strides = array<i32>} : memref<1024xi32, #tpu.memory_space<vmem>>, vector<16xi32>,
      tpu.vector_store %arg7[%swap3A_612], %shift_right_logical3A_611 {strides = array<i32>} : memref<1024xi32, #tpu.memory_space<vmem>>, vector<16xi32>,
      %get3A_614 = arith.constant 752 : index
      %get3A_615 = tpu.vector_load %arg5[%get3A_614] {strides = array<i32>} : memref<1024xi32, #tpu.memory_space<vmem>>, vector<16xi32>,
      %and3A_616 = arith.constant 1048575 : i32
      %and3A_617 = vector.broadcast %and3A_616 : i32 to vector<16xi32>
      %and3A_618 = arith.andi %get3A_615, %and3A_617 : vector<16xi32>
      %swap3A_619 = arith.constant 752 : index
      %swap3A_620 = tpu.vector_load %arg6[%swap3A_619] {strides = array<i32>} : memref<1024xi32, #tpu.memory_space<vmem>>, vector<16xi32>,
      tpu.vector_store %arg6[%swap3A_619], %and3A_618 {strides = array<i32>} : memref<1024xi32, #tpu.memory_space<vmem>>, vector<16xi32>,
      %shift_right_logical3A_621 = arith.constant 20 : i32
      %shift_right_logical3A_622 = vector.broadcast %shift_right_logical3A_621 : i32 to vector<16xi32>
      %shift_right_logical3A_623 = arith.shrui %get3A_615, %shift_right_logical3A_622 : vector<16xi32>
      %swap3A_624 = arith.constant 752 : index
      %swap3A_625 = tpu.vector_load %arg7[%swap3A_624] {strides = array<i32>} : memref<1024xi32, #tpu.memory_space<vmem>>, vector<16xi32>,
      tpu.vector_store %arg7[%swap3A_624], %shift_right_logical3A_623 {strides = array<i32>} : memref<1024xi32, #tpu.memory_space<vmem>>, vector<16xi32>,
      %dma_start3A_626 = arith.constant 640 : i32
      %dma_start3A_627 = tpu.memref_slice %arg8[%dma_start3A_626] : memref<1024xi32, #tpu.memory_space<vmem>> -> memref<128xi32, #tpu.memory_space<vmem>>
      %dma_start3A_628 = arith.constant 640 : i32
      %dma_start3A_629 = tpu.memref_slice %arg6[%dma_start3A_628] : memref<1024xi32, #tpu.memory_space<vmem>> -> memref<128xi32, #tpu.memory_space<vmem>>
      %dma_start3A_630 = arith.constant 0 : i32
      %dma_start3A_631 = tpu.memref_slice %arg10[%dma_start3A_630] : memref<589824xi32, #tpu.memory_space<vmem_shared>> -> memref<589824xi32, #tpu.memory_space<vmem_shared>>
      tpu.enqueue_indirect_dma source(%dma_start3A_631 : memref<589824xi32, #tpu.memory_space<vmem_shared>>) target(%dma_start3A_627 : memref<128xi32, #tpu.memory_space<vmem>>) offsets(%dma_start3A_629 : memref<128xi32, #tpu.memory_space<vmem>>) semaphore(%arg12 : memref<!tpu.dma_semaphore, #tpu.memory_space<semaphore_mem>>)
      %get3A_632 = arith.constant 768 : index
      %get3A_633 = tpu.vector_load %arg5[%get3A_632] {strides = array<i32>} : memref<1024xi32, #tpu.memory_space<vmem>>, vector<16xi32>,
      %and3A_634 = arith.constant 1048575 : i32
      %and3A_635 = vector.broadcast %and3A_634 : i32 to vector<16xi32>
      %and3A_636 = arith.andi %get3A_633, %and3A_635 : vector<16xi32>
      %swap3A_637 = arith.constant 768 : index
      %swap3A_638 = tpu.vector_load %arg6[%swap3A_637] {strides = array<i32>} : memref<1024xi32, #tpu.memory_space<vmem>>, vector<16xi32>,
      tpu.vector_store %arg6[%swap3A_637], %and3A_636 {strides = array<i32>} : memref<1024xi32, #tpu.memory_space<vmem>>, vector<16xi32>,
      %shift_right_logical3A_639 = arith.constant 20 : i32
      %shift_right_logical3A_640 = vector.broadcast %shift_right_logical3A_639 : i32 to vector<16xi32>
      %shift_right_logical3A_641 = arith.shrui %get3A_633, %shift_right_logical3A_640 : vector<16xi32>
      %swap3A_642 = arith.constant 768 : index
      %swap3A_643 = tpu.vector_load %arg7[%swap3A_642] {strides = array<i32>} : memref<1024xi32, #tpu.memory_space<vmem>>, vector<16xi32>,
      tpu.vector_store %arg7[%swap3A_642], %shift_right_logical3A_641 {strides = array<i32>} : memref<1024xi32, #tpu.memory_space<vmem>>, vector<16xi32>,
      %get3A_644 = arith.constant 784 : index
      %get3A_645 = tpu.vector_load %arg5[%get3A_644] {strides = array<i32>} : memref<1024xi32, #tpu.memory_space<vmem>>, vector<16xi32>,
      %and3A_646 = arith.constant 1048575 : i32
      %and3A_647 = vector.broadcast %and3A_646 : i32 to vector<16xi32>
      %and3A_648 = arith.andi %get3A_645, %and3A_647 : vector<16xi32>
      %swap3A_649 = arith.constant 784 : index
      %swap3A_650 = tpu.vector_load %arg6[%swap3A_649] {strides = array<i32>} : memref<1024xi32, #tpu.memory_space<vmem>>, vector<16xi32>,
      tpu.vector_store %arg6[%swap3A_649], %and3A_648 {strides = array<i32>} : memref<1024xi32, #tpu.memory_space<vmem>>, vector<16xi32>,
      %shift_right_logical3A_651 = arith.constant 20 : i32
      %shift_right_logical3A_652 = vector.broadcast %shift_right_logical3A_651 : i32 to vector<16xi32>
      %shift_right_logical3A_653 = arith.shrui %get3A_645, %shift_right_logical3A_652 : vector<16xi32>
      %swap3A_654 = arith.constant 784 : index
      %swap3A_655 = tpu.vector_load %arg7[%swap3A_654] {strides = array<i32>} : memref<1024xi32, #tpu.memory_space<vmem>>, vector<16xi32>,
      tpu.vector_store %arg7[%swap3A_654], %shift_right_logical3A_653 {strides = array<i32>} : memref<1024xi32, #tpu.memory_space<vmem>>, vector<16xi32>,
      %get3A_656 = arith.constant 800 : index
      %get3A_657 = tpu.vector_load %arg5[%get3A_656] {strides = array<i32>} : memref<1024xi32, #tpu.memory_space<vmem>>, vector<16xi32>,
      %and3A_658 = arith.constant 1048575 : i32
      %and3A_659 = vector.broadcast %and3A_658 : i32 to vector<16xi32>
      %and3A_660 = arith.andi %get3A_657, %and3A_659 : vector<16xi32>
      %swap3A_661 = arith.constant 800 : index
      %swap3A_662 = tpu.vector_load %arg6[%swap3A_661] {strides = array<i32>} : memref<1024xi32, #tpu.memory_space<vmem>>, vector<16xi32>,
      tpu.vector_store %arg6[%swap3A_661], %and3A_660 {strides = array<i32>} : memref<1024xi32, #tpu.memory_space<vmem>>, vector<16xi32>,
      %shift_right_logical3A_663 = arith.constant 20 : i32
      %shift_right_logical3A_664 = vector.broadcast %shift_right_logical3A_663 : i32 to vector<16xi32>
      %shift_right_logical3A_665 = arith.shrui %get3A_657, %shift_right_logical3A_664 : vector<16xi32>
      %swap3A_666 = arith.constant 800 : index
      %swap3A_667 = tpu.vector_load %arg7[%swap3A_666] {strides = array<i32>} : memref<1024xi32, #tpu.memory_space<vmem>>, vector<16xi32>,
      tpu.vector_store %arg7[%swap3A_666], %shift_right_logical3A_665 {strides = array<i32>} : memref<1024xi32, #tpu.memory_space<vmem>>, vector<16xi32>,
      %get3A_668 = arith.constant 816 : index
      %get3A_669 = tpu.vector_load %arg5[%get3A_668] {strides = array<i32>} : memref<1024xi32, #tpu.memory_space<vmem>>, vector<16xi32>,
      %and3A_670 = arith.constant 1048575 : i32
      %and3A_671 = vector.broadcast %and3A_670 : i32 to vector<16xi32>
      %and3A_672 = arith.andi %get3A_669, %and3A_671 : vector<16xi32>
      %swap3A_673 = arith.constant 816 : index
      %swap3A_674 = tpu.vector_load %arg6[%swap3A_673] {strides = array<i32>} : memref<1024xi32, #tpu.memory_space<vmem>>, vector<16xi32>,
      tpu.vector_store %arg6[%swap3A_673], %and3A_672 {strides = array<i32>} : memref<1024xi32, #tpu.memory_space<vmem>>, vector<16xi32>,
      %shift_right_logical3A_675 = arith.constant 20 : i32
      %shift_right_logical3A_676 = vector.broadcast %shift_right_logical3A_675 : i32 to vector<16xi32>
      %shift_right_logical3A_677 = arith.shrui %get3A_669, %shift_right_logical3A_676 : vector<16xi32>
      %swap3A_678 = arith.constant 816 : index
      %swap3A_679 = tpu.vector_load %arg7[%swap3A_678] {strides = array<i32>} : memref<1024xi32, #tpu.memory_space<vmem>>, vector<16xi32>,
      tpu.vector_store %arg7[%swap3A_678], %shift_right_logical3A_677 {strides = array<i32>} : memref<1024xi32, #tpu.memory_space<vmem>>, vector<16xi32>,
      %get3A_680 = arith.constant 832 : index
      %get3A_681 = tpu.vector_load %arg5[%get3A_680] {strides = array<i32>} : memref<1024xi32, #tpu.memory_space<vmem>>, vector<16xi32>,
      %and3A_682 = arith.constant 1048575 : i32
      %and3A_683 = vector.broadcast %and3A_682 : i32 to vector<16xi32>
      %and3A_684 = arith.andi %get3A_681, %and3A_683 : vector<16xi32>
      %swap3A_685 = arith.constant 832 : index
      %swap3A_686 = tpu.vector_load %arg6[%swap3A_685] {strides = array<i32>} : memref<1024xi32, #tpu.memory_space<vmem>>, vector<16xi32>,
      tpu.vector_store %arg6[%swap3A_685], %and3A_684 {strides = array<i32>} : memref<1024xi32, #tpu.memory_space<vmem>>, vector<16xi32>,
      %shift_right_logical3A_687 = arith.constant 20 : i32
      %shift_right_logical3A_688 = vector.broadcast %shift_right_logical3A_687 : i32 to vector<16xi32>
      %shift_right_logical3A_689 = arith.shrui %get3A_681, %shift_right_logical3A_688 : vector<16xi32>
      %swap3A_690 = arith.constant 832 : index
      %swap3A_691 = tpu.vector_load %arg7[%swap3A_690] {strides = array<i32>} : memref<1024xi32, #tpu.memory_space<vmem>>, vector<16xi32>,
      tpu.vector_store %arg7[%swap3A_690], %shift_right_logical3A_689 {strides = array<i32>} : memref<1024xi32, #tpu.memory_space<vmem>>, vector<16xi32>,
      %get3A_692 = arith.constant 848 : index
      %get3A_693 = tpu.vector_load %arg5[%get3A_692] {strides = array<i32>} : memref<1024xi32, #tpu.memory_space<vmem>>, vector<16xi32>,
      %and3A_694 = arith.constant 1048575 : i32
      %and3A_695 = vector.broadcast %and3A_694 : i32 to vector<16xi32>
      %and3A_696 = arith.andi %get3A_693, %and3A_695 : vector<16xi32>
      %swap3A_697 = arith.constant 848 : index
      %swap3A_698 = tpu.vector_load %arg6[%swap3A_697] {strides = array<i32>} : memref<1024xi32, #tpu.memory_space<vmem>>, vector<16xi32>,
      tpu.vector_store %arg6[%swap3A_697], %and3A_696 {strides = array<i32>} : memref<1024xi32, #tpu.memory_space<vmem>>, vector<16xi32>,
      %shift_right_logical3A_699 = arith.constant 20 : i32
      %shift_right_logical3A_700 = vector.broadcast %shift_right_logical3A_699 : i32 to vector<16xi32>
      %shift_right_logical3A_701 = arith.shrui %get3A_693, %shift_right_logical3A_700 : vector<16xi32>
      %swap3A_702 = arith.constant 848 : index
      %swap3A_703 = tpu.vector_load %arg7[%swap3A_702] {strides = array<i32>} : memref<1024xi32, #tpu.memory_space<vmem>>, vector<16xi32>,
      tpu.vector_store %arg7[%swap3A_702], %shift_right_logical3A_701 {strides = array<i32>} : memref<1024xi32, #tpu.memory_space<vmem>>, vector<16xi32>,
      %get3A_704 = arith.constant 864 : index
      %get3A_705 = tpu.vector_load %arg5[%get3A_704] {strides = array<i32>} : memref<1024xi32, #tpu.memory_space<vmem>>, vector<16xi32>,
      %and3A_706 = arith.constant 1048575 : i32
      %and3A_707 = vector.broadcast %and3A_706 : i32 to vector<16xi32>
      %and3A_708 = arith.andi %get3A_705, %and3A_707 : vector<16xi32>
      %swap3A_709 = arith.constant 864 : index
      %swap3A_710 = tpu.vector_load %arg6[%swap3A_709] {strides = array<i32>} : memref<1024xi32, #tpu.memory_space<vmem>>, vector<16xi32>,
      tpu.vector_store %arg6[%swap3A_709], %and3A_708 {strides = array<i32>} : memref<1024xi32, #tpu.memory_space<vmem>>, vector<16xi32>,
      %shift_right_logical3A_711 = arith.constant 20 : i32
      %shift_right_logical3A_712 = vector.broadcast %shift_right_logical3A_711 : i32 to vector<16xi32>
      %shift_right_logical3A_713 = arith.shrui %get3A_705, %shift_right_logical3A_712 : vector<16xi32>
      %swap3A_714 = arith.constant 864 : index
      %swap3A_715 = tpu.vector_load %arg7[%swap3A_714] {strides = array<i32>} : memref<1024xi32, #tpu.memory_space<vmem>>, vector<16xi32>,
      tpu.vector_store %arg7[%swap3A_714], %shift_right_logical3A_713 {strides = array<i32>} : memref<1024xi32, #tpu.memory_space<vmem>>, vector<16xi32>,
      %get3A_716 = arith.constant 880 : index
      %get3A_717 = tpu.vector_load %arg5[%get3A_716] {strides = array<i32>} : memref<1024xi32, #tpu.memory_space<vmem>>, vector<16xi32>,
      %and3A_718 = arith.constant 1048575 : i32
      %and3A_719 = vector.broadcast %and3A_718 : i32 to vector<16xi32>
      %and3A_720 = arith.andi %get3A_717, %and3A_719 : vector<16xi32>
      %swap3A_721 = arith.constant 880 : index
      %swap3A_722 = tpu.vector_load %arg6[%swap3A_721] {strides = array<i32>} : memref<1024xi32, #tpu.memory_space<vmem>>, vector<16xi32>,
      tpu.vector_store %arg6[%swap3A_721], %and3A_720 {strides = array<i32>} : memref<1024xi32, #tpu.memory_space<vmem>>, vector<16xi32>,
      %shift_right_logical3A_723 = arith.constant 20 : i32
      %shift_right_logical3A_724 = vector.broadcast %shift_right_logical3A_723 : i32 to vector<16xi32>
      %shift_right_logical3A_725 = arith.shrui %get3A_717, %shift_right_logical3A_724 : vector<16xi32>
      %swap3A_726 = arith.constant 880 : index
      %swap3A_727 = tpu.vector_load %arg7[%swap3A_726] {strides = array<i32>} : memref<1024xi32, #tpu.memory_space<vmem>>, vector<16xi32>,
      tpu.vector_store %arg7[%swap3A_726], %shift_right_logical3A_725 {strides = array<i32>} : memref<1024xi32, #tpu.memory_space<vmem>>, vector<16xi32>,
      %dma_start3A_728 = arith.constant 768 : i32
      %dma_start3A_729 = tpu.memref_slice %arg8[%dma_start3A_728] : memref<1024xi32, #tpu.memory_space<vmem>> -> memref<128xi32, #tpu.memory_space<vmem>>
      %dma_start3A_730 = arith.constant 768 : i32
      %dma_start3A_731 = tpu.memref_slice %arg6[%dma_start3A_730] : memref<1024xi32, #tpu.memory_space<vmem>> -> memref<128xi32, #tpu.memory_space<vmem>>
      %dma_start3A_732 = arith.constant 0 : i32
      %dma_start3A_733 = tpu.memref_slice %arg10[%dma_start3A_732] : memref<589824xi32, #tpu.memory_space<vmem_shared>> -> memref<589824xi32, #tpu.memory_space<vmem_shared>>
      tpu.enqueue_indirect_dma source(%dma_start3A_733 : memref<589824xi32, #tpu.memory_space<vmem_shared>>) target(%dma_start3A_729 : memref<128xi32, #tpu.memory_space<vmem>>) offsets(%dma_start3A_731 : memref<128xi32, #tpu.memory_space<vmem>>) semaphore(%arg12 : memref<!tpu.dma_semaphore, #tpu.memory_space<semaphore_mem>>)
      %get3A_734 = arith.constant 896 : index
      %get3A_735 = tpu.vector_load %arg5[%get3A_734] {strides = array<i32>} : memref<1024xi32, #tpu.memory_space<vmem>>, vector<16xi32>,
      %and3A_736 = arith.constant 1048575 : i32
      %and3A_737 = vector.broadcast %and3A_736 : i32 to vector<16xi32>
      %and3A_738 = arith.andi %get3A_735, %and3A_737 : vector<16xi32>
      %swap3A_739 = arith.constant 896 : index
      %swap3A_740 = tpu.vector_load %arg6[%swap3A_739] {strides = array<i32>} : memref<1024xi32, #tpu.memory_space<vmem>>, vector<16xi32>,
      tpu.vector_store %arg6[%swap3A_739], %and3A_738 {strides = array<i32>} : memref<1024xi32, #tpu.memory_space<vmem>>, vector<16xi32>,
      %shift_right_logical3A_741 = arith.constant 20 : i32
      %shift_right_logical3A_742 = vector.broadcast %shift_right_logical3A_741 : i32 to vector<16xi32>
      %shift_right_logical3A_743 = arith.shrui %get3A_735, %shift_right_logical3A_742 : vector<16xi32>
      %swap3A_744 = arith.constant 896 : index
      %swap3A_745 = tpu.vector_load %arg7[%swap3A_744] {strides = array<i32>} : memref<1024xi32, #tpu.memory_space<vmem>>, vector<16xi32>,
      tpu.vector_store %arg7[%swap3A_744], %shift_right_logical3A_743 {strides = array<i32>} : memref<1024xi32, #tpu.memory_space<vmem>>, vector<16xi32>,
      %get3A_746 = arith.constant 912 : index
      %get3A_747 = tpu.vector_load %arg5[%get3A_746] {strides = array<i32>} : memref<1024xi32, #tpu.memory_space<vmem>>, vector<16xi32>,
      %and3A_748 = arith.constant 1048575 : i32
      %and3A_749 = vector.broadcast %and3A_748 : i32 to vector<16xi32>
      %and3A_750 = arith.andi %get3A_747, %and3A_749 : vector<16xi32>
      %swap3A_751 = arith.constant 912 : index
      %swap3A_752 = tpu.vector_load %arg6[%swap3A_751] {strides = array<i32>} : memref<1024xi32, #tpu.memory_space<vmem>>, vector<16xi32>,
      tpu.vector_store %arg6[%swap3A_751], %and3A_750 {strides = array<i32>} : memref<1024xi32, #tpu.memory_space<vmem>>, vector<16xi32>,
      %shift_right_logical3A_753 = arith.constant 20 : i32
      %shift_right_logical3A_754 = vector.broadcast %shift_right_logical3A_753 : i32 to vector<16xi32>
      %shift_right_logical3A_755 = arith.shrui %get3A_747, %shift_right_logical3A_754 : vector<16xi32>
      %swap3A_756 = arith.constant 912 : index
      %swap3A_757 = tpu.vector_load %arg7[%swap3A_756] {strides = array<i32>} : memref<1024xi32, #tpu.memory_space<vmem>>, vector<16xi32>,
      tpu.vector_store %arg7[%swap3A_756], %shift_right_logical3A_755 {strides = array<i32>} : memref<1024xi32, #tpu.memory_space<vmem>>, vector<16xi32>,
      %get3A_758 = arith.constant 928 : index
      %get3A_759 = tpu.vector_load %arg5[%get3A_758] {strides = array<i32>} : memref<1024xi32, #tpu.memory_space<vmem>>, vector<16xi32>,
      %and3A_760 = arith.constant 1048575 : i32
      %and3A_761 = vector.broadcast %and3A_760 : i32 to vector<16xi32>
      %and3A_762 = arith.andi %get3A_759, %and3A_761 : vector<16xi32>
      %swap3A_763 = arith.constant 928 : index
      %swap3A_764 = tpu.vector_load %arg6[%swap3A_763] {strides = array<i32>} : memref<1024xi32, #tpu.memory_space<vmem>>, vector<16xi32>,
      tpu.vector_store %arg6[%swap3A_763], %and3A_762 {strides = array<i32>} : memref<1024xi32, #tpu.memory_space<vmem>>, vector<16xi32>,
      %shift_right_logical3A_765 = arith.constant 20 : i32
      %shift_right_logical3A_766 = vector.broadcast %shift_right_logical3A_765 : i32 to vector<16xi32>
      %shift_right_logical3A_767 = arith.shrui %get3A_759, %shift_right_logical3A_766 : vector<16xi32>
      %swap3A_768 = arith.constant 928 : index
      %swap3A_769 = tpu.vector_load %arg7[%swap3A_768] {strides = array<i32>} : memref<1024xi32, #tpu.memory_space<vmem>>, vector<16xi32>,
      tpu.vector_store %arg7[%swap3A_768], %shift_right_logical3A_767 {strides = array<i32>} : memref<1024xi32, #tpu.memory_space<vmem>>, vector<16xi32>,
      %get3A_770 = arith.constant 944 : index
      %get3A_771 = tpu.vector_load %arg5[%get3A_770] {strides = array<i32>} : memref<1024xi32, #tpu.memory_space<vmem>>, vector<16xi32>,
      %and3A_772 = arith.constant 1048575 : i32
      %and3A_773 = vector.broadcast %and3A_772 : i32 to vector<16xi32>
      %and3A_774 = arith.andi %get3A_771, %and3A_773 : vector<16xi32>
      %swap3A_775 = arith.constant 944 : index
      %swap3A_776 = tpu.vector_load %arg6[%swap3A_775] {strides = array<i32>} : memref<1024xi32, #tpu.memory_space<vmem>>, vector<16xi32>,
      tpu.vector_store %arg6[%swap3A_775], %and3A_774 {strides = array<i32>} : memref<1024xi32, #tpu.memory_space<vmem>>, vector<16xi32>,
      %shift_right_logical3A_777 = arith.constant 20 : i32
      %shift_right_logical3A_778 = vector.broadcast %shift_right_logical3A_777 : i32 to vector<16xi32>
      %shift_right_logical3A_779 = arith.shrui %get3A_771, %shift_right_logical3A_778 : vector<16xi32>
      %swap3A_780 = arith.constant 944 : index
      %swap3A_781 = tpu.vector_load %arg7[%swap3A_780] {strides = array<i32>} : memref<1024xi32, #tpu.memory_space<vmem>>, vector<16xi32>,
      tpu.vector_store %arg7[%swap3A_780], %shift_right_logical3A_779 {strides = array<i32>} : memref<1024xi32, #tpu.memory_space<vmem>>, vector<16xi32>,
      %get3A_782 = arith.constant 960 : index
      %get3A_783 = tpu.vector_load %arg5[%get3A_782] {strides = array<i32>} : memref<1024xi32, #tpu.memory_space<vmem>>, vector<16xi32>,
      %and3A_784 = arith.constant 1048575 : i32
      %and3A_785 = vector.broadcast %and3A_784 : i32 to vector<16xi32>
      %and3A_786 = arith.andi %get3A_783, %and3A_785 : vector<16xi32>
      %swap3A_787 = arith.constant 960 : index
      %swap3A_788 = tpu.vector_load %arg6[%swap3A_787] {strides = array<i32>} : memref<1024xi32, #tpu.memory_space<vmem>>, vector<16xi32>,
      tpu.vector_store %arg6[%swap3A_787], %and3A_786 {strides = array<i32>} : memref<1024xi32, #tpu.memory_space<vmem>>, vector<16xi32>,
      %shift_right_logical3A_789 = arith.constant 20 : i32
      %shift_right_logical3A_790 = vector.broadcast %shift_right_logical3A_789 : i32 to vector<16xi32>
      %shift_right_logical3A_791 = arith.shrui %get3A_783, %shift_right_logical3A_790 : vector<16xi32>
      %swap3A_792 = arith.constant 960 : index
      %swap3A_793 = tpu.vector_load %arg7[%swap3A_792] {strides = array<i32>} : memref<1024xi32, #tpu.memory_space<vmem>>, vector<16xi32>,
      tpu.vector_store %arg7[%swap3A_792], %shift_right_logical3A_791 {strides = array<i32>} : memref<1024xi32, #tpu.memory_space<vmem>>, vector<16xi32>,
      %get3A_794 = arith.constant 976 : index
      %get3A_795 = tpu.vector_load %arg5[%get3A_794] {strides = array<i32>} : memref<1024xi32, #tpu.memory_space<vmem>>, vector<16xi32>,
      %and3A_796 = arith.constant 1048575 : i32
      %and3A_797 = vector.broadcast %and3A_796 : i32 to vector<16xi32>
      %and3A_798 = arith.andi %get3A_795, %and3A_797 : vector<16xi32>
      %swap3A_799 = arith.constant 976 : index
      %swap3A_800 = tpu.vector_load %arg6[%swap3A_799] {strides = array<i32>} : memref<1024xi32, #tpu.memory_space<vmem>>, vector<16xi32>,
      tpu.vector_store %arg6[%swap3A_799], %and3A_798 {strides = array<i32>} : memref<1024xi32, #tpu.memory_space<vmem>>, vector<16xi32>,
      %shift_right_logical3A_801 = arith.constant 20 : i32
      %shift_right_logical3A_802 = vector.broadcast %shift_right_logical3A_801 : i32 to vector<16xi32>
      %shift_right_logical3A_803 = arith.shrui %get3A_795, %shift_right_logical3A_802 : vector<16xi32>
      %swap3A_804 = arith.constant 976 : index
      %swap3A_805 = tpu.vector_load %arg7[%swap3A_804] {strides = array<i32>} : memref<1024xi32, #tpu.memory_space<vmem>>, vector<16xi32>,
      tpu.vector_store %arg7[%swap3A_804], %shift_right_logical3A_803 {strides = array<i32>} : memref<1024xi32, #tpu.memory_space<vmem>>, vector<16xi32>,
      %get3A_806 = arith.constant 992 : index
      %get3A_807 = tpu.vector_load %arg5[%get3A_806] {strides = array<i32>} : memref<1024xi32, #tpu.memory_space<vmem>>, vector<16xi32>,
      %and3A_808 = arith.constant 1048575 : i32
      %and3A_809 = vector.broadcast %and3A_808 : i32 to vector<16xi32>
      %and3A_810 = arith.andi %get3A_807, %and3A_809 : vector<16xi32>
      %swap3A_811 = arith.constant 992 : index
      %swap3A_812 = tpu.vector_load %arg6[%swap3A_811] {strides = array<i32>} : memref<1024xi32, #tpu.memory_space<vmem>>, vector<16xi32>,
      tpu.vector_store %arg6[%swap3A_811], %and3A_810 {strides = array<i32>} : memref<1024xi32, #tpu.memory_space<vmem>>, vector<16xi32>,
      %shift_right_logical3A_813 = arith.constant 20 : i32
      %shift_right_logical3A_814 = vector.broadcast %shift_right_logical3A_813 : i32 to vector<16xi32>
      %shift_right_logical3A_815 = arith.shrui %get3A_807, %shift_right_logical3A_814 : vector<16xi32>
      %swap3A_816 = arith.constant 992 : index
      %swap3A_817 = tpu.vector_load %arg7[%swap3A_816] {strides = array<i32>} : memref<1024xi32, #tpu.memory_space<vmem>>, vector<16xi32>,
      tpu.vector_store %arg7[%swap3A_816], %shift_right_logical3A_815 {strides = array<i32>} : memref<1024xi32, #tpu.memory_space<vmem>>, vector<16xi32>,
      %get3A_818 = arith.constant 1008 : index
      %get3A_819 = tpu.vector_load %arg5[%get3A_818] {strides = array<i32>} : memref<1024xi32, #tpu.memory_space<vmem>>, vector<16xi32>,
      %and3A_820 = arith.constant 1048575 : i32
      %and3A_821 = vector.broadcast %and3A_820 : i32 to vector<16xi32>
      %and3A_822 = arith.andi %get3A_819, %and3A_821 : vector<16xi32>
      %swap3A_823 = arith.constant 1008 : index
      %swap3A_824 = tpu.vector_load %arg6[%swap3A_823] {strides = array<i32>} : memref<1024xi32, #tpu.memory_space<vmem>>, vector<16xi32>,
      tpu.vector_store %arg6[%swap3A_823], %and3A_822 {strides = array<i32>} : memref<1024xi32, #tpu.memory_space<vmem>>, vector<16xi32>,
      %shift_right_logical3A_825 = arith.constant 20 : i32
      %shift_right_logical3A_826 = vector.broadcast %shift_right_logical3A_825 : i32 to vector<16xi32>
      %shift_right_logical3A_827 = arith.shrui %get3A_819, %shift_right_logical3A_826 : vector<16xi32>
      %swap3A_828 = arith.constant 1008 : index
      %swap3A_829 = tpu.vector_load %arg7[%swap3A_828] {strides = array<i32>} : memref<1024xi32, #tpu.memory_space<vmem>>, vector<16xi32>,
      tpu.vector_store %arg7[%swap3A_828], %shift_right_logical3A_827 {strides = array<i32>} : memref<1024xi32, #tpu.memory_space<vmem>>, vector<16xi32>,
      %dma_start3A_830 = arith.constant 896 : i32
      %dma_start3A_831 = tpu.memref_slice %arg8[%dma_start3A_830] : memref<1024xi32, #tpu.memory_space<vmem>> -> memref<128xi32, #tpu.memory_space<vmem>>
      %dma_start3A_832 = arith.constant 896 : i32
      %dma_start3A_833 = tpu.memref_slice %arg6[%dma_start3A_832] : memref<1024xi32, #tpu.memory_space<vmem>> -> memref<128xi32, #tpu.memory_space<vmem>>
      %dma_start3A_834 = arith.constant 0 : i32
      %dma_start3A_835 = tpu.memref_slice %arg10[%dma_start3A_834] : memref<589824xi32, #tpu.memory_space<vmem_shared>> -> memref<589824xi32, #tpu.memory_space<vmem_shared>>
      tpu.enqueue_indirect_dma source(%dma_start3A_835 : memref<589824xi32, #tpu.memory_space<vmem_shared>>) target(%dma_start3A_831 : memref<128xi32, #tpu.memory_space<vmem>>) offsets(%dma_start3A_833 : memref<128xi32, #tpu.memory_space<vmem>>) semaphore(%arg12 : memref<!tpu.dma_semaphore, #tpu.memory_space<semaphore_mem>>)
      %add3A_836 = arith.constant 1 : i32
      %add3A_837 = arith.addi %scan3A_16, %add3A_836 : i32
      %rem3A = arith.constant 32 : i32
      %rem3A_838 = arith.remsi %add3A_837, %rem3A : i32
      %mul3A_839 = arith.constant 1024 : i32
      %mul3A_840 = arith.muli %rem3A_838, %mul3A_839 : i32
      %add3A_841 = arith.addi %mul3A_2, %mul3A_840 : i32
      %dma_start3A_842 = tpu.memref_slice %arg2[%add3A_841] : memref<1048576xi32, #tpu.memory_space<hbm>> -> memref<1024xi32, #tpu.memory_space<hbm>>
      %dma_start3A_843 = tpu.memref_slice %arg2[%add3A_841] : memref<1048576xi32, #tpu.memory_space<hbm>> -> memref<1024xi32, #tpu.memory_space<hbm>>
      tpu.enqueue_dma source(%dma_start3A_843 : memref<1024xi32, #tpu.memory_space<hbm>>) target(%arg5 : memref<1024xi32, #tpu.memory_space<vmem>>) target_semaphore(%arg11 : memref<!tpu.dma_semaphore, #tpu.memory_space<semaphore_mem>>)
      %dma_wait3A_844 = arith.constant 0 : i32
      %dma_wait3A_845 = tpu.memref_slice %arg3[%dma_wait3A_844] : memref<589824xi32, #tpu.memory_space<hbm>> -> memref<1024xi32, #tpu.memory_space<hbm>>
      %dma_wait3A_846 = arith.constant 0 : i32
      %dma_wait3A_847 = tpu.memref_slice %arg3[%dma_wait3A_846] : memref<589824xi32, #tpu.memory_space<hbm>> -> memref<1024xi32, #tpu.memory_space<hbm>>
      tpu.wait_dma2 semaphore(%arg12 : memref<!tpu.dma_semaphore, #tpu.memory_space<semaphore_mem>>) src(%dma_wait3A_847 : memref<1024xi32, #tpu.memory_space<hbm>>) dst(%arg8 : memref<1024xi32, #tpu.memory_space<vmem>>)
      %get3A_848 = arith.constant 0 : index
      %get3A_849 = tpu.vector_load %arg8[%get3A_848] {strides = array<i32>} : memref<1024xi32, #tpu.memory_space<vmem>>, vector<16xi32>,
      %get3A_850 = arith.constant 0 : index
      %get3A_851 = tpu.vector_load %arg7[%get3A_850] {strides = array<i32>} : memref<1024xi32, #tpu.memory_space<vmem>>, vector<16xi32>,
      %shift_right_logical3A_852 = arith.shrui %get3A_849, %get3A_851 : vector<16xi32>
      %and3A_853 = arith.constant 1 : i32
      %and3A_854 = vector.broadcast %and3A_853 : i32 to vector<16xi32>
      %and3A_855 = arith.andi %shift_right_logical3A_852, %and3A_854 : vector<16xi32>
      %swap3A_856 = arith.constant 0 : index
      %swap3A_857 = tpu.vector_load %arg9[%swap3A_856] {strides = array<i32>} : memref<1024xi32, #tpu.memory_space<vmem>>, vector<16xi32>,
      tpu.vector_store %arg9[%swap3A_856], %and3A_855 {strides = array<i32>} : memref<1024xi32, #tpu.memory_space<vmem>>, vector<16xi32>,
      %get3A_858 = arith.constant 16 : index
      %get3A_859 = tpu.vector_load %arg8[%get3A_858] {strides = array<i32>} : memref<1024xi32, #tpu.memory_space<vmem>>, vector<16xi32>,
      %get3A_860 = arith.constant 16 : index
      %get3A_861 = tpu.vector_load %arg7[%get3A_860] {strides = array<i32>} : memref<1024xi32, #tpu.memory_space<vmem>>, vector<16xi32>,
      %shift_right_logical3A_862 = arith.shrui %get3A_859, %get3A_861 : vector<16xi32>
      %and3A_863 = arith.constant 1 : i32
      %and3A_864 = vector.broadcast %and3A_863 : i32 to vector<16xi32>
      %and3A_865 = arith.andi %shift_right_logical3A_862, %and3A_864 : vector<16xi32>
      %swap3A_866 = arith.constant 16 : index
      %swap3A_867 = tpu.vector_load %arg9[%swap3A_866] {strides = array<i32>} : memref<1024xi32, #tpu.memory_space<vmem>>, vector<16xi32>,
      tpu.vector_store %arg9[%swap3A_866], %and3A_865 {strides = array<i32>} : memref<1024xi32, #tpu.memory_space<vmem>>, vector<16xi32>,
      %get3A_868 = arith.constant 32 : index
      %get3A_869 = tpu.vector_load %arg8[%get3A_868] {strides = array<i32>} : memref<1024xi32, #tpu.memory_space<vmem>>, vector<16xi32>,
      %get3A_870 = arith.constant 32 : index
      %get3A_871 = tpu.vector_load %arg7[%get3A_870] {strides = array<i32>} : memref<1024xi32, #tpu.memory_space<vmem>>, vector<16xi32>,
      %shift_right_logical3A_872 = arith.shrui %get3A_869, %get3A_871 : vector<16xi32>
      %and3A_873 = arith.constant 1 : i32
      %and3A_874 = vector.broadcast %and3A_873 : i32 to vector<16xi32>
      %and3A_875 = arith.andi %shift_right_logical3A_872, %and3A_874 : vector<16xi32>
      %swap3A_876 = arith.constant 32 : index
      %swap3A_877 = tpu.vector_load %arg9[%swap3A_876] {strides = array<i32>} : memref<1024xi32, #tpu.memory_space<vmem>>, vector<16xi32>,
      tpu.vector_store %arg9[%swap3A_876], %and3A_875 {strides = array<i32>} : memref<1024xi32, #tpu.memory_space<vmem>>, vector<16xi32>,
      %get3A_878 = arith.constant 48 : index
      %get3A_879 = tpu.vector_load %arg8[%get3A_878] {strides = array<i32>} : memref<1024xi32, #tpu.memory_space<vmem>>, vector<16xi32>,
      %get3A_880 = arith.constant 48 : index
      %get3A_881 = tpu.vector_load %arg7[%get3A_880] {strides = array<i32>} : memref<1024xi32, #tpu.memory_space<vmem>>, vector<16xi32>,
      %shift_right_logical3A_882 = arith.shrui %get3A_879, %get3A_881 : vector<16xi32>
      %and3A_883 = arith.constant 1 : i32
      %and3A_884 = vector.broadcast %and3A_883 : i32 to vector<16xi32>
      %and3A_885 = arith.andi %shift_right_logical3A_882, %and3A_884 : vector<16xi32>
      %swap3A_886 = arith.constant 48 : index
      %swap3A_887 = tpu.vector_load %arg9[%swap3A_886] {strides = array<i32>} : memref<1024xi32, #tpu.memory_space<vmem>>, vector<16xi32>,
      tpu.vector_store %arg9[%swap3A_886], %and3A_885 {strides = array<i32>} : memref<1024xi32, #tpu.memory_space<vmem>>, vector<16xi32>,
      %get3A_888 = arith.constant 64 : index
      %get3A_889 = tpu.vector_load %arg8[%get3A_888] {strides = array<i32>} : memref<1024xi32, #tpu.memory_space<vmem>>, vector<16xi32>,
      %get3A_890 = arith.constant 64 : index
      %get3A_891 = tpu.vector_load %arg7[%get3A_890] {strides = array<i32>} : memref<1024xi32, #tpu.memory_space<vmem>>, vector<16xi32>,
      %shift_right_logical3A_892 = arith.shrui %get3A_889, %get3A_891 : vector<16xi32>
      %and3A_893 = arith.constant 1 : i32
      %and3A_894 = vector.broadcast %and3A_893 : i32 to vector<16xi32>
      %and3A_895 = arith.andi %shift_right_logical3A_892, %and3A_894 : vector<16xi32>
      %swap3A_896 = arith.constant 64 : index
      %swap3A_897 = tpu.vector_load %arg9[%swap3A_896] {strides = array<i32>} : memref<1024xi32, #tpu.memory_space<vmem>>, vector<16xi32>,
      tpu.vector_store %arg9[%swap3A_896], %and3A_895 {strides = array<i32>} : memref<1024xi32, #tpu.memory_space<vmem>>, vector<16xi32>,
      %get3A_898 = arith.constant 80 : index
      %get3A_899 = tpu.vector_load %arg8[%get3A_898] {strides = array<i32>} : memref<1024xi32, #tpu.memory_space<vmem>>, vector<16xi32>,
      %get3A_900 = arith.constant 80 : index
      %get3A_901 = tpu.vector_load %arg7[%get3A_900] {strides = array<i32>} : memref<1024xi32, #tpu.memory_space<vmem>>, vector<16xi32>,
      %shift_right_logical3A_902 = arith.shrui %get3A_899, %get3A_901 : vector<16xi32>
      %and3A_903 = arith.constant 1 : i32
      %and3A_904 = vector.broadcast %and3A_903 : i32 to vector<16xi32>
      %and3A_905 = arith.andi %shift_right_logical3A_902, %and3A_904 : vector<16xi32>
      %swap3A_906 = arith.constant 80 : index
      %swap3A_907 = tpu.vector_load %arg9[%swap3A_906] {strides = array<i32>} : memref<1024xi32, #tpu.memory_space<vmem>>, vector<16xi32>,
      tpu.vector_store %arg9[%swap3A_906], %and3A_905 {strides = array<i32>} : memref<1024xi32, #tpu.memory_space<vmem>>, vector<16xi32>,
      %get3A_908 = arith.constant 96 : index
      %get3A_909 = tpu.vector_load %arg8[%get3A_908] {strides = array<i32>} : memref<1024xi32, #tpu.memory_space<vmem>>, vector<16xi32>,
      %get3A_910 = arith.constant 96 : index
      %get3A_911 = tpu.vector_load %arg7[%get3A_910] {strides = array<i32>} : memref<1024xi32, #tpu.memory_space<vmem>>, vector<16xi32>,
      %shift_right_logical3A_912 = arith.shrui %get3A_909, %get3A_911 : vector<16xi32>
      %and3A_913 = arith.constant 1 : i32
      %and3A_914 = vector.broadcast %and3A_913 : i32 to vector<16xi32>
      %and3A_915 = arith.andi %shift_right_logical3A_912, %and3A_914 : vector<16xi32>
      %swap3A_916 = arith.constant 96 : index
      %swap3A_917 = tpu.vector_load %arg9[%swap3A_916] {strides = array<i32>} : memref<1024xi32, #tpu.memory_space<vmem>>, vector<16xi32>,
      tpu.vector_store %arg9[%swap3A_916], %and3A_915 {strides = array<i32>} : memref<1024xi32, #tpu.memory_space<vmem>>, vector<16xi32>,
      %get3A_918 = arith.constant 112 : index
      %get3A_919 = tpu.vector_load %arg8[%get3A_918] {strides = array<i32>} : memref<1024xi32, #tpu.memory_space<vmem>>, vector<16xi32>,
      %get3A_920 = arith.constant 112 : index
      %get3A_921 = tpu.vector_load %arg7[%get3A_920] {strides = array<i32>} : memref<1024xi32, #tpu.memory_space<vmem>>, vector<16xi32>,
      %shift_right_logical3A_922 = arith.shrui %get3A_919, %get3A_921 : vector<16xi32>
      %and3A_923 = arith.constant 1 : i32
      %and3A_924 = vector.broadcast %and3A_923 : i32 to vector<16xi32>
      %and3A_925 = arith.andi %shift_right_logical3A_922, %and3A_924 : vector<16xi32>
      %swap3A_926 = arith.constant 112 : index
      %swap3A_927 = tpu.vector_load %arg9[%swap3A_926] {strides = array<i32>} : memref<1024xi32, #tpu.memory_space<vmem>>, vector<16xi32>,
      tpu.vector_store %arg9[%swap3A_926], %and3A_925 {strides = array<i32>} : memref<1024xi32, #tpu.memory_space<vmem>>, vector<16xi32>,
      %get3A_928 = arith.constant 128 : index
      %get3A_929 = tpu.vector_load %arg8[%get3A_928] {strides = array<i32>} : memref<1024xi32, #tpu.memory_space<vmem>>, vector<16xi32>,
      %get3A_930 = arith.constant 128 : index
      %get3A_931 = tpu.vector_load %arg7[%get3A_930] {strides = array<i32>} : memref<1024xi32, #tpu.memory_space<vmem>>, vector<16xi32>,
      %shift_right_logical3A_932 = arith.shrui %get3A_929, %get3A_931 : vector<16xi32>
      %and3A_933 = arith.constant 1 : i32
      %and3A_934 = vector.broadcast %and3A_933 : i32 to vector<16xi32>
      %and3A_935 = arith.andi %shift_right_logical3A_932, %and3A_934 : vector<16xi32>
      %swap3A_936 = arith.constant 128 : index
      %swap3A_937 = tpu.vector_load %arg9[%swap3A_936] {strides = array<i32>} : memref<1024xi32, #tpu.memory_space<vmem>>, vector<16xi32>,
      tpu.vector_store %arg9[%swap3A_936], %and3A_935 {strides = array<i32>} : memref<1024xi32, #tpu.memory_space<vmem>>, vector<16xi32>,
      %get3A_938 = arith.constant 144 : index
      %get3A_939 = tpu.vector_load %arg8[%get3A_938] {strides = array<i32>} : memref<1024xi32, #tpu.memory_space<vmem>>, vector<16xi32>,
      %get3A_940 = arith.constant 144 : index
      %get3A_941 = tpu.vector_load %arg7[%get3A_940] {strides = array<i32>} : memref<1024xi32, #tpu.memory_space<vmem>>, vector<16xi32>,
      %shift_right_logical3A_942 = arith.shrui %get3A_939, %get3A_941 : vector<16xi32>
      %and3A_943 = arith.constant 1 : i32
      %and3A_944 = vector.broadcast %and3A_943 : i32 to vector<16xi32>
      %and3A_945 = arith.andi %shift_right_logical3A_942, %and3A_944 : vector<16xi32>
      %swap3A_946 = arith.constant 144 : index
      %swap3A_947 = tpu.vector_load %arg9[%swap3A_946] {strides = array<i32>} : memref<1024xi32, #tpu.memory_space<vmem>>, vector<16xi32>,
      tpu.vector_store %arg9[%swap3A_946], %and3A_945 {strides = array<i32>} : memref<1024xi32, #tpu.memory_space<vmem>>, vector<16xi32>,
      %get3A_948 = arith.constant 160 : index
      %get3A_949 = tpu.vector_load %arg8[%get3A_948] {strides = array<i32>} : memref<1024xi32, #tpu.memory_space<vmem>>, vector<16xi32>,
      %get3A_950 = arith.constant 160 : index
      %get3A_951 = tpu.vector_load %arg7[%get3A_950] {strides = array<i32>} : memref<1024xi32, #tpu.memory_space<vmem>>, vector<16xi32>,
      %shift_right_logical3A_952 = arith.shrui %get3A_949, %get3A_951 : vector<16xi32>
      %and3A_953 = arith.constant 1 : i32
      %and3A_954 = vector.broadcast %and3A_953 : i32 to vector<16xi32>
      %and3A_955 = arith.andi %shift_right_logical3A_952, %and3A_954 : vector<16xi32>
      %swap3A_956 = arith.constant 160 : index
      %swap3A_957 = tpu.vector_load %arg9[%swap3A_956] {strides = array<i32>} : memref<1024xi32, #tpu.memory_space<vmem>>, vector<16xi32>,
      tpu.vector_store %arg9[%swap3A_956], %and3A_955 {strides = array<i32>} : memref<1024xi32, #tpu.memory_space<vmem>>, vector<16xi32>,
      %get3A_958 = arith.constant 176 : index
      %get3A_959 = tpu.vector_load %arg8[%get3A_958] {strides = array<i32>} : memref<1024xi32, #tpu.memory_space<vmem>>, vector<16xi32>,
      %get3A_960 = arith.constant 176 : index
      %get3A_961 = tpu.vector_load %arg7[%get3A_960] {strides = array<i32>} : memref<1024xi32, #tpu.memory_space<vmem>>, vector<16xi32>,
      %shift_right_logical3A_962 = arith.shrui %get3A_959, %get3A_961 : vector<16xi32>
      %and3A_963 = arith.constant 1 : i32
      %and3A_964 = vector.broadcast %and3A_963 : i32 to vector<16xi32>
      %and3A_965 = arith.andi %shift_right_logical3A_962, %and3A_964 : vector<16xi32>
      %swap3A_966 = arith.constant 176 : index
      %swap3A_967 = tpu.vector_load %arg9[%swap3A_966] {strides = array<i32>} : memref<1024xi32, #tpu.memory_space<vmem>>, vector<16xi32>,
      tpu.vector_store %arg9[%swap3A_966], %and3A_965 {strides = array<i32>} : memref<1024xi32, #tpu.memory_space<vmem>>, vector<16xi32>,
      %get3A_968 = arith.constant 192 : index
      %get3A_969 = tpu.vector_load %arg8[%get3A_968] {strides = array<i32>} : memref<1024xi32, #tpu.memory_space<vmem>>, vector<16xi32>,
      %get3A_970 = arith.constant 192 : index
      %get3A_971 = tpu.vector_load %arg7[%get3A_970] {strides = array<i32>} : memref<1024xi32, #tpu.memory_space<vmem>>, vector<16xi32>,
      %shift_right_logical3A_972 = arith.shrui %get3A_969, %get3A_971 : vector<16xi32>
      %and3A_973 = arith.constant 1 : i32
      %and3A_974 = vector.broadcast %and3A_973 : i32 to vector<16xi32>
      %and3A_975 = arith.andi %shift_right_logical3A_972, %and3A_974 : vector<16xi32>
      %swap3A_976 = arith.constant 192 : index
      %swap3A_977 = tpu.vector_load %arg9[%swap3A_976] {strides = array<i32>} : memref<1024xi32, #tpu.memory_space<vmem>>, vector<16xi32>,
      tpu.vector_store %arg9[%swap3A_976], %and3A_975 {strides = array<i32>} : memref<1024xi32, #tpu.memory_space<vmem>>, vector<16xi32>,
      %get3A_978 = arith.constant 208 : index
      %get3A_979 = tpu.vector_load %arg8[%get3A_978] {strides = array<i32>} : memref<1024xi32, #tpu.memory_space<vmem>>, vector<16xi32>,
      %get3A_980 = arith.constant 208 : index
      %get3A_981 = tpu.vector_load %arg7[%get3A_980] {strides = array<i32>} : memref<1024xi32, #tpu.memory_space<vmem>>, vector<16xi32>,
      %shift_right_logical3A_982 = arith.shrui %get3A_979, %get3A_981 : vector<16xi32>
      %and3A_983 = arith.constant 1 : i32
      %and3A_984 = vector.broadcast %and3A_983 : i32 to vector<16xi32>
      %and3A_985 = arith.andi %shift_right_logical3A_982, %and3A_984 : vector<16xi32>
      %swap3A_986 = arith.constant 208 : index
      %swap3A_987 = tpu.vector_load %arg9[%swap3A_986] {strides = array<i32>} : memref<1024xi32, #tpu.memory_space<vmem>>, vector<16xi32>,
      tpu.vector_store %arg9[%swap3A_986], %and3A_985 {strides = array<i32>} : memref<1024xi32, #tpu.memory_space<vmem>>, vector<16xi32>,
      %get3A_988 = arith.constant 224 : index
      %get3A_989 = tpu.vector_load %arg8[%get3A_988] {strides = array<i32>} : memref<1024xi32, #tpu.memory_space<vmem>>, vector<16xi32>,
      %get3A_990 = arith.constant 224 : index
      %get3A_991 = tpu.vector_load %arg7[%get3A_990] {strides = array<i32>} : memref<1024xi32, #tpu.memory_space<vmem>>, vector<16xi32>,
      %shift_right_logical3A_992 = arith.shrui %get3A_989, %get3A_991 : vector<16xi32>
      %and3A_993 = arith.constant 1 : i32
      %and3A_994 = vector.broadcast %and3A_993 : i32 to vector<16xi32>
      %and3A_995 = arith.andi %shift_right_logical3A_992, %and3A_994 : vector<16xi32>
      %swap3A_996 = arith.constant 224 : index
      %swap3A_997 = tpu.vector_load %arg9[%swap3A_996] {strides = array<i32>} : memref<1024xi32, #tpu.memory_space<vmem>>, vector<16xi32>,
      tpu.vector_store %arg9[%swap3A_996], %and3A_995 {strides = array<i32>} : memref<1024xi32, #tpu.memory_space<vmem>>, vector<16xi32>,
      %get3A_998 = arith.constant 240 : index
      %get3A_999 = tpu.vector_load %arg8[%get3A_998] {strides = array<i32>} : memref<1024xi32, #tpu.memory_space<vmem>>, vector<16xi32>,
      %get3A_1000 = arith.constant 240 : index
      %get3A_1001 = tpu.vector_load %arg7[%get3A_1000] {strides = array<i32>} : memref<1024xi32, #tpu.memory_space<vmem>>, vector<16xi32>,
      %shift_right_logical3A_1002 = arith.shrui %get3A_999, %get3A_1001 : vector<16xi32>
      %and3A_1003 = arith.constant 1 : i32
      %and3A_1004 = vector.broadcast %and3A_1003 : i32 to vector<16xi32>
      %and3A_1005 = arith.andi %shift_right_logical3A_1002, %and3A_1004 : vector<16xi32>
      %swap3A_1006 = arith.constant 240 : index
      %swap3A_1007 = tpu.vector_load %arg9[%swap3A_1006] {strides = array<i32>} : memref<1024xi32, #tpu.memory_space<vmem>>, vector<16xi32>,
      tpu.vector_store %arg9[%swap3A_1006], %and3A_1005 {strides = array<i32>} : memref<1024xi32, #tpu.memory_space<vmem>>, vector<16xi32>,
      %get3A_1008 = arith.constant 256 : index
      %get3A_1009 = tpu.vector_load %arg8[%get3A_1008] {strides = array<i32>} : memref<1024xi32, #tpu.memory_space<vmem>>, vector<16xi32>,
      %get3A_1010 = arith.constant 256 : index
      %get3A_1011 = tpu.vector_load %arg7[%get3A_1010] {strides = array<i32>} : memref<1024xi32, #tpu.memory_space<vmem>>, vector<16xi32>,
      %shift_right_logical3A_1012 = arith.shrui %get3A_1009, %get3A_1011 : vector<16xi32>
      %and3A_1013 = arith.constant 1 : i32
      %and3A_1014 = vector.broadcast %and3A_1013 : i32 to vector<16xi32>
      %and3A_1015 = arith.andi %shift_right_logical3A_1012, %and3A_1014 : vector<16xi32>
      %swap3A_1016 = arith.constant 256 : index
      %swap3A_1017 = tpu.vector_load %arg9[%swap3A_1016] {strides = array<i32>} : memref<1024xi32, #tpu.memory_space<vmem>>, vector<16xi32>,
      tpu.vector_store %arg9[%swap3A_1016], %and3A_1015 {strides = array<i32>} : memref<1024xi32, #tpu.memory_space<vmem>>, vector<16xi32>,
      %get3A_1018 = arith.constant 272 : index
      %get3A_1019 = tpu.vector_load %arg8[%get3A_1018] {strides = array<i32>} : memref<1024xi32, #tpu.memory_space<vmem>>, vector<16xi32>,
      %get3A_1020 = arith.constant 272 : index
      %get3A_1021 = tpu.vector_load %arg7[%get3A_1020] {strides = array<i32>} : memref<1024xi32, #tpu.memory_space<vmem>>, vector<16xi32>,
      %shift_right_logical3A_1022 = arith.shrui %get3A_1019, %get3A_1021 : vector<16xi32>
      %and3A_1023 = arith.constant 1 : i32
      %and3A_1024 = vector.broadcast %and3A_1023 : i32 to vector<16xi32>
      %and3A_1025 = arith.andi %shift_right_logical3A_1022, %and3A_1024 : vector<16xi32>
      %swap3A_1026 = arith.constant 272 : index
      %swap3A_1027 = tpu.vector_load %arg9[%swap3A_1026] {strides = array<i32>} : memref<1024xi32, #tpu.memory_space<vmem>>, vector<16xi32>,
      tpu.vector_store %arg9[%swap3A_1026], %and3A_1025 {strides = array<i32>} : memref<1024xi32, #tpu.memory_space<vmem>>, vector<16xi32>,
      %get3A_1028 = arith.constant 288 : index
      %get3A_1029 = tpu.vector_load %arg8[%get3A_1028] {strides = array<i32>} : memref<1024xi32, #tpu.memory_space<vmem>>, vector<16xi32>,
      %get3A_1030 = arith.constant 288 : index
      %get3A_1031 = tpu.vector_load %arg7[%get3A_1030] {strides = array<i32>} : memref<1024xi32, #tpu.memory_space<vmem>>, vector<16xi32>,
      %shift_right_logical3A_1032 = arith.shrui %get3A_1029, %get3A_1031 : vector<16xi32>
      %and3A_1033 = arith.constant 1 : i32
      %and3A_1034 = vector.broadcast %and3A_1033 : i32 to vector<16xi32>
      %and3A_1035 = arith.andi %shift_right_logical3A_1032, %and3A_1034 : vector<16xi32>
      %swap3A_1036 = arith.constant 288 : index
      %swap3A_1037 = tpu.vector_load %arg9[%swap3A_1036] {strides = array<i32>} : memref<1024xi32, #tpu.memory_space<vmem>>, vector<16xi32>,
      tpu.vector_store %arg9[%swap3A_1036], %and3A_1035 {strides = array<i32>} : memref<1024xi32, #tpu.memory_space<vmem>>, vector<16xi32>,
      %get3A_1038 = arith.constant 304 : index
      %get3A_1039 = tpu.vector_load %arg8[%get3A_1038] {strides = array<i32>} : memref<1024xi32, #tpu.memory_space<vmem>>, vector<16xi32>,
      %get3A_1040 = arith.constant 304 : index
      %get3A_1041 = tpu.vector_load %arg7[%get3A_1040] {strides = array<i32>} : memref<1024xi32, #tpu.memory_space<vmem>>, vector<16xi32>,
      %shift_right_logical3A_1042 = arith.shrui %get3A_1039, %get3A_1041 : vector<16xi32>
      %and3A_1043 = arith.constant 1 : i32
      %and3A_1044 = vector.broadcast %and3A_1043 : i32 to vector<16xi32>
      %and3A_1045 = arith.andi %shift_right_logical3A_1042, %and3A_1044 : vector<16xi32>
      %swap3A_1046 = arith.constant 304 : index
      %swap3A_1047 = tpu.vector_load %arg9[%swap3A_1046] {strides = array<i32>} : memref<1024xi32, #tpu.memory_space<vmem>>, vector<16xi32>,
      tpu.vector_store %arg9[%swap3A_1046], %and3A_1045 {strides = array<i32>} : memref<1024xi32, #tpu.memory_space<vmem>>, vector<16xi32>,
      %get3A_1048 = arith.constant 320 : index
      %get3A_1049 = tpu.vector_load %arg8[%get3A_1048] {strides = array<i32>} : memref<1024xi32, #tpu.memory_space<vmem>>, vector<16xi32>,
      %get3A_1050 = arith.constant 320 : index
      %get3A_1051 = tpu.vector_load %arg7[%get3A_1050] {strides = array<i32>} : memref<1024xi32, #tpu.memory_space<vmem>>, vector<16xi32>,
      %shift_right_logical3A_1052 = arith.shrui %get3A_1049, %get3A_1051 : vector<16xi32>
      %and3A_1053 = arith.constant 1 : i32
      %and3A_1054 = vector.broadcast %and3A_1053 : i32 to vector<16xi32>
      %and3A_1055 = arith.andi %shift_right_logical3A_1052, %and3A_1054 : vector<16xi32>
      %swap3A_1056 = arith.constant 320 : index
      %swap3A_1057 = tpu.vector_load %arg9[%swap3A_1056] {strides = array<i32>} : memref<1024xi32, #tpu.memory_space<vmem>>, vector<16xi32>,
      tpu.vector_store %arg9[%swap3A_1056], %and3A_1055 {strides = array<i32>} : memref<1024xi32, #tpu.memory_space<vmem>>, vector<16xi32>,
      %get3A_1058 = arith.constant 336 : index
      %get3A_1059 = tpu.vector_load %arg8[%get3A_1058] {strides = array<i32>} : memref<1024xi32, #tpu.memory_space<vmem>>, vector<16xi32>,
      %get3A_1060 = arith.constant 336 : index
      %get3A_1061 = tpu.vector_load %arg7[%get3A_1060] {strides = array<i32>} : memref<1024xi32, #tpu.memory_space<vmem>>, vector<16xi32>,
      %shift_right_logical3A_1062 = arith.shrui %get3A_1059, %get3A_1061 : vector<16xi32>
      %and3A_1063 = arith.constant 1 : i32
      %and3A_1064 = vector.broadcast %and3A_1063 : i32 to vector<16xi32>
      %and3A_1065 = arith.andi %shift_right_logical3A_1062, %and3A_1064 : vector<16xi32>
      %swap3A_1066 = arith.constant 336 : index
      %swap3A_1067 = tpu.vector_load %arg9[%swap3A_1066] {strides = array<i32>} : memref<1024xi32, #tpu.memory_space<vmem>>, vector<16xi32>,
      tpu.vector_store %arg9[%swap3A_1066], %and3A_1065 {strides = array<i32>} : memref<1024xi32, #tpu.memory_space<vmem>>, vector<16xi32>,
      %get3A_1068 = arith.constant 352 : index
      %get3A_1069 = tpu.vector_load %arg8[%get3A_1068] {strides = array<i32>} : memref<1024xi32, #tpu.memory_space<vmem>>, vector<16xi32>,
      %get3A_1070 = arith.constant 352 : index
      %get3A_1071 = tpu.vector_load %arg7[%get3A_1070] {strides = array<i32>} : memref<1024xi32, #tpu.memory_space<vmem>>, vector<16xi32>,
      %shift_right_logical3A_1072 = arith.shrui %get3A_1069, %get3A_1071 : vector<16xi32>
      %and3A_1073 = arith.constant 1 : i32
      %and3A_1074 = vector.broadcast %and3A_1073 : i32 to vector<16xi32>
      %and3A_1075 = arith.andi %shift_right_logical3A_1072, %and3A_1074 : vector<16xi32>
      %swap3A_1076 = arith.constant 352 : index
      %swap3A_1077 = tpu.vector_load %arg9[%swap3A_1076] {strides = array<i32>} : memref<1024xi32, #tpu.memory_space<vmem>>, vector<16xi32>,
      tpu.vector_store %arg9[%swap3A_1076], %and3A_1075 {strides = array<i32>} : memref<1024xi32, #tpu.memory_space<vmem>>, vector<16xi32>,
      %get3A_1078 = arith.constant 368 : index
      %get3A_1079 = tpu.vector_load %arg8[%get3A_1078] {strides = array<i32>} : memref<1024xi32, #tpu.memory_space<vmem>>, vector<16xi32>,
      %get3A_1080 = arith.constant 368 : index
      %get3A_1081 = tpu.vector_load %arg7[%get3A_1080] {strides = array<i32>} : memref<1024xi32, #tpu.memory_space<vmem>>, vector<16xi32>,
      %shift_right_logical3A_1082 = arith.shrui %get3A_1079, %get3A_1081 : vector<16xi32>
      %and3A_1083 = arith.constant 1 : i32
      %and3A_1084 = vector.broadcast %and3A_1083 : i32 to vector<16xi32>
      %and3A_1085 = arith.andi %shift_right_logical3A_1082, %and3A_1084 : vector<16xi32>
      %swap3A_1086 = arith.constant 368 : index
      %swap3A_1087 = tpu.vector_load %arg9[%swap3A_1086] {strides = array<i32>} : memref<1024xi32, #tpu.memory_space<vmem>>, vector<16xi32>,
      tpu.vector_store %arg9[%swap3A_1086], %and3A_1085 {strides = array<i32>} : memref<1024xi32, #tpu.memory_space<vmem>>, vector<16xi32>,
      %get3A_1088 = arith.constant 384 : index
      %get3A_1089 = tpu.vector_load %arg8[%get3A_1088] {strides = array<i32>} : memref<1024xi32, #tpu.memory_space<vmem>>, vector<16xi32>,
      %get3A_1090 = arith.constant 384 : index
      %get3A_1091 = tpu.vector_load %arg7[%get3A_1090] {strides = array<i32>} : memref<1024xi32, #tpu.memory_space<vmem>>, vector<16xi32>,
      %shift_right_logical3A_1092 = arith.shrui %get3A_1089, %get3A_1091 : vector<16xi32>
      %and3A_1093 = arith.constant 1 : i32
      %and3A_1094 = vector.broadcast %and3A_1093 : i32 to vector<16xi32>
      %and3A_1095 = arith.andi %shift_right_logical3A_1092, %and3A_1094 : vector<16xi32>
      %swap3A_1096 = arith.constant 384 : index
      %swap3A_1097 = tpu.vector_load %arg9[%swap3A_1096] {strides = array<i32>} : memref<1024xi32, #tpu.memory_space<vmem>>, vector<16xi32>,
      tpu.vector_store %arg9[%swap3A_1096], %and3A_1095 {strides = array<i32>} : memref<1024xi32, #tpu.memory_space<vmem>>, vector<16xi32>,
      %get3A_1098 = arith.constant 400 : index
      %get3A_1099 = tpu.vector_load %arg8[%get3A_1098] {strides = array<i32>} : memref<1024xi32, #tpu.memory_space<vmem>>, vector<16xi32>,
      %get3A_1100 = arith.constant 400 : index
      %get3A_1101 = tpu.vector_load %arg7[%get3A_1100] {strides = array<i32>} : memref<1024xi32, #tpu.memory_space<vmem>>, vector<16xi32>,
      %shift_right_logical3A_1102 = arith.shrui %get3A_1099, %get3A_1101 : vector<16xi32>
      %and3A_1103 = arith.constant 1 : i32
      %and3A_1104 = vector.broadcast %and3A_1103 : i32 to vector<16xi32>
      %and3A_1105 = arith.andi %shift_right_logical3A_1102, %and3A_1104 : vector<16xi32>
      %swap3A_1106 = arith.constant 400 : index
      %swap3A_1107 = tpu.vector_load %arg9[%swap3A_1106] {strides = array<i32>} : memref<1024xi32, #tpu.memory_space<vmem>>, vector<16xi32>,
      tpu.vector_store %arg9[%swap3A_1106], %and3A_1105 {strides = array<i32>} : memref<1024xi32, #tpu.memory_space<vmem>>, vector<16xi32>,
      %get3A_1108 = arith.constant 416 : index
      %get3A_1109 = tpu.vector_load %arg8[%get3A_1108] {strides = array<i32>} : memref<1024xi32, #tpu.memory_space<vmem>>, vector<16xi32>,
      %get3A_1110 = arith.constant 416 : index
      %get3A_1111 = tpu.vector_load %arg7[%get3A_1110] {strides = array<i32>} : memref<1024xi32, #tpu.memory_space<vmem>>, vector<16xi32>,
      %shift_right_logical3A_1112 = arith.shrui %get3A_1109, %get3A_1111 : vector<16xi32>
      %and3A_1113 = arith.constant 1 : i32
      %and3A_1114 = vector.broadcast %and3A_1113 : i32 to vector<16xi32>
      %and3A_1115 = arith.andi %shift_right_logical3A_1112, %and3A_1114 : vector<16xi32>
      %swap3A_1116 = arith.constant 416 : index
      %swap3A_1117 = tpu.vector_load %arg9[%swap3A_1116] {strides = array<i32>} : memref<1024xi32, #tpu.memory_space<vmem>>, vector<16xi32>,
      tpu.vector_store %arg9[%swap3A_1116], %and3A_1115 {strides = array<i32>} : memref<1024xi32, #tpu.memory_space<vmem>>, vector<16xi32>,
      %get3A_1118 = arith.constant 432 : index
      %get3A_1119 = tpu.vector_load %arg8[%get3A_1118] {strides = array<i32>} : memref<1024xi32, #tpu.memory_space<vmem>>, vector<16xi32>,
      %get3A_1120 = arith.constant 432 : index
      %get3A_1121 = tpu.vector_load %arg7[%get3A_1120] {strides = array<i32>} : memref<1024xi32, #tpu.memory_space<vmem>>, vector<16xi32>,
      %shift_right_logical3A_1122 = arith.shrui %get3A_1119, %get3A_1121 : vector<16xi32>
      %and3A_1123 = arith.constant 1 : i32
      %and3A_1124 = vector.broadcast %and3A_1123 : i32 to vector<16xi32>
      %and3A_1125 = arith.andi %shift_right_logical3A_1122, %and3A_1124 : vector<16xi32>
      %swap3A_1126 = arith.constant 432 : index
      %swap3A_1127 = tpu.vector_load %arg9[%swap3A_1126] {strides = array<i32>} : memref<1024xi32, #tpu.memory_space<vmem>>, vector<16xi32>,
      tpu.vector_store %arg9[%swap3A_1126], %and3A_1125 {strides = array<i32>} : memref<1024xi32, #tpu.memory_space<vmem>>, vector<16xi32>,
      %get3A_1128 = arith.constant 448 : index
      %get3A_1129 = tpu.vector_load %arg8[%get3A_1128] {strides = array<i32>} : memref<1024xi32, #tpu.memory_space<vmem>>, vector<16xi32>,
      %get3A_1130 = arith.constant 448 : index
      %get3A_1131 = tpu.vector_load %arg7[%get3A_1130] {strides = array<i32>} : memref<1024xi32, #tpu.memory_space<vmem>>, vector<16xi32>,
      %shift_right_logical3A_1132 = arith.shrui %get3A_1129, %get3A_1131 : vector<16xi32>
      %and3A_1133 = arith.constant 1 : i32
      %and3A_1134 = vector.broadcast %and3A_1133 : i32 to vector<16xi32>
      %and3A_1135 = arith.andi %shift_right_logical3A_1132, %and3A_1134 : vector<16xi32>
      %swap3A_1136 = arith.constant 448 : index
      %swap3A_1137 = tpu.vector_load %arg9[%swap3A_1136] {strides = array<i32>} : memref<1024xi32, #tpu.memory_space<vmem>>, vector<16xi32>,
      tpu.vector_store %arg9[%swap3A_1136], %and3A_1135 {strides = array<i32>} : memref<1024xi32, #tpu.memory_space<vmem>>, vector<16xi32>,
      %get3A_1138 = arith.constant 464 : index
      %get3A_1139 = tpu.vector_load %arg8[%get3A_1138] {strides = array<i32>} : memref<1024xi32, #tpu.memory_space<vmem>>, vector<16xi32>,
      %get3A_1140 = arith.constant 464 : index
      %get3A_1141 = tpu.vector_load %arg7[%get3A_1140] {strides = array<i32>} : memref<1024xi32, #tpu.memory_space<vmem>>, vector<16xi32>,
      %shift_right_logical3A_1142 = arith.shrui %get3A_1139, %get3A_1141 : vector<16xi32>
      %and3A_1143 = arith.constant 1 : i32
      %and3A_1144 = vector.broadcast %and3A_1143 : i32 to vector<16xi32>
      %and3A_1145 = arith.andi %shift_right_logical3A_1142, %and3A_1144 : vector<16xi32>
      %swap3A_1146 = arith.constant 464 : index
      %swap3A_1147 = tpu.vector_load %arg9[%swap3A_1146] {strides = array<i32>} : memref<1024xi32, #tpu.memory_space<vmem>>, vector<16xi32>,
      tpu.vector_store %arg9[%swap3A_1146], %and3A_1145 {strides = array<i32>} : memref<1024xi32, #tpu.memory_space<vmem>>, vector<16xi32>,
      %get3A_1148 = arith.constant 480 : index
      %get3A_1149 = tpu.vector_load %arg8[%get3A_1148] {strides = array<i32>} : memref<1024xi32, #tpu.memory_space<vmem>>, vector<16xi32>,
      %get3A_1150 = arith.constant 480 : index
      %get3A_1151 = tpu.vector_load %arg7[%get3A_1150] {strides = array<i32>} : memref<1024xi32, #tpu.memory_space<vmem>>, vector<16xi32>,
      %shift_right_logical3A_1152 = arith.shrui %get3A_1149, %get3A_1151 : vector<16xi32>
      %and3A_1153 = arith.constant 1 : i32
      %and3A_1154 = vector.broadcast %and3A_1153 : i32 to vector<16xi32>
      %and3A_1155 = arith.andi %shift_right_logical3A_1152, %and3A_1154 : vector<16xi32>
      %swap3A_1156 = arith.constant 480 : index
      %swap3A_1157 = tpu.vector_load %arg9[%swap3A_1156] {strides = array<i32>} : memref<1024xi32, #tpu.memory_space<vmem>>, vector<16xi32>,
      tpu.vector_store %arg9[%swap3A_1156], %and3A_1155 {strides = array<i32>} : memref<1024xi32, #tpu.memory_space<vmem>>, vector<16xi32>,
      %get3A_1158 = arith.constant 496 : index
      %get3A_1159 = tpu.vector_load %arg8[%get3A_1158] {strides = array<i32>} : memref<1024xi32, #tpu.memory_space<vmem>>, vector<16xi32>,
      %get3A_1160 = arith.constant 496 : index
      %get3A_1161 = tpu.vector_load %arg7[%get3A_1160] {strides = array<i32>} : memref<1024xi32, #tpu.memory_space<vmem>>, vector<16xi32>,
      %shift_right_logical3A_1162 = arith.shrui %get3A_1159, %get3A_1161 : vector<16xi32>
      %and3A_1163 = arith.constant 1 : i32
      %and3A_1164 = vector.broadcast %and3A_1163 : i32 to vector<16xi32>
      %and3A_1165 = arith.andi %shift_right_logical3A_1162, %and3A_1164 : vector<16xi32>
      %swap3A_1166 = arith.constant 496 : index
      %swap3A_1167 = tpu.vector_load %arg9[%swap3A_1166] {strides = array<i32>} : memref<1024xi32, #tpu.memory_space<vmem>>, vector<16xi32>,
      tpu.vector_store %arg9[%swap3A_1166], %and3A_1165 {strides = array<i32>} : memref<1024xi32, #tpu.memory_space<vmem>>, vector<16xi32>,
      %get3A_1168 = arith.constant 512 : index
      %get3A_1169 = tpu.vector_load %arg8[%get3A_1168] {strides = array<i32>} : memref<1024xi32, #tpu.memory_space<vmem>>, vector<16xi32>,
      %get3A_1170 = arith.constant 512 : index
      %get3A_1171 = tpu.vector_load %arg7[%get3A_1170] {strides = array<i32>} : memref<1024xi32, #tpu.memory_space<vmem>>, vector<16xi32>,
      %shift_right_logical3A_1172 = arith.shrui %get3A_1169, %get3A_1171 : vector<16xi32>
      %and3A_1173 = arith.constant 1 : i32
      %and3A_1174 = vector.broadcast %and3A_1173 : i32 to vector<16xi32>
      %and3A_1175 = arith.andi %shift_right_logical3A_1172, %and3A_1174 : vector<16xi32>
      %swap3A_1176 = arith.constant 512 : index
      %swap3A_1177 = tpu.vector_load %arg9[%swap3A_1176] {strides = array<i32>} : memref<1024xi32, #tpu.memory_space<vmem>>, vector<16xi32>,
      tpu.vector_store %arg9[%swap3A_1176], %and3A_1175 {strides = array<i32>} : memref<1024xi32, #tpu.memory_space<vmem>>, vector<16xi32>,
      %get3A_1178 = arith.constant 528 : index
      %get3A_1179 = tpu.vector_load %arg8[%get3A_1178] {strides = array<i32>} : memref<1024xi32, #tpu.memory_space<vmem>>, vector<16xi32>,
      %get3A_1180 = arith.constant 528 : index
      %get3A_1181 = tpu.vector_load %arg7[%get3A_1180] {strides = array<i32>} : memref<1024xi32, #tpu.memory_space<vmem>>, vector<16xi32>,
      %shift_right_logical3A_1182 = arith.shrui %get3A_1179, %get3A_1181 : vector<16xi32>
      %and3A_1183 = arith.constant 1 : i32
      %and3A_1184 = vector.broadcast %and3A_1183 : i32 to vector<16xi32>
      %and3A_1185 = arith.andi %shift_right_logical3A_1182, %and3A_1184 : vector<16xi32>
      %swap3A_1186 = arith.constant 528 : index
      %swap3A_1187 = tpu.vector_load %arg9[%swap3A_1186] {strides = array<i32>} : memref<1024xi32, #tpu.memory_space<vmem>>, vector<16xi32>,
      tpu.vector_store %arg9[%swap3A_1186], %and3A_1185 {strides = array<i32>} : memref<1024xi32, #tpu.memory_space<vmem>>, vector<16xi32>,
      %get3A_1188 = arith.constant 544 : index
      %get3A_1189 = tpu.vector_load %arg8[%get3A_1188] {strides = array<i32>} : memref<1024xi32, #tpu.memory_space<vmem>>, vector<16xi32>,
      %get3A_1190 = arith.constant 544 : index
      %get3A_1191 = tpu.vector_load %arg7[%get3A_1190] {strides = array<i32>} : memref<1024xi32, #tpu.memory_space<vmem>>, vector<16xi32>,
      %shift_right_logical3A_1192 = arith.shrui %get3A_1189, %get3A_1191 : vector<16xi32>
      %and3A_1193 = arith.constant 1 : i32
      %and3A_1194 = vector.broadcast %and3A_1193 : i32 to vector<16xi32>
      %and3A_1195 = arith.andi %shift_right_logical3A_1192, %and3A_1194 : vector<16xi32>
      %swap3A_1196 = arith.constant 544 : index
      %swap3A_1197 = tpu.vector_load %arg9[%swap3A_1196] {strides = array<i32>} : memref<1024xi32, #tpu.memory_space<vmem>>, vector<16xi32>,
      tpu.vector_store %arg9[%swap3A_1196], %and3A_1195 {strides = array<i32>} : memref<1024xi32, #tpu.memory_space<vmem>>, vector<16xi32>,
      %get3A_1198 = arith.constant 560 : index
      %get3A_1199 = tpu.vector_load %arg8[%get3A_1198] {strides = array<i32>} : memref<1024xi32, #tpu.memory_space<vmem>>, vector<16xi32>,
      %get3A_1200 = arith.constant 560 : index
      %get3A_1201 = tpu.vector_load %arg7[%get3A_1200] {strides = array<i32>} : memref<1024xi32, #tpu.memory_space<vmem>>, vector<16xi32>,
      %shift_right_logical3A_1202 = arith.shrui %get3A_1199, %get3A_1201 : vector<16xi32>
      %and3A_1203 = arith.constant 1 : i32
      %and3A_1204 = vector.broadcast %and3A_1203 : i32 to vector<16xi32>
      %and3A_1205 = arith.andi %shift_right_logical3A_1202, %and3A_1204 : vector<16xi32>
      %swap3A_1206 = arith.constant 560 : index
      %swap3A_1207 = tpu.vector_load %arg9[%swap3A_1206] {strides = array<i32>} : memref<1024xi32, #tpu.memory_space<vmem>>, vector<16xi32>,
      tpu.vector_store %arg9[%swap3A_1206], %and3A_1205 {strides = array<i32>} : memref<1024xi32, #tpu.memory_space<vmem>>, vector<16xi32>,
      %get3A_1208 = arith.constant 576 : index
      %get3A_1209 = tpu.vector_load %arg8[%get3A_1208] {strides = array<i32>} : memref<1024xi32, #tpu.memory_space<vmem>>, vector<16xi32>,
      %get3A_1210 = arith.constant 576 : index
      %get3A_1211 = tpu.vector_load %arg7[%get3A_1210] {strides = array<i32>} : memref<1024xi32, #tpu.memory_space<vmem>>, vector<16xi32>,
      %shift_right_logical3A_1212 = arith.shrui %get3A_1209, %get3A_1211 : vector<16xi32>
      %and3A_1213 = arith.constant 1 : i32
      %and3A_1214 = vector.broadcast %and3A_1213 : i32 to vector<16xi32>
      %and3A_1215 = arith.andi %shift_right_logical3A_1212, %and3A_1214 : vector<16xi32>
      %swap3A_1216 = arith.constant 576 : index
      %swap3A_1217 = tpu.vector_load %arg9[%swap3A_1216] {strides = array<i32>} : memref<1024xi32, #tpu.memory_space<vmem>>, vector<16xi32>,
      tpu.vector_store %arg9[%swap3A_1216], %and3A_1215 {strides = array<i32>} : memref<1024xi32, #tpu.memory_space<vmem>>, vector<16xi32>,
      %get3A_1218 = arith.constant 592 : index
      %get3A_1219 = tpu.vector_load %arg8[%get3A_1218] {strides = array<i32>} : memref<1024xi32, #tpu.memory_space<vmem>>, vector<16xi32>,
      %get3A_1220 = arith.constant 592 : index
      %get3A_1221 = tpu.vector_load %arg7[%get3A_1220] {strides = array<i32>} : memref<1024xi32, #tpu.memory_space<vmem>>, vector<16xi32>,
      %shift_right_logical3A_1222 = arith.shrui %get3A_1219, %get3A_1221 : vector<16xi32>
      %and3A_1223 = arith.constant 1 : i32
      %and3A_1224 = vector.broadcast %and3A_1223 : i32 to vector<16xi32>
      %and3A_1225 = arith.andi %shift_right_logical3A_1222, %and3A_1224 : vector<16xi32>
      %swap3A_1226 = arith.constant 592 : index
      %swap3A_1227 = tpu.vector_load %arg9[%swap3A_1226] {strides = array<i32>} : memref<1024xi32, #tpu.memory_space<vmem>>, vector<16xi32>,
      tpu.vector_store %arg9[%swap3A_1226], %and3A_1225 {strides = array<i32>} : memref<1024xi32, #tpu.memory_space<vmem>>, vector<16xi32>,
      %get3A_1228 = arith.constant 608 : index
      %get3A_1229 = tpu.vector_load %arg8[%get3A_1228] {strides = array<i32>} : memref<1024xi32, #tpu.memory_space<vmem>>, vector<16xi32>,
      %get3A_1230 = arith.constant 608 : index
      %get3A_1231 = tpu.vector_load %arg7[%get3A_1230] {strides = array<i32>} : memref<1024xi32, #tpu.memory_space<vmem>>, vector<16xi32>,
      %shift_right_logical3A_1232 = arith.shrui %get3A_1229, %get3A_1231 : vector<16xi32>
      %and3A_1233 = arith.constant 1 : i32
      %and3A_1234 = vector.broadcast %and3A_1233 : i32 to vector<16xi32>
      %and3A_1235 = arith.andi %shift_right_logical3A_1232, %and3A_1234 : vector<16xi32>
      %swap3A_1236 = arith.constant 608 : index
      %swap3A_1237 = tpu.vector_load %arg9[%swap3A_1236] {strides = array<i32>} : memref<1024xi32, #tpu.memory_space<vmem>>, vector<16xi32>,
      tpu.vector_store %arg9[%swap3A_1236], %and3A_1235 {strides = array<i32>} : memref<1024xi32, #tpu.memory_space<vmem>>, vector<16xi32>,
      %get3A_1238 = arith.constant 624 : index
      %get3A_1239 = tpu.vector_load %arg8[%get3A_1238] {strides = array<i32>} : memref<1024xi32, #tpu.memory_space<vmem>>, vector<16xi32>,
      %get3A_1240 = arith.constant 624 : index
      %get3A_1241 = tpu.vector_load %arg7[%get3A_1240] {strides = array<i32>} : memref<1024xi32, #tpu.memory_space<vmem>>, vector<16xi32>,
      %shift_right_logical3A_1242 = arith.shrui %get3A_1239, %get3A_1241 : vector<16xi32>
      %and3A_1243 = arith.constant 1 : i32
      %and3A_1244 = vector.broadcast %and3A_1243 : i32 to vector<16xi32>
      %and3A_1245 = arith.andi %shift_right_logical3A_1242, %and3A_1244 : vector<16xi32>
      %swap3A_1246 = arith.constant 624 : index
      %swap3A_1247 = tpu.vector_load %arg9[%swap3A_1246] {strides = array<i32>} : memref<1024xi32, #tpu.memory_space<vmem>>, vector<16xi32>,
      tpu.vector_store %arg9[%swap3A_1246], %and3A_1245 {strides = array<i32>} : memref<1024xi32, #tpu.memory_space<vmem>>, vector<16xi32>,
      %get3A_1248 = arith.constant 640 : index
      %get3A_1249 = tpu.vector_load %arg8[%get3A_1248] {strides = array<i32>} : memref<1024xi32, #tpu.memory_space<vmem>>, vector<16xi32>,
      %get3A_1250 = arith.constant 640 : index
      %get3A_1251 = tpu.vector_load %arg7[%get3A_1250] {strides = array<i32>} : memref<1024xi32, #tpu.memory_space<vmem>>, vector<16xi32>,
      %shift_right_logical3A_1252 = arith.shrui %get3A_1249, %get3A_1251 : vector<16xi32>
      %and3A_1253 = arith.constant 1 : i32
      %and3A_1254 = vector.broadcast %and3A_1253 : i32 to vector<16xi32>
      %and3A_1255 = arith.andi %shift_right_logical3A_1252, %and3A_1254 : vector<16xi32>
      %swap3A_1256 = arith.constant 640 : index
      %swap3A_1257 = tpu.vector_load %arg9[%swap3A_1256] {strides = array<i32>} : memref<1024xi32, #tpu.memory_space<vmem>>, vector<16xi32>,
      tpu.vector_store %arg9[%swap3A_1256], %and3A_1255 {strides = array<i32>} : memref<1024xi32, #tpu.memory_space<vmem>>, vector<16xi32>,
      %get3A_1258 = arith.constant 656 : index
      %get3A_1259 = tpu.vector_load %arg8[%get3A_1258] {strides = array<i32>} : memref<1024xi32, #tpu.memory_space<vmem>>, vector<16xi32>,
      %get3A_1260 = arith.constant 656 : index
      %get3A_1261 = tpu.vector_load %arg7[%get3A_1260] {strides = array<i32>} : memref<1024xi32, #tpu.memory_space<vmem>>, vector<16xi32>,
      %shift_right_logical3A_1262 = arith.shrui %get3A_1259, %get3A_1261 : vector<16xi32>
      %and3A_1263 = arith.constant 1 : i32
      %and3A_1264 = vector.broadcast %and3A_1263 : i32 to vector<16xi32>
      %and3A_1265 = arith.andi %shift_right_logical3A_1262, %and3A_1264 : vector<16xi32>
      %swap3A_1266 = arith.constant 656 : index
      %swap3A_1267 = tpu.vector_load %arg9[%swap3A_1266] {strides = array<i32>} : memref<1024xi32, #tpu.memory_space<vmem>>, vector<16xi32>,
      tpu.vector_store %arg9[%swap3A_1266], %and3A_1265 {strides = array<i32>} : memref<1024xi32, #tpu.memory_space<vmem>>, vector<16xi32>,
      %get3A_1268 = arith.constant 672 : index
      %get3A_1269 = tpu.vector_load %arg8[%get3A_1268] {strides = array<i32>} : memref<1024xi32, #tpu.memory_space<vmem>>, vector<16xi32>,
      %get3A_1270 = arith.constant 672 : index
      %get3A_1271 = tpu.vector_load %arg7[%get3A_1270] {strides = array<i32>} : memref<1024xi32, #tpu.memory_space<vmem>>, vector<16xi32>,
      %shift_right_logical3A_1272 = arith.shrui %get3A_1269, %get3A_1271 : vector<16xi32>
      %and3A_1273 = arith.constant 1 : i32
      %and3A_1274 = vector.broadcast %and3A_1273 : i32 to vector<16xi32>
      %and3A_1275 = arith.andi %shift_right_logical3A_1272, %and3A_1274 : vector<16xi32>
      %swap3A_1276 = arith.constant 672 : index
      %swap3A_1277 = tpu.vector_load %arg9[%swap3A_1276] {strides = array<i32>} : memref<1024xi32, #tpu.memory_space<vmem>>, vector<16xi32>,
      tpu.vector_store %arg9[%swap3A_1276], %and3A_1275 {strides = array<i32>} : memref<1024xi32, #tpu.memory_space<vmem>>, vector<16xi32>,
      %get3A_1278 = arith.constant 688 : index
      %get3A_1279 = tpu.vector_load %arg8[%get3A_1278] {strides = array<i32>} : memref<1024xi32, #tpu.memory_space<vmem>>, vector<16xi32>,
      %get3A_1280 = arith.constant 688 : index
      %get3A_1281 = tpu.vector_load %arg7[%get3A_1280] {strides = array<i32>} : memref<1024xi32, #tpu.memory_space<vmem>>, vector<16xi32>,
      %shift_right_logical3A_1282 = arith.shrui %get3A_1279, %get3A_1281 : vector<16xi32>
      %and3A_1283 = arith.constant 1 : i32
      %and3A_1284 = vector.broadcast %and3A_1283 : i32 to vector<16xi32>
      %and3A_1285 = arith.andi %shift_right_logical3A_1282, %and3A_1284 : vector<16xi32>
      %swap3A_1286 = arith.constant 688 : index
      %swap3A_1287 = tpu.vector_load %arg9[%swap3A_1286] {strides = array<i32>} : memref<1024xi32, #tpu.memory_space<vmem>>, vector<16xi32>,
      tpu.vector_store %arg9[%swap3A_1286], %and3A_1285 {strides = array<i32>} : memref<1024xi32, #tpu.memory_space<vmem>>, vector<16xi32>,
      %get3A_1288 = arith.constant 704 : index
      %get3A_1289 = tpu.vector_load %arg8[%get3A_1288] {strides = array<i32>} : memref<1024xi32, #tpu.memory_space<vmem>>, vector<16xi32>,
      %get3A_1290 = arith.constant 704 : index
      %get3A_1291 = tpu.vector_load %arg7[%get3A_1290] {strides = array<i32>} : memref<1024xi32, #tpu.memory_space<vmem>>, vector<16xi32>,
      %shift_right_logical3A_1292 = arith.shrui %get3A_1289, %get3A_1291 : vector<16xi32>
      %and3A_1293 = arith.constant 1 : i32
      %and3A_1294 = vector.broadcast %and3A_1293 : i32 to vector<16xi32>
      %and3A_1295 = arith.andi %shift_right_logical3A_1292, %and3A_1294 : vector<16xi32>
      %swap3A_1296 = arith.constant 704 : index
      %swap3A_1297 = tpu.vector_load %arg9[%swap3A_1296] {strides = array<i32>} : memref<1024xi32, #tpu.memory_space<vmem>>, vector<16xi32>,
      tpu.vector_store %arg9[%swap3A_1296], %and3A_1295 {strides = array<i32>} : memref<1024xi32, #tpu.memory_space<vmem>>, vector<16xi32>,
      %get3A_1298 = arith.constant 720 : index
      %get3A_1299 = tpu.vector_load %arg8[%get3A_1298] {strides = array<i32>} : memref<1024xi32, #tpu.memory_space<vmem>>, vector<16xi32>,
      %get3A_1300 = arith.constant 720 : index
      %get3A_1301 = tpu.vector_load %arg7[%get3A_1300] {strides = array<i32>} : memref<1024xi32, #tpu.memory_space<vmem>>, vector<16xi32>,
      %shift_right_logical3A_1302 = arith.shrui %get3A_1299, %get3A_1301 : vector<16xi32>
      %and3A_1303 = arith.constant 1 : i32
      %and3A_1304 = vector.broadcast %and3A_1303 : i32 to vector<16xi32>
      %and3A_1305 = arith.andi %shift_right_logical3A_1302, %and3A_1304 : vector<16xi32>
      %swap3A_1306 = arith.constant 720 : index
      %swap3A_1307 = tpu.vector_load %arg9[%swap3A_1306] {strides = array<i32>} : memref<1024xi32, #tpu.memory_space<vmem>>, vector<16xi32>,
      tpu.vector_store %arg9[%swap3A_1306], %and3A_1305 {strides = array<i32>} : memref<1024xi32, #tpu.memory_space<vmem>>, vector<16xi32>,
      %get3A_1308 = arith.constant 736 : index
      %get3A_1309 = tpu.vector_load %arg8[%get3A_1308] {strides = array<i32>} : memref<1024xi32, #tpu.memory_space<vmem>>, vector<16xi32>,
      %get3A_1310 = arith.constant 736 : index
      %get3A_1311 = tpu.vector_load %arg7[%get3A_1310] {strides = array<i32>} : memref<1024xi32, #tpu.memory_space<vmem>>, vector<16xi32>,
      %shift_right_logical3A_1312 = arith.shrui %get3A_1309, %get3A_1311 : vector<16xi32>
      %and3A_1313 = arith.constant 1 : i32
      %and3A_1314 = vector.broadcast %and3A_1313 : i32 to vector<16xi32>
      %and3A_1315 = arith.andi %shift_right_logical3A_1312, %and3A_1314 : vector<16xi32>
      %swap3A_1316 = arith.constant 736 : index
      %swap3A_1317 = tpu.vector_load %arg9[%swap3A_1316] {strides = array<i32>} : memref<1024xi32, #tpu.memory_space<vmem>>, vector<16xi32>,
      tpu.vector_store %arg9[%swap3A_1316], %and3A_1315 {strides = array<i32>} : memref<1024xi32, #tpu.memory_space<vmem>>, vector<16xi32>,
      %get3A_1318 = arith.constant 752 : index
      %get3A_1319 = tpu.vector_load %arg8[%get3A_1318] {strides = array<i32>} : memref<1024xi32, #tpu.memory_space<vmem>>, vector<16xi32>,
      %get3A_1320 = arith.constant 752 : index
      %get3A_1321 = tpu.vector_load %arg7[%get3A_1320] {strides = array<i32>} : memref<1024xi32, #tpu.memory_space<vmem>>, vector<16xi32>,
      %shift_right_logical3A_1322 = arith.shrui %get3A_1319, %get3A_1321 : vector<16xi32>
      %and3A_1323 = arith.constant 1 : i32
      %and3A_1324 = vector.broadcast %and3A_1323 : i32 to vector<16xi32>
      %and3A_1325 = arith.andi %shift_right_logical3A_1322, %and3A_1324 : vector<16xi32>
      %swap3A_1326 = arith.constant 752 : index
      %swap3A_1327 = tpu.vector_load %arg9[%swap3A_1326] {strides = array<i32>} : memref<1024xi32, #tpu.memory_space<vmem>>, vector<16xi32>,
      tpu.vector_store %arg9[%swap3A_1326], %and3A_1325 {strides = array<i32>} : memref<1024xi32, #tpu.memory_space<vmem>>, vector<16xi32>,
      %get3A_1328 = arith.constant 768 : index
      %get3A_1329 = tpu.vector_load %arg8[%get3A_1328] {strides = array<i32>} : memref<1024xi32, #tpu.memory_space<vmem>>, vector<16xi32>,
      %get3A_1330 = arith.constant 768 : index
      %get3A_1331 = tpu.vector_load %arg7[%get3A_1330] {strides = array<i32>} : memref<1024xi32, #tpu.memory_space<vmem>>, vector<16xi32>,
      %shift_right_logical3A_1332 = arith.shrui %get3A_1329, %get3A_1331 : vector<16xi32>
      %and3A_1333 = arith.constant 1 : i32
      %and3A_1334 = vector.broadcast %and3A_1333 : i32 to vector<16xi32>
      %and3A_1335 = arith.andi %shift_right_logical3A_1332, %and3A_1334 : vector<16xi32>
      %swap3A_1336 = arith.constant 768 : index
      %swap3A_1337 = tpu.vector_load %arg9[%swap3A_1336] {strides = array<i32>} : memref<1024xi32, #tpu.memory_space<vmem>>, vector<16xi32>,
      tpu.vector_store %arg9[%swap3A_1336], %and3A_1335 {strides = array<i32>} : memref<1024xi32, #tpu.memory_space<vmem>>, vector<16xi32>,
      %get3A_1338 = arith.constant 784 : index
      %get3A_1339 = tpu.vector_load %arg8[%get3A_1338] {strides = array<i32>} : memref<1024xi32, #tpu.memory_space<vmem>>, vector<16xi32>,
      %get3A_1340 = arith.constant 784 : index
      %get3A_1341 = tpu.vector_load %arg7[%get3A_1340] {strides = array<i32>} : memref<1024xi32, #tpu.memory_space<vmem>>, vector<16xi32>,
      %shift_right_logical3A_1342 = arith.shrui %get3A_1339, %get3A_1341 : vector<16xi32>
      %and3A_1343 = arith.constant 1 : i32
      %and3A_1344 = vector.broadcast %and3A_1343 : i32 to vector<16xi32>
      %and3A_1345 = arith.andi %shift_right_logical3A_1342, %and3A_1344 : vector<16xi32>
      %swap3A_1346 = arith.constant 784 : index
      %swap3A_1347 = tpu.vector_load %arg9[%swap3A_1346] {strides = array<i32>} : memref<1024xi32, #tpu.memory_space<vmem>>, vector<16xi32>,
      tpu.vector_store %arg9[%swap3A_1346], %and3A_1345 {strides = array<i32>} : memref<1024xi32, #tpu.memory_space<vmem>>, vector<16xi32>,
      %get3A_1348 = arith.constant 800 : index
      %get3A_1349 = tpu.vector_load %arg8[%get3A_1348] {strides = array<i32>} : memref<1024xi32, #tpu.memory_space<vmem>>, vector<16xi32>,
      %get3A_1350 = arith.constant 800 : index
      %get3A_1351 = tpu.vector_load %arg7[%get3A_1350] {strides = array<i32>} : memref<1024xi32, #tpu.memory_space<vmem>>, vector<16xi32>,
      %shift_right_logical3A_1352 = arith.shrui %get3A_1349, %get3A_1351 : vector<16xi32>
      %and3A_1353 = arith.constant 1 : i32
      %and3A_1354 = vector.broadcast %and3A_1353 : i32 to vector<16xi32>
      %and3A_1355 = arith.andi %shift_right_logical3A_1352, %and3A_1354 : vector<16xi32>
      %swap3A_1356 = arith.constant 800 : index
      %swap3A_1357 = tpu.vector_load %arg9[%swap3A_1356] {strides = array<i32>} : memref<1024xi32, #tpu.memory_space<vmem>>, vector<16xi32>,
      tpu.vector_store %arg9[%swap3A_1356], %and3A_1355 {strides = array<i32>} : memref<1024xi32, #tpu.memory_space<vmem>>, vector<16xi32>,
      %get3A_1358 = arith.constant 816 : index
      %get3A_1359 = tpu.vector_load %arg8[%get3A_1358] {strides = array<i32>} : memref<1024xi32, #tpu.memory_space<vmem>>, vector<16xi32>,
      %get3A_1360 = arith.constant 816 : index
      %get3A_1361 = tpu.vector_load %arg7[%get3A_1360] {strides = array<i32>} : memref<1024xi32, #tpu.memory_space<vmem>>, vector<16xi32>,
      %shift_right_logical3A_1362 = arith.shrui %get3A_1359, %get3A_1361 : vector<16xi32>
      %and3A_1363 = arith.constant 1 : i32
      %and3A_1364 = vector.broadcast %and3A_1363 : i32 to vector<16xi32>
      %and3A_1365 = arith.andi %shift_right_logical3A_1362, %and3A_1364 : vector<16xi32>
      %swap3A_1366 = arith.constant 816 : index
      %swap3A_1367 = tpu.vector_load %arg9[%swap3A_1366] {strides = array<i32>} : memref<1024xi32, #tpu.memory_space<vmem>>, vector<16xi32>,
      tpu.vector_store %arg9[%swap3A_1366], %and3A_1365 {strides = array<i32>} : memref<1024xi32, #tpu.memory_space<vmem>>, vector<16xi32>,
      %get3A_1368 = arith.constant 832 : index
      %get3A_1369 = tpu.vector_load %arg8[%get3A_1368] {strides = array<i32>} : memref<1024xi32, #tpu.memory_space<vmem>>, vector<16xi32>,
      %get3A_1370 = arith.constant 832 : index
      %get3A_1371 = tpu.vector_load %arg7[%get3A_1370] {strides = array<i32>} : memref<1024xi32, #tpu.memory_space<vmem>>, vector<16xi32>,
      %shift_right_logical3A_1372 = arith.shrui %get3A_1369, %get3A_1371 : vector<16xi32>
      %and3A_1373 = arith.constant 1 : i32
      %and3A_1374 = vector.broadcast %and3A_1373 : i32 to vector<16xi32>
      %and3A_1375 = arith.andi %shift_right_logical3A_1372, %and3A_1374 : vector<16xi32>
      %swap3A_1376 = arith.constant 832 : index
      %swap3A_1377 = tpu.vector_load %arg9[%swap3A_1376] {strides = array<i32>} : memref<1024xi32, #tpu.memory_space<vmem>>, vector<16xi32>,
      tpu.vector_store %arg9[%swap3A_1376], %and3A_1375 {strides = array<i32>} : memref<1024xi32, #tpu.memory_space<vmem>>, vector<16xi32>,
      %get3A_1378 = arith.constant 848 : index
      %get3A_1379 = tpu.vector_load %arg8[%get3A_1378] {strides = array<i32>} : memref<1024xi32, #tpu.memory_space<vmem>>, vector<16xi32>,
      %get3A_1380 = arith.constant 848 : index
      %get3A_1381 = tpu.vector_load %arg7[%get3A_1380] {strides = array<i32>} : memref<1024xi32, #tpu.memory_space<vmem>>, vector<16xi32>,
      %shift_right_logical3A_1382 = arith.shrui %get3A_1379, %get3A_1381 : vector<16xi32>
      %and3A_1383 = arith.constant 1 : i32
      %and3A_1384 = vector.broadcast %and3A_1383 : i32 to vector<16xi32>
      %and3A_1385 = arith.andi %shift_right_logical3A_1382, %and3A_1384 : vector<16xi32>
      %swap3A_1386 = arith.constant 848 : index
      %swap3A_1387 = tpu.vector_load %arg9[%swap3A_1386] {strides = array<i32>} : memref<1024xi32, #tpu.memory_space<vmem>>, vector<16xi32>,
      tpu.vector_store %arg9[%swap3A_1386], %and3A_1385 {strides = array<i32>} : memref<1024xi32, #tpu.memory_space<vmem>>, vector<16xi32>,
      %get3A_1388 = arith.constant 864 : index
      %get3A_1389 = tpu.vector_load %arg8[%get3A_1388] {strides = array<i32>} : memref<1024xi32, #tpu.memory_space<vmem>>, vector<16xi32>,
      %get3A_1390 = arith.constant 864 : index
      %get3A_1391 = tpu.vector_load %arg7[%get3A_1390] {strides = array<i32>} : memref<1024xi32, #tpu.memory_space<vmem>>, vector<16xi32>,
      %shift_right_logical3A_1392 = arith.shrui %get3A_1389, %get3A_1391 : vector<16xi32>
      %and3A_1393 = arith.constant 1 : i32
      %and3A_1394 = vector.broadcast %and3A_1393 : i32 to vector<16xi32>
      %and3A_1395 = arith.andi %shift_right_logical3A_1392, %and3A_1394 : vector<16xi32>
      %swap3A_1396 = arith.constant 864 : index
      %swap3A_1397 = tpu.vector_load %arg9[%swap3A_1396] {strides = array<i32>} : memref<1024xi32, #tpu.memory_space<vmem>>, vector<16xi32>,
      tpu.vector_store %arg9[%swap3A_1396], %and3A_1395 {strides = array<i32>} : memref<1024xi32, #tpu.memory_space<vmem>>, vector<16xi32>,
      %get3A_1398 = arith.constant 880 : index
      %get3A_1399 = tpu.vector_load %arg8[%get3A_1398] {strides = array<i32>} : memref<1024xi32, #tpu.memory_space<vmem>>, vector<16xi32>,
      %get3A_1400 = arith.constant 880 : index
      %get3A_1401 = tpu.vector_load %arg7[%get3A_1400] {strides = array<i32>} : memref<1024xi32, #tpu.memory_space<vmem>>, vector<16xi32>,
      %shift_right_logical3A_1402 = arith.shrui %get3A_1399, %get3A_1401 : vector<16xi32>
      %and3A_1403 = arith.constant 1 : i32
      %and3A_1404 = vector.broadcast %and3A_1403 : i32 to vector<16xi32>
      %and3A_1405 = arith.andi %shift_right_logical3A_1402, %and3A_1404 : vector<16xi32>
      %swap3A_1406 = arith.constant 880 : index
      %swap3A_1407 = tpu.vector_load %arg9[%swap3A_1406] {strides = array<i32>} : memref<1024xi32, #tpu.memory_space<vmem>>, vector<16xi32>,
      tpu.vector_store %arg9[%swap3A_1406], %and3A_1405 {strides = array<i32>} : memref<1024xi32, #tpu.memory_space<vmem>>, vector<16xi32>,
      %get3A_1408 = arith.constant 896 : index
      %get3A_1409 = tpu.vector_load %arg8[%get3A_1408] {strides = array<i32>} : memref<1024xi32, #tpu.memory_space<vmem>>, vector<16xi32>,
      %get3A_1410 = arith.constant 896 : index
      %get3A_1411 = tpu.vector_load %arg7[%get3A_1410] {strides = array<i32>} : memref<1024xi32, #tpu.memory_space<vmem>>, vector<16xi32>,
      %shift_right_logical3A_1412 = arith.shrui %get3A_1409, %get3A_1411 : vector<16xi32>
      %and3A_1413 = arith.constant 1 : i32
      %and3A_1414 = vector.broadcast %and3A_1413 : i32 to vector<16xi32>
      %and3A_1415 = arith.andi %shift_right_logical3A_1412, %and3A_1414 : vector<16xi32>
      %swap3A_1416 = arith.constant 896 : index
      %swap3A_1417 = tpu.vector_load %arg9[%swap3A_1416] {strides = array<i32>} : memref<1024xi32, #tpu.memory_space<vmem>>, vector<16xi32>,
      tpu.vector_store %arg9[%swap3A_1416], %and3A_1415 {strides = array<i32>} : memref<1024xi32, #tpu.memory_space<vmem>>, vector<16xi32>,
      %get3A_1418 = arith.constant 912 : index
      %get3A_1419 = tpu.vector_load %arg8[%get3A_1418] {strides = array<i32>} : memref<1024xi32, #tpu.memory_space<vmem>>, vector<16xi32>,
      %get3A_1420 = arith.constant 912 : index
      %get3A_1421 = tpu.vector_load %arg7[%get3A_1420] {strides = array<i32>} : memref<1024xi32, #tpu.memory_space<vmem>>, vector<16xi32>,
      %shift_right_logical3A_1422 = arith.shrui %get3A_1419, %get3A_1421 : vector<16xi32>
      %and3A_1423 = arith.constant 1 : i32
      %and3A_1424 = vector.broadcast %and3A_1423 : i32 to vector<16xi32>
      %and3A_1425 = arith.andi %shift_right_logical3A_1422, %and3A_1424 : vector<16xi32>
      %swap3A_1426 = arith.constant 912 : index
      %swap3A_1427 = tpu.vector_load %arg9[%swap3A_1426] {strides = array<i32>} : memref<1024xi32, #tpu.memory_space<vmem>>, vector<16xi32>,
      tpu.vector_store %arg9[%swap3A_1426], %and3A_1425 {strides = array<i32>} : memref<1024xi32, #tpu.memory_space<vmem>>, vector<16xi32>,
      %get3A_1428 = arith.constant 928 : index
      %get3A_1429 = tpu.vector_load %arg8[%get3A_1428] {strides = array<i32>} : memref<1024xi32, #tpu.memory_space<vmem>>, vector<16xi32>,
      %get3A_1430 = arith.constant 928 : index
      %get3A_1431 = tpu.vector_load %arg7[%get3A_1430] {strides = array<i32>} : memref<1024xi32, #tpu.memory_space<vmem>>, vector<16xi32>,
      %shift_right_logical3A_1432 = arith.shrui %get3A_1429, %get3A_1431 : vector<16xi32>
      %and3A_1433 = arith.constant 1 : i32
      %and3A_1434 = vector.broadcast %and3A_1433 : i32 to vector<16xi32>
      %and3A_1435 = arith.andi %shift_right_logical3A_1432, %and3A_1434 : vector<16xi32>
      %swap3A_1436 = arith.constant 928 : index
      %swap3A_1437 = tpu.vector_load %arg9[%swap3A_1436] {strides = array<i32>} : memref<1024xi32, #tpu.memory_space<vmem>>, vector<16xi32>,
      tpu.vector_store %arg9[%swap3A_1436], %and3A_1435 {strides = array<i32>} : memref<1024xi32, #tpu.memory_space<vmem>>, vector<16xi32>,
      %get3A_1438 = arith.constant 944 : index
      %get3A_1439 = tpu.vector_load %arg8[%get3A_1438] {strides = array<i32>} : memref<1024xi32, #tpu.memory_space<vmem>>, vector<16xi32>,
      %get3A_1440 = arith.constant 944 : index
      %get3A_1441 = tpu.vector_load %arg7[%get3A_1440] {strides = array<i32>} : memref<1024xi32, #tpu.memory_space<vmem>>, vector<16xi32>,
      %shift_right_logical3A_1442 = arith.shrui %get3A_1439, %get3A_1441 : vector<16xi32>
      %and3A_1443 = arith.constant 1 : i32
      %and3A_1444 = vector.broadcast %and3A_1443 : i32 to vector<16xi32>
      %and3A_1445 = arith.andi %shift_right_logical3A_1442, %and3A_1444 : vector<16xi32>
      %swap3A_1446 = arith.constant 944 : index
      %swap3A_1447 = tpu.vector_load %arg9[%swap3A_1446] {strides = array<i32>} : memref<1024xi32, #tpu.memory_space<vmem>>, vector<16xi32>,
      tpu.vector_store %arg9[%swap3A_1446], %and3A_1445 {strides = array<i32>} : memref<1024xi32, #tpu.memory_space<vmem>>, vector<16xi32>,
      %get3A_1448 = arith.constant 960 : index
      %get3A_1449 = tpu.vector_load %arg8[%get3A_1448] {strides = array<i32>} : memref<1024xi32, #tpu.memory_space<vmem>>, vector<16xi32>,
      %get3A_1450 = arith.constant 960 : index
      %get3A_1451 = tpu.vector_load %arg7[%get3A_1450] {strides = array<i32>} : memref<1024xi32, #tpu.memory_space<vmem>>, vector<16xi32>,
      %shift_right_logical3A_1452 = arith.shrui %get3A_1449, %get3A_1451 : vector<16xi32>
      %and3A_1453 = arith.constant 1 : i32
      %and3A_1454 = vector.broadcast %and3A_1453 : i32 to vector<16xi32>
      %and3A_1455 = arith.andi %shift_right_logical3A_1452, %and3A_1454 : vector<16xi32>
      %swap3A_1456 = arith.constant 960 : index
      %swap3A_1457 = tpu.vector_load %arg9[%swap3A_1456] {strides = array<i32>} : memref<1024xi32, #tpu.memory_space<vmem>>, vector<16xi32>,
      tpu.vector_store %arg9[%swap3A_1456], %and3A_1455 {strides = array<i32>} : memref<1024xi32, #tpu.memory_space<vmem>>, vector<16xi32>,
      %get3A_1458 = arith.constant 976 : index
      %get3A_1459 = tpu.vector_load %arg8[%get3A_1458] {strides = array<i32>} : memref<1024xi32, #tpu.memory_space<vmem>>, vector<16xi32>,
      %get3A_1460 = arith.constant 976 : index
      %get3A_1461 = tpu.vector_load %arg7[%get3A_1460] {strides = array<i32>} : memref<1024xi32, #tpu.memory_space<vmem>>, vector<16xi32>,
      %shift_right_logical3A_1462 = arith.shrui %get3A_1459, %get3A_1461 : vector<16xi32>
      %and3A_1463 = arith.constant 1 : i32
      %and3A_1464 = vector.broadcast %and3A_1463 : i32 to vector<16xi32>
      %and3A_1465 = arith.andi %shift_right_logical3A_1462, %and3A_1464 : vector<16xi32>
      %swap3A_1466 = arith.constant 976 : index
      %swap3A_1467 = tpu.vector_load %arg9[%swap3A_1466] {strides = array<i32>} : memref<1024xi32, #tpu.memory_space<vmem>>, vector<16xi32>,
      tpu.vector_store %arg9[%swap3A_1466], %and3A_1465 {strides = array<i32>} : memref<1024xi32, #tpu.memory_space<vmem>>, vector<16xi32>,
      %get3A_1468 = arith.constant 992 : index
      %get3A_1469 = tpu.vector_load %arg8[%get3A_1468] {strides = array<i32>} : memref<1024xi32, #tpu.memory_space<vmem>>, vector<16xi32>,
      %get3A_1470 = arith.constant 992 : index
      %get3A_1471 = tpu.vector_load %arg7[%get3A_1470] {strides = array<i32>} : memref<1024xi32, #tpu.memory_space<vmem>>, vector<16xi32>,
      %shift_right_logical3A_1472 = arith.shrui %get3A_1469, %get3A_1471 : vector<16xi32>
      %and3A_1473 = arith.constant 1 : i32
      %and3A_1474 = vector.broadcast %and3A_1473 : i32 to vector<16xi32>
      %and3A_1475 = arith.andi %shift_right_logical3A_1472, %and3A_1474 : vector<16xi32>
      %swap3A_1476 = arith.constant 992 : index
      %swap3A_1477 = tpu.vector_load %arg9[%swap3A_1476] {strides = array<i32>} : memref<1024xi32, #tpu.memory_space<vmem>>, vector<16xi32>,
      tpu.vector_store %arg9[%swap3A_1476], %and3A_1475 {strides = array<i32>} : memref<1024xi32, #tpu.memory_space<vmem>>, vector<16xi32>,
      %get3A_1478 = arith.constant 1008 : index
      %get3A_1479 = tpu.vector_load %arg8[%get3A_1478] {strides = array<i32>} : memref<1024xi32, #tpu.memory_space<vmem>>, vector<16xi32>,
      %get3A_1480 = arith.constant 1008 : index
      %get3A_1481 = tpu.vector_load %arg7[%get3A_1480] {strides = array<i32>} : memref<1024xi32, #tpu.memory_space<vmem>>, vector<16xi32>,
      %shift_right_logical3A_1482 = arith.shrui %get3A_1479, %get3A_1481 : vector<16xi32>
      %and3A_1483 = arith.constant 1 : i32
      %and3A_1484 = vector.broadcast %and3A_1483 : i32 to vector<16xi32>
      %and3A_1485 = arith.andi %shift_right_logical3A_1482, %and3A_1484 : vector<16xi32>
      %swap3A_1486 = arith.constant 1008 : index
      %swap3A_1487 = tpu.vector_load %arg9[%swap3A_1486] {strides = array<i32>} : memref<1024xi32, #tpu.memory_space<vmem>>, vector<16xi32>,
      tpu.vector_store %arg9[%swap3A_1486], %and3A_1485 {strides = array<i32>} : memref<1024xi32, #tpu.memory_space<vmem>>, vector<16xi32>,
      "tpu.region"() ({
        %run_scoped3A = tpu.sem_alloc : memref<!tpu.dma_semaphore, #tpu.memory_space<semaphore_mem>>
        %dma_start3A_1488 = tpu.memref_slice %arg4[%add3A_19] : memref<1048576xi32, #tpu.memory_space<hbm>> -> memref<1024xi32, #tpu.memory_space<hbm>>
        %dma_start3A_1489 = tpu.memref_slice %arg4[%add3A_19] : memref<1048576xi32, #tpu.memory_space<hbm>> -> memref<1024xi32, #tpu.memory_space<hbm>>
        tpu.enqueue_dma source(%arg9 : memref<1024xi32, #tpu.memory_space<vmem>>) target(%dma_start3A_1489 : memref<1024xi32, #tpu.memory_space<hbm>>) target_semaphore(%run_scoped3A : memref<!tpu.dma_semaphore, #tpu.memory_space<semaphore_mem>>)
        %dma_wait3A_1490 = tpu.memref_slice %arg4[%add3A_19] : memref<1048576xi32, #tpu.memory_space<hbm>> -> memref<1024xi32, #tpu.memory_space<hbm>>
        %dma_wait3A_1491 = tpu.memref_slice %arg4[%add3A_19] : memref<1048576xi32, #tpu.memory_space<hbm>> -> memref<1024xi32, #tpu.memory_space<hbm>>
        tpu.wait_dma2 semaphore(%run_scoped3A : memref<!tpu.dma_semaphore, #tpu.memory_space<semaphore_mem>>) src(%arg9 : memref<1024xi32, #tpu.memory_space<vmem>>) dst(%dma_wait3A_1491 : memref<1024xi32, #tpu.memory_space<hbm>>)
        tpu.yield
      }) : () -> ()
    }
    %scan3A_12 = arith.constant 32 : i32
    %dma_wait3A = arith.constant 0 : i32
    %dma_wait3A_13 = tpu.memref_slice %arg2[%dma_wait3A] : memref<1048576xi32, #tpu.memory_space<hbm>> -> memref<1024xi32, #tpu.memory_space<hbm>>
    %dma_wait3A_14 = arith.constant 0 : i32
    %dma_wait3A_15 = tpu.memref_slice %arg2[%dma_wait3A_14] : memref<1048576xi32, #tpu.memory_space<hbm>> -> memref<1024xi32, #tpu.memory_space<hbm>>
    tpu.wait_dma2 semaphore(%arg11 : memref<!tpu.dma_semaphore, #tpu.memory_space<semaphore_mem>>) src(%dma_wait3A_15 : memref<1024xi32, #tpu.memory_space<hbm>>) dst(%arg5 : memref<1024xi32, #tpu.memory_space<vmem>>)
    return
  }
}

module attributes {stable_mosaic.version = 14 : i64} {
  func.func @_pack_body(%arg0: i32, %arg1: memref<1x32x256x256xi8, #tpu.memory_space<vmem>>, %arg2: memref<1x256x256xi32, #tpu.memory_space<vmem>>) attributes {dimension_semantics = [#tpu.dimension_semantics<arbitrary>], iteration_bounds = array<i64: 9>, scalar_prefetch = 0 : i64, scratch_operands = 0 : i64, tpu.core_type = #tpu.core_type<tc>, window_params = [{transform_indices = @transform_0, window_bounds = array<i64: 1, 32, 256, 256>}, {transform_indices = @transform_1, window_bounds = array<i64: 1, 256, 256>}]} {
    %get3A = arith.constant 0 : index
    %get3A_0 = arith.constant 0 : index
    %get3A_1 = arith.constant 0 : index
    %get3A_2 = arith.constant 0 : index
    %get3A_3 = vector.load %arg1[%get3A, %get3A_0, %get3A_1, %get3A_2] : memref<1x32x256x256xi8, #tpu.memory_space<vmem>>, vector<1x32x256x256xi8>
    %convert_element_type3A = arith.extui %get3A_3 : vector<1x32x256x256xi8> to vector<1x32x256x256xi32>
    %iota3A = tpu.iota {dimensions = array<i32: 1>} : vector<1x32x1x1xi32>
    %shift_left3A = vector.broadcast %iota3A : vector<1x32x1x1xi32> to vector<1x32x256x256xi32>
    %shift_left3A_4 = arith.shli %convert_element_type3A, %shift_left3A : vector<1x32x256x256xi32>
    %reduce_sum3A = arith.constant dense<0> : vector<1x256x256xi32>
    %reduce_sum3A_5 = vector.multi_reduction <add>, %shift_left3A_4, %reduce_sum3A [1] : vector<1x32x256x256xi32> to vector<1x256x256xi32>
    %lt3A = arith.constant 8 : i32
    %lt3A_6 = arith.cmpi slt, %arg0, %lt3A : i32
    %jit3A = arith.constant 0 : i32
    %broadcast_in_dim3A = vector.broadcast %jit3A : i32 to vector<1x256x256xi32>
    %select_n3A = arith.select %lt3A_6, %reduce_sum3A_5, %broadcast_in_dim3A : vector<1x256x256xi32>
    %swap3A = arith.constant 0 : index
    %swap3A_7 = arith.constant 0 : index
    %swap3A_8 = arith.constant 0 : index
    %swap3A_9 = vector.load %arg2[%swap3A, %swap3A_7, %swap3A_8] : memref<1x256x256xi32, #tpu.memory_space<vmem>>, vector<1x256x256xi32>
    tpu.vector_store %arg2[%swap3A, %swap3A_7, %swap3A_8], %select_n3A {strides = array<i32>} : memref<1x256x256xi32, #tpu.memory_space<vmem>>, vector<1x256x256xi32>,
    return
  }
  func.func @transform_0(%arg0: i32) -> (i32, i32, i32, i32) {
    %min3A = arith.constant 7 : i32
    %min3A_0 = arith.minsi %arg0, %min3A : i32
    %c0_i32 = arith.constant 0 : i32
    %c0_i32_1 = arith.constant 0 : i32
    %c0_i32_2 = arith.constant 0 : i32
    %c0_i32_3 = arith.constant 0 : i32
    return %min3A_0, %c0_i32, %c0_i32_1, %c0_i32_2 : i32, i32, i32, i32
  }
  func.func @transform_1(%arg0: i32) -> (i32, i32, i32) {
    %c0_i32 = arith.constant 0 : i32
    %c0_i32_0 = arith.constant 0 : i32
    %c0_i32_1 = arith.constant 0 : i32
    return %arg0, %c0_i32, %c0_i32_0 : i32, i32, i32
  }
}

module attributes {stable_mosaic.version = 14 : i64} {
  func.func @_idx_body(%arg0: i32, %arg1: memref<6xf32, #tpu.memory_space<smem>>, %arg2: memref<3x1024x128xf32, #tpu.memory_space<vmem>>, %arg3: memref<1024x128xi32, #tpu.memory_space<vmem>>) attributes {dimension_semantics = [#tpu.dimension_semantics<arbitrary>], iteration_bounds = array<i64: 8>, scalar_prefetch = 0 : i64, scratch_operands = 0 : i64, tpu.core_type = #tpu.core_type<tc>, window_params = [{transform_indices = @transform_0, window_bounds = array<i64: 6>}, {transform_indices = @transform_1, window_bounds = array<i64: 3, 1024, 128>}, {transform_indices = @transform_2, window_bounds = array<i64: 1024, 128>}]} {
    %get3A = arith.constant 0 : index
    %get3A_0 = arith.constant 0 : index
    %get3A_1 = arith.constant 0 : index
    %get3A_2 = vector.load %arg2[%get3A, %get3A_0, %get3A_1] : memref<3x1024x128xf32, #tpu.memory_space<vmem>>, vector<1x1024x128xf32>
    %get3A_3 = vector.shape_cast %get3A_2 : vector<1x1024x128xf32> to vector<1024x128xf32>
    %get3A_4 = arith.constant 1 : index
    %get3A_5 = arith.constant 0 : index
    %get3A_6 = arith.constant 0 : index
    %get3A_7 = vector.load %arg2[%get3A_4, %get3A_5, %get3A_6] : memref<3x1024x128xf32, #tpu.memory_space<vmem>>, vector<1x1024x128xf32>
    %get3A_8 = vector.shape_cast %get3A_7 : vector<1x1024x128xf32> to vector<1024x128xf32>
    %get3A_9 = arith.constant 2 : index
    %get3A_10 = arith.constant 0 : index
    %get3A_11 = arith.constant 0 : index
    %get3A_12 = vector.load %arg2[%get3A_9, %get3A_10, %get3A_11] : memref<3x1024x128xf32, #tpu.memory_space<vmem>>, vector<1x1024x128xf32>
    %get3A_13 = vector.shape_cast %get3A_12 : vector<1x1024x128xf32> to vector<1024x128xf32>
    %get3A_14 = arith.constant 0 : index
    %get3A_15 = memref.load %arg1[%get3A_14] : memref<6xf32, #tpu.memory_space<smem>>
    %mul3A = vector.broadcast %get3A_15 : f32 to vector<1024x128xf32>
    %mul3A_16 = arith.mulf %get3A_3, %mul3A : vector<1024x128xf32>
    %get3A_17 = arith.constant 3 : index
    %get3A_18 = memref.load %arg1[%get3A_17] : memref<6xf32, #tpu.memory_space<smem>>
    %add3A = vector.broadcast %get3A_18 : f32 to vector<1024x128xf32>
    %add3A_19 = arith.addf %mul3A_16, %add3A : vector<1024x128xf32>
    %add3A_20 = arith.constant 0x4B400000 : f32
    %add3A_21 = vector.broadcast %add3A_20 : f32 to vector<1024x128xf32>
    %add3A_22 = arith.addf %add3A_19, %add3A_21 : vector<1024x128xf32>
    %sub3A = arith.constant 0x4B400000 : f32
    %sub3A_23 = vector.broadcast %sub3A : f32 to vector<1024x128xf32>
    %sub3A_24 = arith.subf %add3A_22, %sub3A_23 : vector<1024x128xf32>
    %get3A_25 = arith.constant 1 : index
    %get3A_26 = memref.load %arg1[%get3A_25] : memref<6xf32, #tpu.memory_space<smem>>
    %mul3A_27 = vector.broadcast %get3A_26 : f32 to vector<1024x128xf32>
    %mul3A_28 = arith.mulf %get3A_8, %mul3A_27 : vector<1024x128xf32>
    %get3A_29 = arith.constant 4 : index
    %get3A_30 = memref.load %arg1[%get3A_29] : memref<6xf32, #tpu.memory_space<smem>>
    %add3A_31 = vector.broadcast %get3A_30 : f32 to vector<1024x128xf32>
    %add3A_32 = arith.addf %mul3A_28, %add3A_31 : vector<1024x128xf32>
    %add3A_33 = arith.constant 0x4B400000 : f32
    %add3A_34 = vector.broadcast %add3A_33 : f32 to vector<1024x128xf32>
    %add3A_35 = arith.addf %add3A_32, %add3A_34 : vector<1024x128xf32>
    %sub3A_36 = arith.constant 0x4B400000 : f32
    %sub3A_37 = vector.broadcast %sub3A_36 : f32 to vector<1024x128xf32>
    %sub3A_38 = arith.subf %add3A_35, %sub3A_37 : vector<1024x128xf32>
    %get3A_39 = arith.constant 2 : index
    %get3A_40 = memref.load %arg1[%get3A_39] : memref<6xf32, #tpu.memory_space<smem>>
    %mul3A_41 = vector.broadcast %get3A_40 : f32 to vector<1024x128xf32>
    %mul3A_42 = arith.mulf %get3A_13, %mul3A_41 : vector<1024x128xf32>
    %get3A_43 = arith.constant 5 : index
    %get3A_44 = memref.load %arg1[%get3A_43] : memref<6xf32, #tpu.memory_space<smem>>
    %add3A_45 = vector.broadcast %get3A_44 : f32 to vector<1024x128xf32>
    %add3A_46 = arith.addf %mul3A_42, %add3A_45 : vector<1024x128xf32>
    %add3A_47 = arith.constant 0x4B400000 : f32
    %add3A_48 = vector.broadcast %add3A_47 : f32 to vector<1024x128xf32>
    %add3A_49 = arith.addf %add3A_46, %add3A_48 : vector<1024x128xf32>
    %sub3A_50 = arith.constant 0x4B400000 : f32
    %sub3A_51 = vector.broadcast %sub3A_50 : f32 to vector<1024x128xf32>
    %sub3A_52 = arith.subf %add3A_49, %sub3A_51 : vector<1024x128xf32>
    %convert_element_type3A = arith.fptosi %sub3A_24 : vector<1024x128xf32> to vector<1024x128xi32>
    %convert_element_type3A_53 = arith.fptosi %sub3A_38 : vector<1024x128xf32> to vector<1024x128xi32>
    %convert_element_type3A_54 = arith.fptosi %sub3A_52 : vector<1024x128xf32> to vector<1024x128xi32>
    %or3A = arith.ori %convert_element_type3A, %convert_element_type3A_53 : vector<1024x128xi32>
    %or3A_55 = arith.ori %or3A, %convert_element_type3A_54 : vector<1024x128xi32>
    %and3A = arith.constant -256 : i32
    %and3A_56 = vector.broadcast %and3A : i32 to vector<1024x128xi32>
    %and3A_57 = arith.andi %or3A_55, %and3A_56 : vector<1024x128xi32>
    %and3A_58 = arith.constant 224 : i32
    %and3A_59 = vector.broadcast %and3A_58 : i32 to vector<1024x128xi32>
    %and3A_60 = arith.andi %convert_element_type3A, %and3A_59 : vector<1024x128xi32>
    %shift_left3A = arith.constant 11 : i32
    %shift_left3A_61 = vector.broadcast %shift_left3A : i32 to vector<1024x128xi32>
    %shift_left3A_62 = arith.shli %and3A_60, %shift_left3A_61 : vector<1024x128xi32>
    %and3A_63 = arith.constant 255 : i32
    %and3A_64 = vector.broadcast %and3A_63 : i32 to vector<1024x128xi32>
    %and3A_65 = arith.andi %convert_element_type3A_53, %and3A_64 : vector<1024x128xi32>
    %shift_left3A_66 = arith.constant 8 : i32
    %shift_left3A_67 = vector.broadcast %shift_left3A_66 : i32 to vector<1024x128xi32>
    %shift_left3A_68 = arith.shli %and3A_65, %shift_left3A_67 : vector<1024x128xi32>
    %or3A_69 = arith.ori %shift_left3A_62, %shift_left3A_68 : vector<1024x128xi32>
    %and3A_70 = arith.constant 255 : i32
    %and3A_71 = vector.broadcast %and3A_70 : i32 to vector<1024x128xi32>
    %and3A_72 = arith.andi %convert_element_type3A_54, %and3A_71 : vector<1024x128xi32>
    %or3A_73 = arith.ori %or3A_69, %and3A_72 : vector<1024x128xi32>
    %eq3A = arith.constant 0 : i32
    %eq3A_74 = vector.broadcast %eq3A : i32 to vector<1024x128xi32>
    %eq3A_75 = arith.cmpi eq, %and3A_57, %eq3A_74 : vector<1024x128xi32>
    %and3A_76 = arith.constant 65535 : i32
    %and3A_77 = vector.broadcast %and3A_76 : i32 to vector<1024x128xi32>
    %and3A_78 = arith.andi %or3A_73, %and3A_77 : vector<1024x128xi32>
    %or3A_79 = arith.constant 524288 : i32
    %or3A_80 = vector.broadcast %or3A_79 : i32 to vector<1024x128xi32>
    %or3A_81 = arith.ori %and3A_78, %or3A_80 : vector<1024x128xi32>
    %select_n3A = arith.select %eq3A_75, %or3A_73, %or3A_81 : vector<1024x128xi1>, vector<1024x128xi32>
    %and3A_82 = arith.constant 31 : i32
    %and3A_83 = vector.broadcast %and3A_82 : i32 to vector<1024x128xi32>
    %and3A_84 = arith.andi %convert_element_type3A, %and3A_83 : vector<1024x128xi32>
    %shift_left3A_85 = arith.constant 20 : i32
    %shift_left3A_86 = vector.broadcast %shift_left3A_85 : i32 to vector<1024x128xi32>
    %shift_left3A_87 = arith.shli %and3A_84, %shift_left3A_86 : vector<1024x128xi32>
    %or3A_88 = arith.ori %select_n3A, %shift_left3A_87 : vector<1024x128xi32>
    %swap3A = arith.constant 0 : index
    %swap3A_89 = arith.constant 0 : index
    %swap3A_90 = vector.load %arg3[%swap3A, %swap3A_89] : memref<1024x128xi32, #tpu.memory_space<vmem>>, vector<1024x128xi32>
    tpu.vector_store %arg3[%swap3A, %swap3A_89], %or3A_88 {strides = array<i32>} : memref<1024x128xi32, #tpu.memory_space<vmem>>, vector<1024x128xi32>,
    return
  }
  func.func @transform_0(%arg0: i32) -> i32 {
    %c0_i32 = arith.constant 0 : i32
    %c0_i32_0 = arith.constant 0 : i32
    return %c0_i32 : i32
  }
  func.func @transform_1(%arg0: i32) -> (i32, i32, i32) {
    %c0_i32 = arith.constant 0 : i32
    %c0_i32_0 = arith.constant 0 : i32
    %c0_i32_1 = arith.constant 0 : i32
    return %c0_i32, %arg0, %c0_i32_0 : i32, i32, i32
  }
  func.func @transform_2(%arg0: i32) -> (i32, i32) {
    %c0_i32 = arith.constant 0 : i32
    %c0_i32_0 = arith.constant 0 : i32
    return %arg0, %c0_i32 : i32, i32
  }
}

</mosaic_0001>

<sc_bundles>
// kernel: kernel.5.cloned.1.call-start
scs
__scs_entry_jumppad:
0x0: {  	(pc) =	sbr.rel $0x88, $3  }
0x1: {  	(tag) =	ssettag $0x0;
	lr =	simm.s32 $0x1  }
0x2: {  	[smem:$0x3F9C] =	sst lr;
	_ =	strace $0xD0000000  }
0x3: {  	_ = 	snop  }
0x4: {  	_ = 	snop  }
0x5: {  	_ = 	snop  }
0x6: {  	_ = 	snop  }
0x7: {  	_ = 	snop  }
__scs_overlays_trampoline_lowered:
0x8: {  	[smem:$0x3FAB] =	sst s0  }
0x9: {  	[smem:$0x3FAC] =	sst s1  }
0xa: {  	[smem:$0x3FAD] =	sst s2  }
0xb: {  	[smem:$0x3FAE] =	sst s3  }
0xc: {  	[smem:$0x3FAF] =	sst s4  }
0xd: {  	[smem:$0x3FB0] =	sst s5  }
0xe: {  	[smem:$0x3FB1] =	sst s6  }
0xf: {  	[smem:$0x3FB2] =	sst s7  }
0x10: {  	[smem:$0x3FB3] =	sst s8  }
0x11: {  	[smem:$0x3FB4] =	sst s9;
	s0 =	simm.s32 @!p0 $0x0  }
0x12: {  	s1 =	sld [smem:$0x3F9A];
	s0 =	simm.s32 @p0 $0x1  }
0x13: {  	[smem:$0x3FB5] =	sst s0;
	s0 =	simm.s32 @!p1 $0x0  }
0x14: {  	s2 =	sld [smem:$0x3F99];
	s0 =	simm.s32 @p1 $0x1  }
0x15: {  	[smem:$0x3FB6] =	sst s0;
	s0 =	simm.s32 @!p2 $0x0  }
0x16: {  	s3 =	sld [smem:$0x3FDB];
	s0 =	simm.s32 @p2 $0x1  }
0x17: {  	s4 =	simm.s32 $0x1BF5;
	[smem:$0x3FB8] =	sst s0  }
0x18: {  	s0 =	sld [smem:$0x3F9B];
	_ =	swait.ge [sflag:s4], $0x0  }
0x19: {  	s7 =	sld [smem:$0x3F9C]  }
0x1a: {  	s8 =	sadd.s32 $0xFFFFE003, lr  }
0x1b: {  	s9 =	sadd.s32 $0xFFFFFEF7, lr;
	s5 =	simm.s32 $0xFFFFFFFF;
	p2 =	slt.u32 s8, $0xFFFFF086  }
0x1c: {  	p1 =	slt.u32 s9, $0xF7A;
	s5 =	simm.s32 @!p2 $0x0  }
0x1d: {  	s5 =	simm.s32 @p1 $0x1;
	p0 =	seq.s32 s7, s2  }
0x1e: {  	s7 =	smul.u32 @!p0 $0xF7A, s2;
	p2 =	seq.s32 @!p0 s5, $0x0  }
0x1f: {  	s9 =	smul.u32 $0xF7A, s1;
	s8 =	simm.s32 @!p0 $0x1BF5;
	p2 =	por !p2, p0  }
0x20: {  	[sflag:s8] =	ssyncset.s32 @!p0 $0xFFFFF086;
	s6 =	sadd.s32 @!p0 s3, s7;
	s7 =	simm.s32 @!p0 $0x108  }
0x21: {  	s3 =	sadd.s32 s3, s9;
	s6 =	sadd.s32 @!p0 $0x88, s6;
	s7 =	simm.s32 @p2 $0x1082  }
0x22: {  	[simem:s7], [sflag:s8] =	dma.local @!p0 [hbm:s6], $0xF7A  }
0x23: {  	s9 =	sor.u32 $0xD0000000, s2;
	s6 =	simm.s32 $0x108;
	_ =	swait.ge @!p0 [sflag:s8], $0x0  }
0x24: {  	s3 =	sadd.s32 $0x88, s3;
	s6 =	simm.s32 @!p1 $0x1082;
	[sflag:s4] =	ssyncset.s32 $0xFFFFF086  }
0x25: {  	[simem:s6], [sflag:s4] =	dma.local [hbm:s3], $0xF7A  }
0x26: {  	[smem:$0x3F9C] =	sst s1;
	(tag) =	ssettag s2;
	_ =	strace s9  }
0x27: {  	s1 =	sld [smem:$0x3FAC]  }
0x28: {  	s2 =	sld [smem:$0x3FAD]  }
0x29: {  	s4 =	sld [smem:$0x3FAF]  }
0x2a: {  	p0 =	seq.s32 s5, $0x0;
	s5 =	sld [smem:$0x3FB0]  }
0x2b: {  	s6 =	sld [smem:$0x3FB1]  }
0x2c: {  	s7 =	sld [smem:$0x3FB2]  }
0x2d: {  	s3 =	simm.s32 $0x108;
	s8 =	sld [smem:$0x3FB3]  }
0x2e: {  	s3 =	simm.s32 @!p0 $0x1082;
	s9 =	sld [smem:$0x3FB4]  }
0x2f: {  	lr =	sadd.s32 s0, s3;
	s0 =	sld [smem:$0x3FAB]  }
0x30: {  	s3 =	sld [smem:$0x3FAE]  }
0x31: {  	[smem:$0x3FB7] =	sst s10  }
0x32: {  	s10 =	sld [smem:$0x3FB5];
	_ =	sdelay $0x3  }
0x33: {  	p0 =	seq.s32 s10, $0x1;
	s10 =	sld [smem:$0x3FB7];
	_ =	sdelay $0x3  }
0x34: {  	[smem:$0x3FB7] =	sst s10  }
0x35: {  	s10 =	sld [smem:$0x3FB6];
	_ =	sdelay $0x3  }
0x36: {  	p1 =	seq.s32 s10, $0x1;
	s10 =	sld [smem:$0x3FB7];
	_ =	sdelay $0x3  }
0x37: {  	[smem:$0x3FB7] =	sst s10  }
0x38: {  	s10 =	sld [smem:$0x3FB8]  }
0x39: {  	_ = 	snop;
	(pc) =	sbr.ind lr, $3  }
0x3a: {  	_ = 	snop  }
0x3b: {  	_ = 	snop  }
0x3c: {  	p2 =	seq.s32 s10, $0x1;
	s10 =	sld [smem:$0x3FB7]  }
0x3d: {  	_ =	shalt  }
0x3e: {  	_ =	shalt  }
0x3f: {  	_ =	shalt  }
0x40: {  	_ =	shalt  }
0x41: {  	_ =	shalt  }
0x42: {  	_ =	shalt  }
0x43: {  	_ =	shalt  }
0x44: {  	_ =	shalt  }
0x45: {  	_ =	shalt  }
0x46: {  	_ =	shalt  }
0x47: {  	_ =	shalt  }
0x48: {  	_ =	shalt  }
0x49: {  	_ =	shalt  }
0x4a: {  	_ =	shalt  }
0x4b: {  	_ =	shalt  }
0x4c: {  	_ =	shalt  }
0x4d: {  	_ =	shalt  }
0x4e: {  	_ =	shalt  }
0x4f: {  	_ =	shalt  }
0x50: {  	_ =	shalt  }
0x51: {  	_ =	shalt  }
0x52: {  	_ =	shalt  }
0x53: {  	_ =	shalt  }
0x54: {  	_ =	shalt  }
0x55: {  	_ =	shalt  }
0x56: {  	_ =	shalt  }
0x57: {  	_ =	shalt  }
0x58: {  	_ =	shalt  }
0x59: {  	_ =	shalt  }
0x5a: {  	_ =	shalt  }
0x5b: {  	_ =	shalt  }
0x5c: {  	_ =	shalt  }
0x5d: {  	_ =	shalt  }
0x5e: {  	_ =	shalt  }
0x5f: {  	_ =	shalt  }
0x60: {  	_ =	shalt  }
0x61: {  	_ =	shalt  }
0x62: {  	_ =	shalt  }
0x63: {  	_ =	shalt  }
0x64: {  	_ =	shalt  }
0x65: {  	_ =	shalt  }
0x66: {  	_ =	shalt  }
0x67: {  	_ =	shalt  }
0x68: {  	_ =	shalt  }
0x69: {  	_ =	shalt  }
0x6a: {  	_ =	shalt  }
0x6b: {  	_ =	shalt  }
0x6c: {  	_ =	shalt  }
0x6d: {  	_ =	shalt  }
0x6e: {  	_ =	shalt  }
0x6f: {  	_ =	shalt  }
0x70: {  	_ =	shalt  }
0x71: {  	_ =	shalt  }
0x72: {  	_ =	shalt  }
0x73: {  	_ =	shalt  }
0x74: {  	_ =	shalt  }
0x75: {  	_ =	shalt  }
0x76: {  	_ =	shalt  }
0x77: {  	_ =	shalt  }
0x78: {  	_ =	shalt  }
0x79: {  	_ =	shalt  }
0x7a: {  	_ =	shalt  }
0x7b: {  	_ =	shalt  }
0x7c: {  	_ =	shalt  }
0x7d: {  	_ =	shalt  }
0x7e: {  	_ =	shalt  }
0x7f: {  	_ =	shalt  }
0x80: {  	_ =	shalt  }
0x81: {  	_ =	shalt  }
0x82: {  	_ =	shalt  }
0x83: {  	_ =	shalt  }
0x84: {  	_ =	shalt  }
0x85: {  	_ =	shalt  }
0x86: {  	_ =	shalt  }
0x87: {  	_ =	shalt  }
.Lfunc_end0:
.L_simem_size_0:
called_computation_lowered:
.L_overlay_start_0:
0x88: {  	s2 =	sld [smem:$0x3FD9]  }
0x89: {  	s3 =	sld [smem:$0x3FFE];
	_ =	sdelay $0x1  }
0x8a: {  	s1 =	srdreg.scid  }
0x8b: {  	s0 =	sand.u32 $0x1, s1  }
0x8c: {  	s16 =	sshll.u32 s0, $0xA;
	s2 =	sadd.s32 s3, s2  }
0x8d: {  	s2 =	sadd.s32 s2, s16  }
0x8e: {  	[smem:$0x3FC3] =	sst s2  }
0x8f: {  	_ = 	snop  }
0x90: {  	(tm) =	ssettm $0x1  }
0x91: {  	s17 =	sld [smem:$0x3FFB];
	_ =	sdelay $0x3  }
0x92: {  	_ =	strace s17  }
0x93: {  	s2 =	sld [smem:$0x3FFC];
	_ =	sdelay $0x3  }
0x94: {  	_ =	strace s2  }
0x95: {  	s2 =	sld [smem:$0x3FFD];
	_ =	sdelay $0x3  }
0x96: {  	_ =	strace s2  }
0x97: {  	_ =	strace $0x8FFFFFFF  }
0x98: {  	s18 =	sld [smem:$0x3FDB];
	_ =	sdelay $0x1  }
0x99: {  	s19 =	simm.s32 $_scs_section_size  }
0x9a: {  	s4 =	simm.s32 $_size__tile_overlayer_lowered;
	s5 =	simm.s32 $_tile_overlayer_lowered  }
0x9b: {  	s22 =	simm.s32 $0x1BFF;
	s21 =	sshll.u32 s5, $0x1;
	s2 =	sadd.s32 s19, s18  }
0x9c: {  	s6 =	simm.s32 $0x0;
	s20 =	sshll.u32 s4, $0x1;
	s4 =	sadd.s32 s21, s2  }
0x9d: {  	[timem:s6], [sflag:s22] =	dma.local [hbm:s4], s20  }
0x9e: {  	_ =	swait.ge [sflag:s22], s20  }
0x9f: {  	s3 =	ssub.s32 $0x0, s20;
	[sflag:s22] =	ssyncset.done $0x0  }
0xa0: {  	[sflag:s22] =	ssyncadd.s32 s3;
	_ =	sdelay $0x1  }
0xa1: {  	s23 =	simm.s32 $0x1B8B  }
0xa2: {  	_ =	swait.ge [sflag:s23], $0x1  }
0xa3: {  	[sflag:s23] =	ssyncset.done $0x0  }
0xa4: {  	s25 =	simm.s32 $0x1B8E;
	s24 =	sld [smem:$0x3FFE];
	[sflag:s23] =	ssyncadd.s32 $0xFFFFFFFF  }
0xa5: {  	s26 =	simm.s32 $execute0_lowered;
	[smem:$0x3FD2] =	sst s25  }
0xa6: {  	s4 =	sshll.u32 s26, $0x1;
	_ =	strace $0x80000046;
	[dreg:$0x1] =	wrdreg $0xFFFFFFFF  }
0xa7: {  	s28 =	simm.s32 $_size_execute0_lowered;
	s2 =	sadd.s32 s2, s4;
	[dreg:$0x0] =	wrdreg $0x0  }
0xa8: {  	s4 =	sshll.u32 s28, $0x1;
	[dreg:$0x2] =	wrdreg s2  }
0xa9: {  	[dreg:$0x3] =	wrdreg s4  }
0xaa: {  	[dreg:$0x4] =	wrdreg $0xC0  }
0xab: {  	_ =	task [dreg:s6], $0x5FFFF  }
0xac: {  	[dreg:$0x1] =	wrdreg $0xFFFFFFFF  }
0xad: {  	[dreg:$0x0] =	wrdreg $0x60  }
0xae: {  	[dreg:$0x2] =	wrdreg s24  }
0xaf: {  	[dreg:$0x3] =	wrdreg $0x14000  }
0xb0: {  	[dreg:$0x4] =	wrdreg $0x9  }
0xb1: {  	_ =	task.clear_ibuf [dreg:s6], $0x5FFFF;
	_ =	strace $0x90000046  }
0xb2: {  	s29 =	simm.s32 $0x9;
	_ =	strace $0x80000048  }
0xb3: {  	_ =	swait.ge [sflag:s29], $0x1  }
0xb4: {  	[sflag:s29] =	ssyncadd.s32 $0xFFFFFFFF  }
0xb5: {  	_ =	strace $0x90000048  }
0xb6: {  	_ =	sfence  }
0xb7: {  	s30 =	sld [smem:$0x0];
	_ =	sdelay $0x2  }
0xb8: {  	s31 =	sshll.u32 s1, $0xD;
	s1 =	sshrl.u32 s1, $0x2  }
0xb9: {  	s3 =	sand.u32 $0x4000, s31;
	s1 =	sadd.s32 s1, s30  }
0xba: {  	s0 =	sor.u32 s3, s0;
	s1 =	sshll.u32 s1, $0x11  }
0xbb: {  	s0 =	sor.u32 s1, s0  }
0xbc: {  	s0 =	sadd.s32 $0x8F2B, s0  }
0xbd: {  	[sflag:s0] =	ssyncadd.remote.s32 $0x1  }
0xbe: {  	_ =	sfence.sel $0xFFFF  }
0xbf: {  	[dreg:$0x0] =	wrdreg $0xFFFFFFFF;
	(pc) =	sbr.abs _section_cstart, $3  }
0xc0: {  	[dreg:$0x1] =	wrdreg $0xFFFFFFFF  }
0xc1: {  	_ =	task.clear_ibuf [dreg:s6], $0x2FFFF;
	_ =	strace $0x9FFFFFFF  }
0xc2: {  	(tm) =	ssettm $0x7FFFFFFF  }
0xc3: {  	_ =	shalt  }
tec
execute0_lowered:
.L_overlay_start_1:
0x0: {  	(tag) =	ssettag $0x1  }
0x1: {  	s0 =	rddreg [dreg:$0x0]  }
0x2: {  	s2 =	rddreg [dreg:$0x1];
	s3 =	simm.s32 $0x0  }
0x3: {  	s10 =	stileid.u32;
	s1 =	srdreg.scid;
	s12 =	simm.s32 $0x3  }
0x4: {  	s13 =	simm.s32 $0x1;
	s14 =	simm.s32 $0x80;
	s15 =	simm.s32 $0x400  }
0x5: {  	s26 =	simm.s32 $0xC00;
	s16 =	simm.s32 $0x480;
	s17 =	simm.s32 $0xC80  }
0x6: {  	s18 =	simm.s32 $0x500;
	s28 =	simm.s32 $0xF00;
	s29 =	simm.s32 $0x780  }
0x7: {  	s30 =	simm.s32 $0xF80;
	s31 =	simm.s32 $0x2;
	[smem:$0x7FF] =	sst s3  }
0x8: {  	s6 =	smul.u32 $0x9000, s10;
	s1 =	sand.u32 $0x1, s1;
	s4 =	sadd.s32 $0x13600, s0  }
0x9: {  	s5 =	sshll.u32 s10, $0x10;
	s21 =	sshll.u32 s10, $0x6;
	_ =	strace $0x80000047  }
0xa: {  	s7 =	sshll.u32 s1, $0xF;
	s1 =	ssub.s32 $0x2, s1;
	s24 =	sor.u32 $0x1C03, s21  }
0xb: {  	[dreg:$0x3] =	wrdreg s26;
	s21 =	simm.s32 $0xD80;
	s26 =	simm.s32 $0x700  }
0xc: {  	s8 =	sshrl.u32 s6, $0x3;
	s5 =	sor.u32 s7, s5;
	s9 =	sshrl.u32 s1, $0x1  }
0xd: {  	s22 =	sadd.s32 s6, s2;
	[dreg:$0x5] =	wrdreg s24;
	s24 =	simm.s32 $0x680  }
0xe: {  	s19 =	sadd.s32 s8, s0;
	s20 =	sshrl.u32 s5, $0x3;
	s1 =	ssub.s32 s1, s9  }
0xf: {  	s11 =	sshrl.u32 s22, $0x3;
	s22 =	simm.s32 $0x600;
	s0 =	sadd.s32 s20, s0  }
0x10: {  	s23 =	sadd.s32 $0x1600, s19;
	s25 =	sadd.s32 s4, s20;
	s9 =	smax.u32 s1, $0x1  }
0x11: {  	s19 =	simm.s32 $0xD00;
	s20 =	simm.s32 $0x580;
	[dreg:$0x4] =	wrdreg s23  }
0x12: {  	s1 =	simm.s32 $0x0;
	[dreg:$0x6] =	wrdreg s25;
	s6 =	sadd.s32 $0x33600, s0  }
0x13: {  	s23 =	simm.s32 $0xE00;
	s25 =	simm.s32 $0xE80;
	s0 =	simm.s32 $0x1000  }
.LBB2_1:
0x14: {  	s7 =	rddreg [dreg:$0x4]  }
0x15: {  	s8 =	rddreg [dreg:$0x5]  }
0x16: {  	[spmem:s11], [sflag:s8] =	dma.local [hbm:s7], $0x1200  }
0x17: {  	_ =	swait.ge [sflag:s12], $0x1200  }
0x18: {  	[sflag:s12] =	ssyncset.done $0x0  }
0x19: {  	[sflag:s12] =	ssyncadd.s32 $0xFFFFEE00  }
0x1a: {  	[bflag:$0x0] =	sbarrier.arrive $0xFFFF  }
0x1b: {  	s10 =	rddreg [dreg:$0x6]  }
0x1c: {  	[tilespmem:s3], [sflag:$0x1] =	stream.linear.gather [hbm4b:s10+s3], $0x400, $0x38;
	[tilespmem:$0xA400] =	vst v63  }
0x1d: {  	s7 =	simm.s32 $0x400;
	s10 =	smov.u32 s6  }
.LBB2_2:
0x1e: {  	_ =	swait.ge [sflag:s13], $0x400  }
0x1f: {  	[sflag:s13] =	ssyncset.done $0x0  }
0x20: {  	[sflag:s13] =	ssyncadd.s32 $0xFFFFFC00  }
0x21: {  	v0 =	vld [tilespmem:$0x0];
	_ =	sdelay $0x1  }
0x22: {  	v1 =	vld [tilespmem:$0x10];
	_ =	sdelay $0x1  }
0x23: {  	v2 =	vld [tilespmem:$0x20]  }
0x24: {  	v3 =	vand.u32 $0xFFFFF, v0  }
0x25: {  	v8 =	vld [tilespmem:$0x30];
	v0 =	vshrl.u32 v0, $0x14;
	[tilespmem:$0x400] =	vst v3  }
0x26: {  	v9 =	vand.u32 $0xFFFFF, v1;
	[tilespmem:$0x800] =	vst v0  }
0x27: {  	v11 =	vld [tilespmem:$0x40];
	v10 =	vshrl.u32 v1, $0x14;
	[tilespmem:$0x410] =	vst v9  }
0x28: {  	v12 =	vand.u32 $0xFFFFF, v2;
	[tilespmem:$0x810] =	vst v10  }
0x29: {  	v14 =	vld [tilespmem:$0x50];
	v13 =	vshrl.u32 v2, $0x14;
	[tilespmem:$0x420] =	vst v12  }
0x2a: {  	v15 =	vand.u32 $0xFFFFF, v8;
	[tilespmem:$0x820] =	vst v13  }
0x2b: {  	v17 =	vld [tilespmem:$0x60];
	v16 =	vshrl.u32 v8, $0x14;
	[tilespmem:$0x430] =	vst v15  }
0x2c: {  	v18 =	vand.u32 $0xFFFFF, v11;
	[tilespmem:$0x830] =	vst v16  }
0x2d: {  	v20 =	vld [tilespmem:$0x70];
	v19 =	vshrl.u32 v11, $0x14;
	[tilespmem:$0x440] =	vst v18  }
0x2e: {  	v21 =	vand.u32 $0xFFFFF, v14;
	[tilespmem:$0x840] =	vst v19  }
0x2f: {  	v22 =	vshrl.u32 v14, $0x14;
	[tilespmem:$0x450] =	vst v21  }
0x30: {  	v23 =	vand.u32 $0xFFFFF, v17;
	[tilespmem:$0x850] =	vst v22  }
0x31: {  	v24 =	vshrl.u32 v17, $0x14;
	[tilespmem:$0x460] =	vst v23  }
0x32: {  	v25 =	vand.u32 $0xFFFFF, v20;
	[tilespmem:$0x860] =	vst v24  }
0x33: {  	v26 =	vshrl.u32 v20, $0x14;
	[tilespmem:$0x470] =	vst v25  }
0x34: {  	s8 =	rddreg [dreg:$0x3];
	[tilespmem:$0x870] =	vst v26  }
0x35: {  	[tilespmem:s8], [sflag:$0x2] =	stream.indirect.gather [spmem:s2], $0x1, s15, s14, $0xb8;
	[tilespmem:$0xA400] =	vst v63  }
0x36: {  	v27 =	vld [tilespmem:$0x80];
	_ =	sdelay $0x1  }
0x37: {  	v28 =	vld [tilespmem:$0x90];
	_ =	sdelay $0x1  }
0x38: {  	v29 =	vld [tilespmem:$0xA0]  }
0x39: {  	v30 =	vand.u32 $0xFFFFF, v27  }
0x3a: {  	v31 =	vld [tilespmem:$0xB0];
	v0 =	vshrl.u32 v27, $0x14;
	[tilespmem:$0x480] =	vst v30  }
0x3b: {  	v32 =	vand.u32 $0xFFFFF, v28;
	[tilespmem:$0x880] =	vst v0  }
0x3c: {  	v34 =	vld [tilespmem:$0xC0];
	v33 =	vshrl.u32 v28, $0x14;
	[tilespmem:$0x490] =	vst v32  }
0x3d: {  	v35 =	vand.u32 $0xFFFFF, v29;
	[tilespmem:$0x890] =	vst v33  }
0x3e: {  	v37 =	vld [tilespmem:$0xD0];
	v36 =	vshrl.u32 v29, $0x14;
	[tilespmem:$0x4A0] =	vst v35  }
0x3f: {  	v38 =	vand.u32 $0xFFFFF, v31;
	[tilespmem:$0x8A0] =	vst v36  }
0x40: {  	v40 =	vld [tilespmem:$0xE0];
	v39 =	vshrl.u32 v31, $0x14;
	[tilespmem:$0x4B0] =	vst v38  }
0x41: {  	v41 =	vand.u32 $0xFFFFF, v34;
	[tilespmem:$0x8B0] =	vst v39  }
0x42: {  	v43 =	vld [tilespmem:$0xF0];
	v42 =	vshrl.u32 v34, $0x14;
	[tilespmem:$0x4C0] =	vst v41  }
0x43: {  	v44 =	vand.u32 $0xFFFFF, v37;
	[tilespmem:$0x8C0] =	vst v42  }
0x44: {  	v45 =	vshrl.u32 v37, $0x14;
	[tilespmem:$0x4D0] =	vst v44  }
0x45: {  	v46 =	vand.u32 $0xFFFFF, v40;
	[tilespmem:$0x8D0] =	vst v45  }
0x46: {  	v47 =	vshrl.u32 v40, $0x14;
	[tilespmem:$0x4E0] =	vst v46  }
0x47: {  	v48 =	vand.u32 $0xFFFFF, v43;
	[tilespmem:$0x8E0] =	vst v47  }
0x48: {  	v49 =	vshrl.u32 v43, $0x14;
	[tilespmem:$0x4F0] =	vst v48  }
0x49: {  	[tilespmem:$0x8F0] =	vst v49  }
0x4a: {  	[tilespmem:s17], [sflag:$0x2] =	stream.indirect.gather [spmem:s2], $0x1, s16, s14, $0xb8;
	[tilespmem:$0xA400] =	vst v63  }
0x4b: {  	v50 =	vld [tilespmem:$0x100];
	_ =	sdelay $0x1  }
0x4c: {  	v51 =	vld [tilespmem:$0x110];
	_ =	sdelay $0x1  }
0x4d: {  	v52 =	vld [tilespmem:$0x120]  }
0x4e: {  	v53 =	vand.u32 $0xFFFFF, v50  }
0x4f: {  	v54 =	vld [tilespmem:$0x130];
	v0 =	vshrl.u32 v50, $0x14;
	[tilespmem:$0x500] =	vst v53  }
0x50: {  	v55 =	vand.u32 $0xFFFFF, v51;
	[tilespmem:$0x900] =	vst v0  }
0x51: {  	v57 =	vld [tilespmem:$0x140];
	v56 =	vshrl.u32 v51, $0x14;
	[tilespmem:$0x510] =	vst v55  }
0x52: {  	v58 =	vand.u32 $0xFFFFF, v52;
	[tilespmem:$0x910] =	vst v56  }
0x53: {  	v60 =	vld [tilespmem:$0x150];
	v59 =	vshrl.u32 v52, $0x14;
	[tilespmem:$0x520] =	vst v58  }
0x54: {  	v61 =	vand.u32 $0xFFFFF, v54;
	[tilespmem:$0x920] =	vst v59  }
0x55: {  	v63 =	vld [tilespmem:$0x160];
	v62 =	vshrl.u32 v54, $0x14;
	[tilespmem:$0x530] =	vst v61  }
0x56: {  	v6 =	vand.u32 $0xFFFFF, v57;
	[tilespmem:$0x930] =	vst v62  }
0x57: {  	v8 =	vld [tilespmem:$0x170];
	v7 =	vshrl.u32 v57, $0x14;
	[tilespmem:$0x540] =	vst v6  }
0x58: {  	v9 =	vand.u32 $0xFFFFF, v60;
	[tilespmem:$0x940] =	vst v7  }
0x59: {  	v10 =	vshrl.u32 v60, $0x14;
	[tilespmem:$0x550] =	vst v9  }
0x5a: {  	v11 =	vand.u32 $0xFFFFF, v63;
	[tilespmem:$0x950] =	vst v10  }
0x5b: {  	v12 =	vshrl.u32 v63, $0x14;
	[tilespmem:$0x560] =	vst v11  }
0x5c: {  	v13 =	vand.u32 $0xFFFFF, v8;
	[tilespmem:$0x960] =	vst v12  }
0x5d: {  	v14 =	vshrl.u32 v8, $0x14;
	[tilespmem:$0x570] =	vst v13  }
0x5e: {  	[tilespmem:$0x970] =	vst v14  }
0x5f: {  	[tilespmem:s19], [sflag:$0x2] =	stream.indirect.gather [spmem:s2], $0x1, s18, s14, $0xb8;
	[tilespmem:$0xA400] =	vst v63  }
0x60: {  	v15 =	vld [tilespmem:$0x180];
	_ =	sdelay $0x1  }
0x61: {  	v16 =	vld [tilespmem:$0x190];
	_ =	sdelay $0x1  }
0x62: {  	v17 =	vld [tilespmem:$0x1A0]  }
0x63: {  	v18 =	vand.u32 $0xFFFFF, v15  }
0x64: {  	v19 =	vld [tilespmem:$0x1B0];
	v0 =	vshrl.u32 v15, $0x14;
	[tilespmem:$0x580] =	vst v18  }
0x65: {  	v20 =	vand.u32 $0xFFFFF, v16;
	[tilespmem:$0x980] =	vst v0  }
0x66: {  	v22 =	vld [tilespmem:$0x1C0];
	v21 =	vshrl.u32 v16, $0x14;
	[tilespmem:$0x590] =	vst v20  }
0x67: {  	v23 =	vand.u32 $0xFFFFF, v17;
	[tilespmem:$0x990] =	vst v21  }
0x68: {  	v25 =	vld [tilespmem:$0x1D0];
	v24 =	vshrl.u32 v17, $0x14;
	[tilespmem:$0x5A0] =	vst v23  }
0x69: {  	v26 =	vand.u32 $0xFFFFF, v19;
	[tilespmem:$0x9A0] =	vst v24  }
0x6a: {  	v28 =	vld [tilespmem:$0x1E0];
	v27 =	vshrl.u32 v19, $0x14;
	[tilespmem:$0x5B0] =	vst v26  }
0x6b: {  	v29 =	vand.u32 $0xFFFFF, v22;
	[tilespmem:$0x9B0] =	vst v27  }
0x6c: {  	v31 =	vld [tilespmem:$0x1F0];
	v30 =	vshrl.u32 v22, $0x14;
	[tilespmem:$0x5C0] =	vst v29  }
0x6d: {  	v32 =	vand.u32 $0xFFFFF, v25;
	[tilespmem:$0x9C0] =	vst v30  }
0x6e: {  	v33 =	vshrl.u32 v25, $0x14;
	[tilespmem:$0x5D0] =	vst v32  }
0x6f: {  	v34 =	vand.u32 $0xFFFFF, v28;
	[tilespmem:$0x9D0] =	vst v33  }
0x70: {  	v35 =	vshrl.u32 v28, $0x14;
	[tilespmem:$0x5E0] =	vst v34  }
0x71: {  	v36 =	vand.u32 $0xFFFFF, v31;
	[tilespmem:$0x9E0] =	vst v35  }
0x72: {  	v37 =	vshrl.u32 v31, $0x14;
	[tilespmem:$0x5F0] =	vst v36  }
0x73: {  	[tilespmem:$0x9F0] =	vst v37  }
0x74: {  	[tilespmem:s21], [sflag:$0x2] =	stream.indirect.gather [spmem:s2], $0x1, s20, s14, $0xb8;
	[tilespmem:$0xA400] =	vst v63  }
0x75: {  	v38 =	vld [tilespmem:$0x200];
	_ =	sdelay $0x1  }
0x76: {  	v39 =	vld [tilespmem:$0x210];
	_ =	sdelay $0x1  }
0x77: {  	v40 =	vld [tilespmem:$0x220]  }
0x78: {  	v41 =	vand.u32 $0xFFFFF, v38  }
0x79: {  	v42 =	vld [tilespmem:$0x230];
	v0 =	vshrl.u32 v38, $0x14;
	[tilespmem:$0x600] =	vst v41  }
0x7a: {  	v43 =	vand.u32 $0xFFFFF, v39;
	[tilespmem:$0xA00] =	vst v0  }
0x7b: {  	v45 =	vld [tilespmem:$0x240];
	v44 =	vshrl.u32 v39, $0x14;
	[tilespmem:$0x610] =	vst v43  }
0x7c: {  	v46 =	vand.u32 $0xFFFFF, v40;
	[tilespmem:$0xA10] =	vst v44  }
0x7d: {  	v48 =	vld [tilespmem:$0x250];
	v47 =	vshrl.u32 v40, $0x14;
	[tilespmem:$0x620] =	vst v46  }
0x7e: {  	v49 =	vand.u32 $0xFFFFF, v42;
	[tilespmem:$0xA20] =	vst v47  }
0x7f: {  	v51 =	vld [tilespmem:$0x260];
	v50 =	vshrl.u32 v42, $0x14;
	[tilespmem:$0x630] =	vst v49  }
0x80: {  	v52 =	vand.u32 $0xFFFFF, v45;
	[tilespmem:$0xA30] =	vst v50  }
0x81: {  	v54 =	vld [tilespmem:$0x270];
	v53 =	vshrl.u32 v45, $0x14;
	[tilespmem:$0x640] =	vst v52  }
0x82: {  	v55 =	vand.u32 $0xFFFFF, v48;
	[tilespmem:$0xA40] =	vst v53  }
0x83: {  	v56 =	vshrl.u32 v48, $0x14;
	[tilespmem:$0x650] =	vst v55  }
0x84: {  	v57 =	vand.u32 $0xFFFFF, v51;
	[tilespmem:$0xA50] =	vst v56  }
0x85: {  	v58 =	vshrl.u32 v51, $0x14;
	[tilespmem:$0x660] =	vst v57  }
0x86: {  	v59 =	vand.u32 $0xFFFFF, v54;
	[tilespmem:$0xA60] =	vst v58  }
0x87: {  	v60 =	vshrl.u32 v54, $0x14;
	[tilespmem:$0x670] =	vst v59  }
0x88: {  	[tilespmem:$0xA70] =	vst v60  }
0x89: {  	[tilespmem:s23], [sflag:$0x2] =	stream.indirect.gather [spmem:s2], $0x1, s22, s14, $0xb8;
	[tilespmem:$0xA400] =	vst v63  }
0x8a: {  	v61 =	vld [tilespmem:$0x280];
	_ =	sdelay $0x1  }
0x8b: {  	v62 =	vld [tilespmem:$0x290];
	_ =	sdelay $0x1  }
0x8c: {  	v63 =	vld [tilespmem:$0x2A0]  }
0x8d: {  	v6 =	vand.u32 $0xFFFFF, v61  }
0x8e: {  	v7 =	vld [tilespmem:$0x2B0];
	v0 =	vshrl.u32 v61, $0x14;
	[tilespmem:$0x680] =	vst v6  }
0x8f: {  	v8 =	vand.u32 $0xFFFFF, v62;
	[tilespmem:$0xA80] =	vst v0  }
0x90: {  	v10 =	vld [tilespmem:$0x2C0];
	v9 =	vshrl.u32 v62, $0x14;
	[tilespmem:$0x690] =	vst v8  }
0x91: {  	v11 =	vand.u32 $0xFFFFF, v63;
	[tilespmem:$0xA90] =	vst v9  }
0x92: {  	v13 =	vld [tilespmem:$0x2D0];
	v12 =	vshrl.u32 v63, $0x14;
	[tilespmem:$0x6A0] =	vst v11  }
0x93: {  	v14 =	vand.u32 $0xFFFFF, v7;
	[tilespmem:$0xAA0] =	vst v12  }
0x94: {  	v16 =	vld [tilespmem:$0x2E0];
	v15 =	vshrl.u32 v7, $0x14;
	[tilespmem:$0x6B0] =	vst v14  }
0x95: {  	v17 =	vand.u32 $0xFFFFF, v10;
	[tilespmem:$0xAB0] =	vst v15  }
0x96: {  	v19 =	vld [tilespmem:$0x2F0];
	v18 =	vshrl.u32 v10, $0x14;
	[tilespmem:$0x6C0] =	vst v17  }
0x97: {  	v20 =	vand.u32 $0xFFFFF, v13;
	[tilespmem:$0xAC0] =	vst v18  }
0x98: {  	v21 =	vshrl.u32 v13, $0x14;
	[tilespmem:$0x6D0] =	vst v20  }
0x99: {  	v22 =	vand.u32 $0xFFFFF, v16;
	[tilespmem:$0xAD0] =	vst v21  }
0x9a: {  	v23 =	vshrl.u32 v16, $0x14;
	[tilespmem:$0x6E0] =	vst v22  }
0x9b: {  	v24 =	vand.u32 $0xFFFFF, v19;
	[tilespmem:$0xAE0] =	vst v23  }
0x9c: {  	v25 =	vshrl.u32 v19, $0x14;
	[tilespmem:$0x6F0] =	vst v24  }
0x9d: {  	[tilespmem:$0xAF0] =	vst v25  }
0x9e: {  	[tilespmem:s25], [sflag:$0x2] =	stream.indirect.gather [spmem:s2], $0x1, s24, s14, $0xb8;
	[tilespmem:$0xA400] =	vst v63  }
0x9f: {  	v26 =	vld [tilespmem:$0x300];
	_ =	sdelay $0x1  }
0xa0: {  	v27 =	vld [tilespmem:$0x310];
	_ =	sdelay $0x1  }
0xa1: {  	v28 =	vld [tilespmem:$0x320]  }
0xa2: {  	v29 =	vand.u32 $0xFFFFF, v26  }
0xa3: {  	v30 =	vld [tilespmem:$0x330];
	v0 =	vshrl.u32 v26, $0x14;
	[tilespmem:$0x700] =	vst v29  }
0xa4: {  	v31 =	vand.u32 $0xFFFFF, v27;
	[tilespmem:$0xB00] =	vst v0  }
0xa5: {  	v33 =	vld [tilespmem:$0x340];
	v32 =	vshrl.u32 v27, $0x14;
	[tilespmem:$0x710] =	vst v31  }
0xa6: {  	v34 =	vand.u32 $0xFFFFF, v28;
	[tilespmem:$0xB10] =	vst v32  }
0xa7: {  	v36 =	vld [tilespmem:$0x350];
	v35 =	vshrl.u32 v28, $0x14;
	[tilespmem:$0x720] =	vst v34  }
0xa8: {  	v37 =	vand.u32 $0xFFFFF, v30;
	[tilespmem:$0xB20] =	vst v35  }
0xa9: {  	v39 =	vld [tilespmem:$0x360];
	v38 =	vshrl.u32 v30, $0x14;
	[tilespmem:$0x730] =	vst v37  }
0xaa: {  	v40 =	vand.u32 $0xFFFFF, v33;
	[tilespmem:$0xB30] =	vst v38  }
0xab: {  	v42 =	vld [tilespmem:$0x370];
	v41 =	vshrl.u32 v33, $0x14;
	[tilespmem:$0x740] =	vst v40  }
0xac: {  	v43 =	vand.u32 $0xFFFFF, v36;
	[tilespmem:$0xB40] =	vst v41  }
0xad: {  	v44 =	vshrl.u32 v36, $0x14;
	[tilespmem:$0x750] =	vst v43  }
0xae: {  	v45 =	vand.u32 $0xFFFFF, v39;
	[tilespmem:$0xB50] =	vst v44  }
0xaf: {  	v46 =	vshrl.u32 v39, $0x14;
	[tilespmem:$0x760] =	vst v45  }
0xb0: {  	v47 =	vand.u32 $0xFFFFF, v42;
	[tilespmem:$0xB60] =	vst v46  }
0xb1: {  	v48 =	vshrl.u32 v42, $0x14;
	[tilespmem:$0x770] =	vst v47  }
0xb2: {  	[tilespmem:$0xB70] =	vst v48  }
0xb3: {  	[tilespmem:s28], [sflag:$0x2] =	stream.indirect.gather [spmem:s2], $0x1, s26, s14, $0xb8;
	[tilespmem:$0xA400] =	vst v63  }
0xb4: {  	v49 =	vld [tilespmem:$0x380];
	_ =	sdelay $0x1  }
0xb5: {  	v50 =	vld [tilespmem:$0x390];
	_ =	sdelay $0x1  }
0xb6: {  	v51 =	vld [tilespmem:$0x3A0]  }
0xb7: {  	v52 =	vand.u32 $0xFFFFF, v49  }
0xb8: {  	v53 =	vld [tilespmem:$0x3B0];
	v0 =	vshrl.u32 v49, $0x14;
	[tilespmem:$0x780] =	vst v52  }
0xb9: {  	v54 =	vand.u32 $0xFFFFF, v50;
	[tilespmem:$0xB80] =	vst v0  }
0xba: {  	v56 =	vld [tilespmem:$0x3C0];
	v55 =	vshrl.u32 v50, $0x14;
	[tilespmem:$0x790] =	vst v54  }
0xbb: {  	v57 =	vand.u32 $0xFFFFF, v51;
	[tilespmem:$0xB90] =	vst v55  }
0xbc: {  	v59 =	vld [tilespmem:$0x3D0];
	v58 =	vshrl.u32 v51, $0x14;
	[tilespmem:$0x7A0] =	vst v57  }
0xbd: {  	v60 =	vand.u32 $0xFFFFF, v53;
	[tilespmem:$0xBA0] =	vst v58  }
0xbe: {  	v62 =	vld [tilespmem:$0x3E0];
	v61 =	vshrl.u32 v53, $0x14;
	[tilespmem:$0x7B0] =	vst v60  }
0xbf: {  	v63 =	vand.u32 $0xFFFFF, v56;
	[tilespmem:$0xBB0] =	vst v61  }
0xc0: {  	v5 =	vld [tilespmem:$0x3F0];
	v4 =	vshrl.u32 v56, $0x14;
	[tilespmem:$0x7C0] =	vst v63  }
0xc1: {  	v6 =	vand.u32 $0xFFFFF, v59;
	[tilespmem:$0xBC0] =	vst v4  }
0xc2: {  	v7 =	vshrl.u32 v59, $0x14;
	[tilespmem:$0x7D0] =	vst v6  }
0xc3: {  	v8 =	vand.u32 $0xFFFFF, v62;
	[tilespmem:$0xBD0] =	vst v7  }
0xc4: {  	v9 =	vshrl.u32 v62, $0x14;
	[tilespmem:$0x7E0] =	vst v8  }
0xc5: {  	s8 =	sand.u32 $0x7C00, s7;
	v10 =	vand.u32 $0xFFFFF, v5;
	[tilespmem:$0xBE0] =	vst v9  }
0xc6: {  	s8 =	sor.u32 s5, s8;
	v11 =	vshrl.u32 v5, $0x14;
	[tilespmem:$0x7F0] =	vst v10  }
0xc7: {  	s8 =	sshrl.u32 s8, $0x3;
	[tilespmem:$0xBF0] =	vst v11  }
0xc8: {  	[tilespmem:s30], [sflag:$0x2] =	stream.indirect.gather [spmem:s2], $0x1, s29, s14, $0xb8;
	[tilespmem:$0xA400] =	vst v63  }
0xc9: {  	s8 =	sadd.s32 s4, s8  }
0xca: {  	[tilespmem:s3], [sflag:$0x1] =	stream.linear.gather [hbm4b:s8+s3], $0x400, $0x38;
	[tilespmem:$0xA400] =	vst v63  }
0xcb: {  	_ =	swait.ge [sflag:s31], $0x400  }
0xcc: {  	[sflag:s31] =	ssyncset.done $0x0  }
0xcd: {  	[sflag:s31] =	ssyncadd.s32 $0xFFFFFC00  }
0xce: {  	v1 =	vld [tilespmem:$0xC00]  }
0xcf: {  	v3 =	vld [tilespmem:$0x800]  }
0xd0: {  	v7 =	vld [tilespmem:$0xC10]  }
0xd1: {  	v8 =	vld [tilespmem:$0x810]  }
0xd2: {  	v11 =	vld [tilespmem:$0xC20]  }
0xd3: {  	v12 =	vld [tilespmem:$0x820]  }
0xd4: {  	v13 =	vld [tilespmem:$0xC30]  }
0xd5: {  	v14 =	vld [tilespmem:$0x830]  }
0xd6: {  	v15 =	vld [tilespmem:$0xC40]  }
0xd7: {  	v16 =	vld [tilespmem:$0x840]  }
0xd8: {  	v17 =	vld [tilespmem:$0xC50]  }
0xd9: {  	v18 =	vld [tilespmem:$0x850]  }
0xda: {  	v19 =	vld [tilespmem:$0xC60]  }
0xdb: {  	v20 =	vld [tilespmem:$0x860]  }
0xdc: {  	v21 =	vld [tilespmem:$0xC70]  }
0xdd: {  	v22 =	vld [tilespmem:$0x870]  }
0xde: {  	v23 =	vld [tilespmem:$0xC80]  }
0xdf: {  	v24 =	vld [tilespmem:$0x880]  }
0xe0: {  	v25 =	vld [tilespmem:$0xC90]  }
0xe1: {  	v26 =	vld [tilespmem:$0x890]  }
0xe2: {  	v27 =	vld [tilespmem:$0xCA0]  }
0xe3: {  	v28 =	vld [tilespmem:$0x8A0]  }
0xe4: {  	v29 =	vld [tilespmem:$0xCB0]  }
0xe5: {  	v30 =	vld [tilespmem:$0x8B0]  }
0xe6: {  	v31 =	vld [tilespmem:$0xCC0]  }
0xe7: {  	v32 =	vld [tilespmem:$0x8C0]  }
0xe8: {  	v33 =	vld [tilespmem:$0xCD0]  }
0xe9: {  	v34 =	vld [tilespmem:$0x8D0]  }
0xea: {  	v35 =	vld [tilespmem:$0xCE0]  }
0xeb: {  	v36 =	vld [tilespmem:$0x8E0]  }
0xec: {  	v37 =	vld [tilespmem:$0xCF0]  }
0xed: {  	v38 =	vld [tilespmem:$0x8F0]  }
0xee: {  	v39 =	vld [tilespmem:$0xD00]  }
0xef: {  	v40 =	vld [tilespmem:$0x900]  }
0xf0: {  	v41 =	vld [tilespmem:$0xD10]  }
0xf1: {  	v42 =	vld [tilespmem:$0x910]  }
0xf2: {  	v43 =	vld [tilespmem:$0xD20]  }
0xf3: {  	v44 =	vld [tilespmem:$0x920]  }
0xf4: {  	v45 =	vld [tilespmem:$0xD30]  }
0xf5: {  	v46 =	vld [tilespmem:$0x930]  }
0xf6: {  	v47 =	vld [tilespmem:$0xD40]  }
0xf7: {  	v48 =	vld [tilespmem:$0x940]  }
0xf8: {  	v49 =	vld [tilespmem:$0xD50]  }
0xf9: {  	v50 =	vld [tilespmem:$0x950]  }
0xfa: {  	v51 =	vld [tilespmem:$0xD60]  }
0xfb: {  	v52 =	vld [tilespmem:$0x960]  }
0xfc: {  	v53 =	vld [tilespmem:$0xD70]  }
0xfd: {  	v54 =	vld [tilespmem:$0x970]  }
0xfe: {  	v55 =	vld [tilespmem:$0xD80]  }
0xff: {  	v56 =	vld [tilespmem:$0x980]  }
0x100: {  	v57 =	vld [tilespmem:$0xD90]  }
0x101: {  	v58 =	vld [tilespmem:$0x990]  }
0x102: {  	v59 =	vld [tilespmem:$0xDA0]  }
0x103: {  	v60 =	vld [tilespmem:$0x9A0]  }
0x104: {  	v61 =	vld [tilespmem:$0xDB0]  }
0x105: {  	v62 =	vld [tilespmem:$0x9B0]  }
0x106: {  	v63 =	vld [tilespmem:$0xDC0]  }
0x107: {  	v0 =	vld [tilespmem:$0x9C0]  }
0x108: {  	v4 =	vld [tilespmem:$0xDD0]  }
0x109: {  	v9 =	vld [tilespmem:$0xDF0]  }
0x10a: {  	v2 =	vld [tilespmem:$0x9D0]  }
0x10b: {  	v6 =	vld [tilespmem:$0xDE0]  }
0x10c: {  	v5 =	vld [tilespmem:$0x9E0]  }
0x10d: {  	v10 =	vld [tilespmem:$0x9F0]  }
0x10e: {  	[tilespmem:$0x1FFA0] =	vst v9;
	v9 =	vld [tilespmem:$0xE00]  }
0x10f: {  	v1 =	vshrl.u32 v1, v3;
	v3 =	vld [tilespmem:$0xA20]  }
0x110: {  	v16 =	vshrl.u32 v15, v16;
	v15 =	vld [tilespmem:$0xA50]  }
0x111: {  	v18 =	vshrl.u32 v17, v18;
	v17 =	vld [tilespmem:$0xA60]  }
0x112: {  	v2 =	vshrl.u32 v4, v2;
	v4 =	vld [tilespmem:$0xF10]  }
0x113: {  	v7 =	vshrl.u32 v7, v8;
	v19 =	vshrl.u32 v19, v20;
	v8 =	vand.u32 $0x1, v1;
	v1 =	vld [tilespmem:$0xE30]  }
0x114: {  	v21 =	vshrl.u32 v21, v22;
	v20 =	vand.u32 $0x1, v19;
	v19 =	vld [tilespmem:$0xA70]  }
0x115: {  	v23 =	vshrl.u32 v23, v24;
	v22 =	vand.u32 $0x1, v21;
	v21 =	vld [tilespmem:$0xA80]  }
0x116: {  	v25 =	vshrl.u32 v25, v26;
	v24 =	vand.u32 $0x1, v23;
	v23 =	vld [tilespmem:$0xA90];
	[tilespmem:$0x1000] =	vst v8  }
0x117: {  	v27 =	vshrl.u32 v27, v28;
	v26 =	vand.u32 $0x1, v25;
	v25 =	vld [tilespmem:$0xAA0];
	[tilespmem:$0x1060] =	vst v20  }
0x118: {  	v29 =	vshrl.u32 v29, v30;
	v28 =	vand.u32 $0x1, v27;
	v27 =	vld [tilespmem:$0xAB0];
	[tilespmem:$0x1070] =	vst v22  }
0x119: {  	v30 =	vand.u32 $0x1, v29;
	v29 =	vshrl.u32 v41, v42;
	v41 =	vshrl.u32 v53, v54;
	v54 =	vld [tilespmem:$0x1FFA0];
	[tilespmem:$0x1080] =	vst v24  }
0x11a: {  	v8 =	vshrl.u32 v11, v12;
	v12 =	vand.u32 $0x1, v7;
	v7 =	vld [tilespmem:$0xA30];
	[tilespmem:$0x1090] =	vst v26  }
0x11b: {  	v31 =	vshrl.u32 v31, v32;
	v11 =	vshrl.u32 v13, v14;
	v13 =	vld [tilespmem:$0xA40];
	[tilespmem:$0x10A0] =	vst v28  }
0x11c: {  	v33 =	vshrl.u32 v33, v34;
	v32 =	vand.u32 $0x1, v31;
	v14 =	vld [tilespmem:$0xE50];
	[tilespmem:$0x10B0] =	vst v30  }
0x11d: {  	v35 =	vshrl.u32 v35, v36;
	v34 =	vand.u32 $0x1, v33;
	v20 =	vld [tilespmem:$0xE80];
	[tilespmem:$0x10C0] =	vst v32  }
0x11e: {  	v37 =	vshrl.u32 v37, v38;
	v36 =	vand.u32 $0x1, v35;
	v22 =	vld [tilespmem:$0xE90];
	[tilespmem:$0x10D0] =	vst v34  }
0x11f: {  	v0 =	vshrl.u32 v63, v0;
	v38 =	vand.u32 $0x1, v37;
	v24 =	vld [tilespmem:$0xEA0];
	[tilespmem:$0x10E0] =	vst v36  }
0x120: {  	v0 =	vand.u32 $0x1, v0;
	[tilespmem:$0x10F0] =	vst v38;
	v26 =	vld [tilespmem:$0xEB0]  }
0x121: {  	v31 =	vshrl.u32 v43, v44;
	v30 =	vand.u32 $0x1, v29;
	v29 =	vld [tilespmem:$0xAC0];
	[tilespmem:$0x11C0] =	vst v0  }
0x122: {  	v33 =	vshrl.u32 v45, v46;
	v32 =	vand.u32 $0x1, v31;
	v31 =	vld [tilespmem:$0xAD0];
	[tilespmem:$0x1010] =	vst v12  }
0x123: {  	v35 =	vshrl.u32 v47, v48;
	v34 =	vand.u32 $0x1, v33;
	v33 =	vld [tilespmem:$0xAE0];
	[tilespmem:$0x1110] =	vst v30  }
0x124: {  	v45 =	vshrl.u32 v57, v58;
	v36 =	vand.u32 $0x1, v35;
	v35 =	vld [tilespmem:$0xAF0];
	[tilespmem:$0x1120] =	vst v32  }
0x125: {  	v37 =	vshrl.u32 v49, v50;
	v46 =	vand.u32 $0x1, v45;
	v45 =	vld [tilespmem:$0xB60];
	[tilespmem:$0x1130] =	vst v34  }
0x126: {  	v38 =	vand.u32 $0x1, v37;
	v12 =	vand.u32 $0x1, v8;
	v8 =	vld [tilespmem:$0xE40];
	[tilespmem:$0x1140] =	vst v36  }
0x127: {  	v42 =	vand.u32 $0x1, v41;
	v30 =	vld [tilespmem:$0xED0];
	[tilespmem:$0x1150] =	vst v38  }
0x128: {  	v43 =	vshrl.u32 v55, v56;
	v32 =	vld [tilespmem:$0xEE0];
	[tilespmem:$0x1170] =	vst v42  }
0x129: {  	v44 =	vand.u32 $0x1, v43;
	[tilespmem:$0x1FFB0] =	vst v9;
	v9 =	vld [tilespmem:$0xA00]  }
0x12a: {  	v49 =	vshrl.u32 v61, v62;
	v34 =	vld [tilespmem:$0xEF0];
	[tilespmem:$0x1180] =	vst v44  }
0x12b: {  	v50 =	vand.u32 $0x1, v49;
	[tilespmem:$0x1190] =	vst v46;
	v36 =	vld [tilespmem:$0xF00]  }
0x12c: {  	[tilespmem:$0x11B0] =	vst v50;
	v50 =	vld [tilespmem:$0xB70]  }
0x12d: {  	[tilespmem:$0x1020] =	vst v12;
	v12 =	vand.u32 $0x1, v16;
	v16 =	vld [tilespmem:$0xE60]  }
0x12e: {  	v11 =	vand.u32 $0x1, v11;
	[tilespmem:$0x1FFC0] =	vst v9;
	v9 =	vld [tilespmem:$0xE10]  }
0x12f: {  	v47 =	vshrl.u32 v59, v60;
	[tilespmem:$0x1030] =	vst v11;
	v11 =	vand.u32 $0x1, v18;
	v18 =	vld [tilespmem:$0xE70]  }
0x130: {  	v48 =	vand.u32 $0x1, v47;
	[tilespmem:$0x1040] =	vst v12;
	v12 =	vld [tilespmem:$0xB00]  }
0x131: {  	[tilespmem:$0x11A0] =	vst v48;
	v38 =	vshrl.u32 v14, v15;
	v15 =	vld [tilespmem:$0xF70]  }
0x132: {  	[tilespmem:$0x1050] =	vst v11;
	v1 =	vshrl.u32 v1, v7;
	v13 =	vshrl.u32 v8, v13;
	v8 =	vld [tilespmem:$0xF50]  }
0x133: {  	v44 =	vshrl.u32 v20, v21;
	v11 =	vand.u32 $0x1, v1;
	[tilespmem:$0x1FFD0] =	vst v9;
	v9 =	vld [tilespmem:$0xA10]  }
0x134: {  	v47 =	vshrl.u32 v22, v23;
	v46 =	vand.u32 $0x1, v44;
	[tilespmem:$0x1230] =	vst v11;
	v11 =	vld [tilespmem:$0xB50]  }
0x135: {  	v48 =	vand.u32 $0x1, v47;
	v37 =	vand.u32 $0x1, v13;
	v13 =	vld [tilespmem:$0xF60];
	[tilespmem:$0x1280] =	vst v46  }
0x136: {  	v56 =	vld [tilespmem:$0x1FFB0];
	[tilespmem:$0x1290] =	vst v48  }
0x137: {  	v7 =	vld [tilespmem:$0xB40];
	v42 =	vshrl.u32 v18, v19;
	[tilespmem:$0x1240] =	vst v37  }
0x138: {  	v43 =	vand.u32 $0x1, v42;
	v48 =	vshrl.u32 v15, v50;
	[tilespmem:$0x1FFE0] =	vst v9;
	v9 =	vld [tilespmem:$0xE20]  }
0x139: {  	v49 =	vshrl.u32 v24, v25;
	v25 =	vld [tilespmem:$0xFA0];
	[tilespmem:$0x1270] =	vst v43;
	v50 =	vand.u32 $0x1, v48;
	v42 =	vshrl.u32 v8, v11  }
0x13a: {  	v24 =	vshrl.u32 v34, v35;
	v34 =	vld [tilespmem:$0xBB0];
	v45 =	vshrl.u32 v13, v45;
	[tilespmem:$0x1370] =	vst v50;
	v44 =	vand.u32 $0x1, v42  }
0x13b: {  	v46 =	vld [tilespmem:$0xBD0];
	v47 =	vand.u32 $0x1, v45;
	[tilespmem:$0x1350] =	vst v44  }
0x13c: {  	v37 =	vld [tilespmem:$0xFC0];
	[tilespmem:$0x1360] =	vst v47  }
0x13d: {  	v57 =	vld [tilespmem:$0x1FFC0];
	[tilespmem:$0x1FFF0] =	vst v9;
	v9 =	vshrl.u32 v39, v40;
	v39 =	vshrl.u32 v51, v52;
	v51 =	vand.u32 $0x1, v2  }
0x13e: {  	v43 =	vld [tilespmem:$0xFD0];
	v28 =	vand.u32 $0x1, v9;
	[tilespmem:$0x11D0] =	vst v51  }
0x13f: {  	v59 =	vld [tilespmem:$0x1FFD0];
	v52 =	vshrl.u32 v6, v5;
	v40 =	vand.u32 $0x1, v39;
	[tilespmem:$0x1100] =	vst v28  }
0x140: {  	v60 =	vld [tilespmem:$0x1FFE0];
	v2 =	vshrl.u32 v54, v10;
	v53 =	vand.u32 $0x1, v52;
	[tilespmem:$0x1160] =	vst v40  }
0x141: {  	v5 =	vld [tilespmem:$0xB10];
	v55 =	vand.u32 $0x1, v2;
	[tilespmem:$0x11E0] =	vst v53  }
0x142: {  	v6 =	vld [tilespmem:$0xF20];
	v39 =	vand.u32 $0x1, v38;
	[tilespmem:$0x11F0] =	vst v55  }
0x143: {  	v10 =	vld [tilespmem:$0xF30];
	v51 =	vand.u32 $0x1, v49;
	[tilespmem:$0x1250] =	vst v39  }
0x144: {  	v2 =	vshrl.u32 v56, v57;
	v9 =	vld [tilespmem:$0xB20];
	v52 =	vshrl.u32 v26, v27;
	v26 =	vand.u32 $0x1, v24;
	[tilespmem:$0x12A0] =	vst v51  }
0x145: {  	v62 =	vld [tilespmem:$0x1FFF0];
	v58 =	vand.u32 $0x1, v2;
	[tilespmem:$0x12F0] =	vst v26  }
0x146: {  	v56 =	vld [tilespmem:$0xB80];
	v2 =	vshrl.u32 v59, v60;
	v54 =	vand.u32 $0x1, v52;
	[tilespmem:$0x1200] =	vst v58  }
0x147: {  	v28 =	vld [tilespmem:$0xEC0];
	v40 =	vshrl.u32 v16, v17;
	v61 =	vand.u32 $0x1, v2;
	[tilespmem:$0x12B0] =	vst v54  }
0x148: {  	v49 =	vld [tilespmem:$0xFE0];
	v41 =	vand.u32 $0x1, v40;
	v58 =	vshrl.u32 v30, v31;
	[tilespmem:$0x1210] =	vst v61  }
0x149: {  	v53 =	vld [tilespmem:$0xF80];
	[tilespmem:$0x1260] =	vst v41;
	v60 =	vand.u32 $0x1, v58;
	v30 =	vshrl.u32 v4, v5  }
0x14a: {  	v59 =	vld [tilespmem:$0xF90];
	v61 =	vshrl.u32 v32, v33;
	[tilespmem:$0x12D0] =	vst v60;
	v2 =	vshrl.u32 v62, v3;
	v32 =	vand.u32 $0x1, v30  }
0x14b: {  	v27 =	vshrl.u32 v36, v12;
	v3 =	vld [tilespmem:$0xB30];
	v63 =	vand.u32 $0x1, v2;
	[tilespmem:$0x1310] =	vst v32  }
0x14c: {  	v62 =	vld [tilespmem:$0xB90];
	v33 =	vshrl.u32 v6, v9;
	v55 =	vshrl.u32 v28, v29;
	v29 =	vand.u32 $0x1, v27;
	[tilespmem:$0x1220] =	vst v63  }
0x14d: {  	v31 =	vld [tilespmem:$0xFB0];
	v35 =	vand.u32 $0x1, v33;
	[tilespmem:$0x1300] =	vst v29  }
0x14e: {  	v2 =	vld [tilespmem:$0xF40];
	v57 =	vand.u32 $0x1, v55;
	[tilespmem:$0x1320] =	vst v35  }
0x14f: {  	v28 =	vld [tilespmem:$0xBA0];
	v51 =	vshrl.u32 v53, v56;
	v63 =	vand.u32 $0x1, v61;
	[tilespmem:$0x12C0] =	vst v57  }
0x150: {  	v40 =	vld [tilespmem:$0xBC0];
	v53 =	vand.u32 $0x1, v51;
	[tilespmem:$0x12E0] =	vst v63;
	v36 =	vshrl.u32 v10, v3  }
0x151: {  	v58 =	vld [tilespmem:$0xBF0];
	[tilespmem:$0x1380] =	vst v53;
	v54 =	vshrl.u32 v59, v62;
	v38 =	vand.u32 $0x1, v36  }
0x152: {  	v55 =	vld [tilespmem:$0xFF0];
	v59 =	vshrl.u32 v31, v34;
	v56 =	vand.u32 $0x1, v54;
	[tilespmem:$0x1330] =	vst v38  }
0x153: {  	v52 =	vld [tilespmem:$0xBE0];
	v39 =	vshrl.u32 v2, v7;
	v0 =	vand.u32 $0x1, v59;
	[tilespmem:$0x1390] =	vst v56  }
0x154: {  	v57 =	vshrl.u32 v25, v28;
	v41 =	vand.u32 $0x1, v39;
	[tilespmem:$0x13B0] =	vst v0  }
0x155: {  	v61 =	vshrl.u32 v43, v46;
	v1 =	vand.u32 $0x1, v57;
	[tilespmem:$0x1340] =	vst v41  }
0x156: {  	v60 =	vshrl.u32 v37, v40;
	v0 =	vand.u32 $0x1, v61;
	[tilespmem:$0x13A0] =	vst v1  }
0x157: {  	v63 =	vshrl.u32 v55, v58;
	v1 =	vand.u32 $0x1, v60;
	[tilespmem:$0x13D0] =	vst v0  }
0x158: {  	v62 =	vshrl.u32 v49, v52;
	v0 =	vand.u32 $0x1, v63;
	[tilespmem:$0x13C0] =	vst v1  }
0x159: {  	p0 =	sne.s32 s7, $0x8000;
	v1 =	vand.u32 $0x1, v62;
	[tilespmem:$0x13F0] =	vst v0  }
.Ltmp0:
0x15a: {  	[tilespmem:$0x13E0] =	vst v1;
	(pc) =	sbr.rel @p0 .LBB2_2-.Ltmp0, $4  }
0x15b: {  	[hbm4b:s10+s3] =	stream.linear.scatter [tilespmem:s0], [sflag:$0x3], $0x400, $0x38;
	[tilespmem:$0xA400] =	vst v63  }
0x15c: {  	_ =	swait.ge [sflag:s12], $0x400  }
0x15d: {  	[sflag:s12] =	ssyncset.done $0x0  }
0x15e: {  	s7 =	sadd.s32 $0x400, s7;
	s10 =	sadd.s32 $0x80, s10;
	[sflag:s12] =	ssyncadd.s32 $0xFFFFFC00  }
0x15f: {  	s1 =	sadd.s32 $0x1, s1  }
0x160: {  	p0 =	sne.s32 s1, s9  }
.Ltmp1:
0x161: {  	_ = 	snop;
	(pc) =	sbr.rel @p0 .LBB2_1-.Ltmp1, $4  }
0x162: {  	_ = 	snop  }
0x163: {  	_ =	swait.ge [sflag:s13], $0x400  }
0x164: {  	[sflag:s13] =	ssyncset.done $0x0  }
0x165: {  	[sflag:s13] =	ssyncadd.s32 $0xFFFFFC00  }
0x166: {  	_ =	sfence.sel $0x180000  }
0x167: {  	[bflag:$0x0] =	sbarrier.arrive $0xFFFF  }
0x168: {  	_ =	strace $0x90000047  }
0x169: {  	s0 =	stileid.u32;
	[bflag:$0x2] =	sbarrier.arrive $0xFFFF  }
0x16a: {  	p0 =	sne.s32 s0, $0x0;
	s0 =	rddreg [dreg:$0x2]  }
0x16b: {  	s0 =	sadd.s32 @!p0 $0x100000, s0  }
0x16c: {  	[sflag:s0] =	ssyncadd.tile.s32 @!p0 $0x1;
	_ =	shalt  }
.Lfunc_end2:
_tile_overlayer_lowered:
.L_overlay_start_2:
0x16d: {  	(tag) =	ssettag $0x2  }
0x16e: {  	s0 =	rddreg [dreg:$0x0];
	s2 =	stileid.u32  }
0x16f: {  	s1 =	rddreg [dreg:$0x1];
	p0 =	sne.s32 s2, $0x0  }
0x170: {  	s3 =	rddreg [dreg:$0x2];
	[bflag:$0x3] =	sbarrier.arrive $0xFFFF;
	s2 =	simm.s32 @!p0 $0x1C03  }
0x171: {  	[timem:s3], [sflag:s2] =	dma.local @!p0 [hbm:s0], s1  }
0x172: {  	s0 =	simm.s32 @!p0 $0x3  }
0x173: {  	_ =	swait.ge @!p0 [sflag:s0], s1  }
0x174: {  	s1 =	ssub.s32 @!p0 $0x0, s1;
	[sflag:s0] =	ssyncset.done @!p0 $0x0  }
0x175: {  	[sflag:s0] =	ssyncadd.s32 @!p0 s1  }
0x176: {  	[bflag:$0x3] =	sbarrier.arrive $0xFFFF  }
0x177: {  	_ =	shalt  }

</sc_bundles>
